<compile_context>
chip_gen: v7x
topology: tpu7x:2x2x1
jax: 0.10.2.dev20260603
libtpu: 0.0.44.dev20260713+nightly
codegen_flags: <defaults>
</compile_context>

<pallas_src>
import functools
import numpy as np
import jax
import jax.numpy as jnp
from jax import lax
from jax.experimental import pallas as pl
from jax.experimental.pallas import tpu as pltpu
from jax.experimental.pallas import tpu_sc as plsc

H = W = 48
C = 96
HW = H * W
HALF = 6
PAD = HALF * W
MAXC = 16
GR = 8
GS = GR * W
GB = (GR + 2 * HALF) * W
NG = H // GR
SBC = 1024
APR = 32
KWIN = (2 * HALF + 1) ** 2
NW = 32
PPW = HW // NW
NVK = 11
HI = lax.Precision.HIGHEST
NEG = -1e9


def _resize_mat(in_size, out_size):
    inv = in_size / out_size
    ks = max(inv, 1.0)
    sample_f = (np.arange(out_size) + 0.5) * inv - 0.5
    t = np.abs(sample_f[None, :] - np.arange(in_size)[:, None]) / ks
    w = np.maximum(0.0, 1.0 - t)
    w = w / np.sum(w, axis=0, keepdims=True)
    return w.T.astype(np.float32)


_D_MAT = _resize_mat(H, H // 2)
_U_MAT = _resize_mat(H // 2, H)

_M_W = (_U_MAT.astype(np.float64) @ _D_MAT.astype(np.float64))
_DBAND = 3


def _shift_coefs():
    cf = np.zeros((C * W, 2 * _DBAND + 1), np.float32)
    for wp in range(W):
        for j, d in enumerate(range(-_DBAND, _DBAND + 1)):
            if 0 <= wp + d < W:
                cf[wp::W, j] = np.float32(_M_W[wp, wp + d])
    return cf


_CF = _shift_coefs()



def _tc1_body(xpad2_ref, xt2_ref, xt_ref, d_ref, u_ref, cf_ref,
              s_ref, kct_ref, pf_ref):
    f32 = jnp.float32
    dmat = d_ref[...]
    umat = u_ref[...]

    xt = xt_ref[...]
    p1 = lax.dot_general(xt, dmat, (((1,), (1,)), ((), ())),
                         preferred_element_type=f32, precision=HI)
    p2 = lax.dot_general(p1, umat, (((1,), (1,)), ((), ())),
                         preferred_element_type=f32, precision=HI)
    p2p = jnp.pad(p2, ((_DBAND, _DBAND), (0, 0)))
    cf = cf_ref[...]
    up = cf[:, 0:1] * lax.slice(p2p, (0, 0), (C * W, H))
    for j in range(1, 2 * _DBAND + 1):
        up = up + cf[:, j:j + 1] * lax.slice(p2p, (j, 0), (j + C * W, H))
    dabs = jnp.abs(xt - up)
    for rows in (2304, 1152, 576, 288, 144):
        dabs = lax.slice(dabs, (0, 0), (rows, H)) + \
            lax.slice(dabs, (rows, 0), (2 * rows, H))
    dft = (lax.slice(dabs, (0, 0), (W, H)) +
           lax.slice(dabs, (W, 0), (2 * W, H)) +
           lax.slice(dabs, (2 * W, 0), (3 * W, H)))
    mn = jnp.min(dft)
    mx = jnp.max(dft)
    kct_ref[...] = 1.0 + jnp.round((dft - mn) / (mx - mn + 1e-8) * (MAXC - 1))

    xpad = xpad2_ref[pl.ds(APR, HW + 2 * PAD), :]
    nrm = jnp.sqrt(jnp.sum(xpad * xpad, axis=1, keepdims=True))
    pf_ref[...] = xpad / jnp.maximum(nrm, 1e-12)
    xt2 = xt2_ref[...]
    nrmt = jnp.maximum(jnp.sqrt(jnp.sum(xt2 * xt2, axis=0, keepdims=True)),
                       1e-12)

    ss = lax.broadcasted_iota(jnp.int32, (GS, GB), 0)
    jj = lax.broadcasted_iota(jnp.int32, (GS, GB), 1)
    gi = ss // W
    px = ss - gi * W
    bj = jj // W
    cx = jj - bj * W
    colmask = jnp.abs(cx - px) <= HALF
    dyrel = bj - gi
    winmask = colmask & (dyrel >= 0) & (dyrel <= 2 * HALF)
    apron = jnp.full((GS, APR), NEG, f32)

    for g in range(NG):
        y0 = g * GR
        rows_pf = pf_ref[pl.ds((y0 + HALF) * W, GS), :]
        band_u = xpad2_ref[pl.ds(y0 * W + APR, GB), :]
        sraw = lax.dot_general(rows_pf, band_u, (((1,), (1,)), ((), ())),
                               preferred_element_type=f32)
        bnrm = lax.slice(nrmt, (0, y0 * W), (1, y0 * W + GB))
        s = sraw / bnrm
        rowvalid = (y0 + bj - HALF >= 0) & (y0 + bj - HALF < H)
        sm = jnp.where(winmask & rowvalid, s, NEG)
        s_ref[pl.ds(y0 * W, GS), :] = jnp.concatenate(
            [apron, sm, apron], axis=1)



def _sc_body(s_hbm, out_hbm, s_v, o_v, sem):
    i32 = jnp.int32
    wid = lax.axis_index("s") * 2 + lax.axis_index("c")
    pltpu.async_copy(s_hbm.at[pl.ds(wid * PPW, PPW)], s_v, sem).wait()
    lanes = lax.iota(i32, 16)
    offs, valids = [], []
    for v in range(NVK):
        k = lanes + 16 * v
        offs.append((k // 13) * W + (k % 13))
        valids.append(k < KWIN)

    def pix_body(p, carry):
        n = wid * PPW + p
        y = n // W
        i = y % GR
        x = n - y * W
        cb = i * W + x + (APR - HALF)
        prow = jnp.full((16,), p, i32)
        top = jnp.full((16,), NEG, jnp.float32)
        for v in range(NVK):
            idx = jnp.where(valids[v], cb + offs[v], 0)
            vals = plsc.load_gather(s_v, [prow, idx])
            vs = lax.sort(vals)
            top = lax.sort(jnp.maximum(top, lax.rev(vs, (0,))))
        plsc.store_scatter(o_v, [prow, lanes], top)
        return carry

    lax.fori_loop(0, PPW, pix_body, 0)
    pltpu.sync_copy(o_v, out_hbm.at[pl.ds(wid * PPW, PPW)])


def _sc_top16(s_flat):
    mesh = plsc.VectorSubcoreMesh(core_axis_name="c", subcore_axis_name="s",
                                  num_cores=2, num_subcores=16)
    return pl.kernel(
        _sc_body,
        out_type=jax.ShapeDtypeStruct((HW, 16), jnp.float32),
        mesh=mesh,
        compiler_params=pltpu.CompilerParams(needs_layout_passes=False),
        scratch_types=[
            pltpu.VMEM((PPW, SBC), jnp.float32),
            pltpu.VMEM((PPW, 16), jnp.float32),
            pltpu.SemaphoreType.DMA,
        ],
    )(s_flat)



def _tc2_body(xpad2_ref, s_ref, t16_ref, kct_ref, lnw_ref, lnb_ref,
              w1_ref, b1_ref, w2_ref, b2_ref, out_ref):
    f32 = jnp.float32
    kct8 = jnp.concatenate([kct_ref[...]] * GR, axis=0)
    hh48 = lax.broadcasted_iota(jnp.int32, (GS, H), 1)
    gi48 = lax.broadcasted_iota(jnp.int32, (GS, H), 0) // W
    kk16 = lax.broadcasted_iota(jnp.int32, (GS, 16), 1)

    lnw = lnw_ref[...]
    lnb = lnb_ref[...]
    w1 = w1_ref[...]
    b1 = b1_ref[...]
    w2 = w2_ref[...]
    b2 = b2_ref[...]

    for g in range(NG):
        y0 = g * GR
        kc = jnp.sum(jnp.where(hh48 == (y0 + gi48), kct8, 0.0),
                     axis=1, keepdims=True)
        t16 = t16_ref[pl.ds(y0 * W, GS), :]
        kci = lax.convert_element_type(kc, jnp.int32)
        thr = jnp.sum(jnp.where(kk16 == (16 - kci), t16, 0.0),
                      axis=1, keepdims=True)

        sm = s_ref[pl.ds(y0 * W, GS), :]
        w_un = jnp.where(sm >= thr, jnp.exp(sm), 0.0)
        z = jnp.sum(w_un, axis=1, keepdims=True)
        wn = w_un / z

        band_u = xpad2_ref[pl.ds(y0 * W, SBC), :]
        agg = lax.dot_general(wn, band_u, (((1,), (0,)), ((), ())),
                              preferred_element_type=f32, precision=HI)

        xrow_u = xpad2_ref[pl.ds((y0 + HALF) * W + APR, GS), :]
        mu = jnp.mean(xrow_u, axis=1, keepdims=True)
        ctr = xrow_u - mu
        var = jnp.mean(ctr * ctr, axis=1, keepdims=True)
        xln = ctr / jnp.sqrt(var + 1e-5) * lnw + lnb

        enh = agg + xln
        hmid = lax.dot_general(enh, w1, (((1,), (1,)), ((), ())),
                               preferred_element_type=f32) + b1
        hmid = jnp.maximum(hmid, 0.0)
        ffn = lax.dot_general(hmid, w2, (((1,), (1,)), ((), ())),
                              preferred_element_type=f32) + b2
        out_ref[pl.ds(y0 * W, GS), :] = enh + ffn


def kernel(x, ln_w, ln_b, w1, b1, w2, b2):
    xf = x[0].transpose(1, 2, 0).reshape(HW, C)
    xpad2 = jnp.pad(xf, ((PAD + APR, PAD + APR + 32), (0, 0)))
    xpad = jnp.pad(xf, ((PAD, PAD), (0, 0)))
    xt2 = xpad.T
    xt = x[0].transpose(0, 2, 1).reshape(C * W, H)

    s_flat, kct = pl.pallas_call(
        _tc1_body,
        out_shape=(jax.ShapeDtypeStruct((HW, SBC), jnp.float32),
                   jax.ShapeDtypeStruct((W, H), jnp.float32)),
        scratch_shapes=[pltpu.VMEM((HW + 2 * PAD, C), jnp.float32)],
    )(xpad2, xt2, xt, jnp.asarray(_D_MAT), jnp.asarray(_U_MAT),
      jnp.asarray(_CF))

    t16 = _sc_top16(s_flat)

    out = pl.pallas_call(
        _tc2_body,
        out_shape=jax.ShapeDtypeStruct((HW, C), jnp.float32),
    )(xpad2, s_flat, t16, kct, ln_w.reshape(1, C), ln_b.reshape(1, C),
      w1, b1.reshape(1, 2 * C), w2, b2.reshape(1, C))

    return out.reshape(H, W, C).transpose(2, 0, 1)[None]

# --- scband reference (transcript-rebuilt; emitter-appended) ---
"""Pipeline reference for scband-ipglayer-67164698575278 (READ-ONLY COPY).

The authoritative reference and input builder live on the scoring server;
editing this copy changes nothing except your own understanding.
"""

import jax, jax.numpy as jnp
import numpy as np

MIN_CONN = 1
MAX_CONN = 16
RATIO = 0.25


def setup_inputs(seed: int = 0):
    key = jax.random.key(seed)
    ks = jax.random.split(key, 4)
    B, C, H, W = 1, 96, 48, 48
    x = jax.random.normal(ks[0], (B, C, H, W), dtype=jnp.float32)
    ln_w = jnp.ones((C,), jnp.float32)
    ln_b = jnp.zeros((C,), jnp.float32)
    w1 = jax.random.normal(ks[1], (2 * C, C), dtype=jnp.float32) * 0.05
    b1 = jnp.zeros((2 * C,), jnp.float32)
    w2 = jax.random.normal(ks[2], (C, 2 * C), dtype=jnp.float32) * 0.05
    b2 = jnp.zeros((C,), jnp.float32)
    return {"x": x, "ln_w": ln_w, "ln_b": ln_b, "w1": w1, "b1": b1, "w2": w2, "b2": b2}


def _forward(x, ln_w, ln_b, w1, b1, w2, b2):
    B, C, H, W = x.shape
    # ---- DFDetector ----
    x_down = jax.image.resize(x, (B, C, H // 2, W // 2), method="bilinear")
    x_up = jax.image.resize(x_down, (B, C, H, W), method="bilinear")
    df = jnp.abs(x - x_up).sum(axis=1, keepdims=True)
    df_min = df.reshape(B, -1).min(axis=1).reshape(B, 1, 1, 1)
    df_max = df.reshape(B, -1).max(axis=1).reshape(B, 1, 1, 1)
    dfn = (df - df_min) / (df_max - df_min + 1e-8)
    counts = MIN_CONN + jnp.round(dfn * (MAX_CONN - MIN_CONN))
    k_counts = counts.reshape(B, H * W).astype(jnp.int32)

    # ---- local window index construction (static) ----
    shortest = min(H, W)
    win = max(3, int(shortest * RATIO))
    if win % 2 == 0:
        win += 1
    half = win // 2
    yy, xx = np.meshgrid(np.arange(H), np.arange(W), indexing="ij")
    dy, dx = np.meshgrid(np.arange(-half, half + 1), np.arange(-half, half + 1), indexing="ij")
    ny = yy[:, :, None, None] + dy[None, None, :, :]
    nx = xx[:, :, None, None] + dx[None, None, :, :]
    valid_np = (ny >= 0) & (ny < H) & (nx >= 0) & (nx < W)
    nyc = np.clip(ny, 0, H - 1)
    nxc = np.clip(nx, 0, W - 1)
    local_idx = jnp.asarray((nyc * W + nxc).reshape(H * W, win * win), dtype=jnp.int32)
    valid = jnp.asarray(valid_np.reshape(H * W, win * win))

    # ---- graph aggregation (vectorized, faithful to per-pixel loop) ----
    x_flat = x.transpose(0, 2, 3, 1).reshape(B, H * W, C)
    eps = 1e-12
    pix_norm = jnp.maximum(jnp.linalg.norm(x_flat, axis=-1, keepdims=True), eps)
    pf_norm = x_flat / pix_norm
    local_feats = jnp.take(x_flat, local_idx, axis=1)  # [B, HW, K, C]
    local_norm = jnp.maximum(jnp.linalg.norm(local_feats, axis=-1), eps)  # [B, HW, K]
    sim = jnp.einsum("bnc,bnkc->bnk", pf_norm, local_feats) / local_norm
    sim = jnp.where(valid[None, :, :], sim, -1e9)
    top_sim, top_idx = jax.lax.top_k(sim, MAX_CONN)  # [B, HW, MAX_CONN]
    sel = jnp.arange(MAX_CONN)[None, None, :] < k_counts[:, :, None]
    w_un = jnp.where(sel, jnp.exp(top_sim), 0.0)
    w_sum = jnp.sum(w_un, axis=-1, keepdims=True)
    weights = w_un / w_sum
    sel_feats = jnp.take_along_axis(local_feats, top_idx[..., None], axis=2)
    aggregated = jnp.sum(weights[..., None] * sel_feats, axis=2)  # [B, HW, C]
    output = aggregated.reshape(B, H, W, C).transpose(0, 3, 1, 2)

    # ---- LayerNorm over channels per spatial location ----
    xt = x.reshape(B, C, H * W).transpose(0, 2, 1)  # [B, HW, C]
    mu = xt.mean(axis=-1, keepdims=True)
    var = xt.var(axis=-1, keepdims=True)
    xn = (xt - mu) / jnp.sqrt(var + 1e-5)
    xn = xn * ln_w[None, None, :] + ln_b[None, None, :]
    x_norm = xn.transpose(0, 2, 1).reshape(B, C, H, W)

    enhanced = output + x_norm
    h = jnp.einsum("bchw,dc->bdhw", enhanced, w1) + b1[None, :, None, None]
    h = jax.nn.relu(h)
    ffn = jnp.einsum("bdhw,cd->bchw", h, w2) + b2[None, :, None, None]
    return enhanced + ffn


def reference(x, ln_w, ln_b, w1, b1, w2, b2):
    return _forward(x, ln_w, ln_b, w1, b1, w2, b2)

if __name__ == "__main__":
    import jax
    _d = setup_inputs()
    print(jax.jit(kernel)(*tuple(_d.values())))

</pallas_src>

<mosaic_0001>
#map = affine_map<(d0, d1) -> (0, 0)>
module attributes {stable_mosaic.version = 14 : i64} {
  func.func @_sc_body(%arg0: i32, %arg1: i32, %arg2: memref<2304x1024xf32, #tpu.memory_space<hbm>>, %arg3: memref<2304x16xf32, #tpu.memory_space<hbm>>, %arg4: memref<72x1024xf32, #tpu.memory_space<vmem>>, %arg5: memref<72x16xf32, #tpu.memory_space<vmem>>, %arg6: memref<!tpu.dma_semaphore, #tpu.memory_space<semaphore_mem>>) attributes {dimension_semantics = [#tpu.dimension_semantics<core_parallel>, #tpu.dimension_semantics<subcore_parallel>], iteration_bounds = array<i64: 2, 16>, scalar_prefetch = 0 : i64, scratch_operands = 3 : i64, tpu.core_type = #tpu.core_type<sc_vector_subcore>, window_params = [{transform_indices = #map}, {transform_indices = #map}]} {
    %mul3A = arith.constant 2 : i32
    %mul3A_0 = arith.muli %arg1, %mul3A : i32
    %add3A = arith.addi %mul3A_0, %arg0 : i32
    %mul3A_1 = arith.constant 72 : i32
    %mul3A_2 = arith.muli %add3A, %mul3A_1 : i32
    %dma_start3A = arith.constant 0 : i32
    %dma_start3A_3 = tpu.memref_slice %arg2[%mul3A_2, %dma_start3A] : memref<2304x1024xf32, #tpu.memory_space<hbm>> -> memref<72x1024xf32, #tpu.memory_space<hbm>>
    %dma_start3A_4 = arith.constant 0 : i32
    %dma_start3A_5 = tpu.memref_slice %arg2[%mul3A_2, %dma_start3A_4] : memref<2304x1024xf32, #tpu.memory_space<hbm>> -> memref<72x1024xf32, #tpu.memory_space<hbm>>
    tpu.enqueue_dma source(%dma_start3A_5 : memref<72x1024xf32, #tpu.memory_space<hbm>>) target(%arg4 : memref<72x1024xf32, #tpu.memory_space<vmem>>) target_semaphore(%arg6 : memref<!tpu.dma_semaphore, #tpu.memory_space<semaphore_mem>>)
    %dma_wait3A = arith.constant 0 : i32
    %dma_wait3A_6 = tpu.memref_slice %arg2[%mul3A_2, %dma_wait3A] : memref<2304x1024xf32, #tpu.memory_space<hbm>> -> memref<72x1024xf32, #tpu.memory_space<hbm>>
    %dma_wait3A_7 = arith.constant 0 : i32
    %dma_wait3A_8 = tpu.memref_slice %arg2[%mul3A_2, %dma_wait3A_7] : memref<2304x1024xf32, #tpu.memory_space<hbm>> -> memref<72x1024xf32, #tpu.memory_space<hbm>>
    tpu.wait_dma2 semaphore(%arg6 : memref<!tpu.dma_semaphore, #tpu.memory_space<semaphore_mem>>) src(%dma_wait3A_8 : memref<72x1024xf32, #tpu.memory_space<hbm>>) dst(%arg4 : memref<72x1024xf32, #tpu.memory_space<vmem>>)
    %iota3A = tpu.iota {dimensions = array<i32: 0>} : vector<16xi32>
    %add3A_9 = arith.constant 0 : i32
    %add3A_10 = vector.broadcast %add3A_9 : i32 to vector<16xi32>
    %add3A_11 = arith.addi %iota3A, %add3A_10 : vector<16xi32>
    %jit3A = arith.constant 13 : i32
    %div3A = vector.broadcast %jit3A : i32 to vector<16xi32>
    %div3A_12 = arith.divsi %add3A_11, %div3A : vector<16xi32>
    %sign3A = arith.constant 0 : i32
    %sign3A_13 = vector.broadcast %sign3A : i32 to vector<16xi32>
    %sign3A_14 = arith.cmpi sgt, %add3A_11, %sign3A_13 : vector<16xi32>
    %sign3A_15 = arith.extui %sign3A_14 : vector<16xi1> to vector<16xi32>
    %sign3A_16 = arith.constant 0 : i32
    %sign3A_17 = vector.broadcast %sign3A_16 : i32 to vector<16xi32>
    %sign3A_18 = arith.cmpi slt, %add3A_11, %sign3A_17 : vector<16xi32>
    %sign3A_19 = arith.extui %sign3A_18 : vector<16xi1> to vector<16xi32>
    %sign3A_20 = arith.subi %sign3A_15, %sign3A_19 : vector<16xi32>
    %sign3A_21 = arith.constant 0 : i32
    %sign3A_22 = arith.cmpi sgt, %jit3A, %sign3A_21 : i32
    %sign3A_23 = arith.extui %sign3A_22 : i1 to i32
    %sign3A_24 = arith.constant 0 : i32
    %sign3A_25 = arith.cmpi slt, %jit3A, %sign3A_24 : i32
    %sign3A_26 = arith.extui %sign3A_25 : i1 to i32
    %sign3A_27 = arith.subi %sign3A_23, %sign3A_26 : i32
    %ne3A = vector.broadcast %sign3A_27 : i32 to vector<16xi32>
    %ne3A_28 = arith.cmpi ne, %sign3A_20, %ne3A : vector<16xi32>
    %rem3A = vector.broadcast %jit3A : i32 to vector<16xi32>
    %rem3A_29 = arith.remsi %add3A_11, %rem3A : vector<16xi32>
    %ne3A_30 = arith.constant 0 : i32
    %ne3A_31 = vector.broadcast %ne3A_30 : i32 to vector<16xi32>
    %ne3A_32 = arith.cmpi ne, %rem3A_29, %ne3A_31 : vector<16xi32>
    %and3A = arith.andi %ne3A_28, %ne3A_32 : vector<16xi1>
    %sub3A = arith.constant 1 : i32
    %sub3A_33 = vector.broadcast %sub3A : i32 to vector<16xi32>
    %sub3A_34 = arith.subi %div3A_12, %sub3A_33 : vector<16xi32>
    %select_n3A = arith.select %and3A, %sub3A_34, %div3A_12 : vector<16xi1>, vector<16xi32>
    %mul3A_35 = arith.constant 48 : i32
    %mul3A_36 = vector.broadcast %mul3A_35 : i32 to vector<16xi32>
    %mul3A_37 = arith.muli %select_n3A, %mul3A_36 : vector<16xi32>
    %jit3A_38 = arith.constant 13 : i32
    %eq3A = arith.constant 0 : i32
    %eq3A_39 = arith.cmpi eq, %jit3A_38, %eq3A : i32
    %jit3A_40 = arith.constant 1 : i32
    %select_n3A_41 = arith.select %eq3A_39, %jit3A_40, %jit3A_38 : i32
    %rem3A_42 = vector.broadcast %select_n3A_41 : i32 to vector<16xi32>
    %rem3A_43 = arith.remsi %add3A_11, %rem3A_42 : vector<16xi32>
    %ne3A_44 = arith.constant 0 : i32
    %ne3A_45 = vector.broadcast %ne3A_44 : i32 to vector<16xi32>
    %ne3A_46 = arith.cmpi ne, %rem3A_43, %ne3A_45 : vector<16xi32>
    %lt3A = arith.constant 0 : i32
    %lt3A_47 = vector.broadcast %lt3A : i32 to vector<16xi32>
    %lt3A_48 = arith.cmpi slt, %rem3A_43, %lt3A_47 : vector<16xi32>
    %lt3A_49 = arith.constant 0 : i32
    %lt3A_50 = arith.cmpi slt, %select_n3A_41, %lt3A_49 : i32
    %ne3A_51 = vector.broadcast %lt3A_50 : i1 to vector<16xi1>
    %ne3A_52 = vector.broadcast %ne3A_51 : vector<16xi1> to vector<16xi1>
    %ne3A_53 = arith.xori %lt3A_48, %ne3A_52 : vector<16xi1>
    %and3A_54 = arith.andi %ne3A_53, %ne3A_46 : vector<16xi1>
    %add3A_55 = vector.broadcast %select_n3A_41 : i32 to vector<16xi32>
    %add3A_56 = arith.addi %rem3A_43, %add3A_55 : vector<16xi32>
    %select_n3A_57 = arith.select %and3A_54, %add3A_56, %rem3A_43 : vector<16xi1>, vector<16xi32>
    %add3A_58 = arith.addi %mul3A_37, %select_n3A_57 : vector<16xi32>
    %lt3A_59 = arith.constant 169 : i32
    %lt3A_60 = vector.broadcast %lt3A_59 : i32 to vector<16xi32>
    %lt3A_61 = arith.cmpi slt, %add3A_11, %lt3A_60 : vector<16xi32>
    %add3A_62 = arith.constant 16 : i32
    %add3A_63 = vector.broadcast %add3A_62 : i32 to vector<16xi32>
    %add3A_64 = arith.addi %iota3A, %add3A_63 : vector<16xi32>
    %jit3A_65 = arith.constant 13 : i32
    %div3A_66 = vector.broadcast %jit3A_65 : i32 to vector<16xi32>
    %div3A_67 = arith.divsi %add3A_64, %div3A_66 : vector<16xi32>
    %sign3A_68 = arith.constant 0 : i32
    %sign3A_69 = vector.broadcast %sign3A_68 : i32 to vector<16xi32>
    %sign3A_70 = arith.cmpi sgt, %add3A_64, %sign3A_69 : vector<16xi32>
    %sign3A_71 = arith.extui %sign3A_70 : vector<16xi1> to vector<16xi32>
    %sign3A_72 = arith.constant 0 : i32
    %sign3A_73 = vector.broadcast %sign3A_72 : i32 to vector<16xi32>
    %sign3A_74 = arith.cmpi slt, %add3A_64, %sign3A_73 : vector<16xi32>
    %sign3A_75 = arith.extui %sign3A_74 : vector<16xi1> to vector<16xi32>
    %sign3A_76 = arith.subi %sign3A_71, %sign3A_75 : vector<16xi32>
    %sign3A_77 = arith.constant 0 : i32
    %sign3A_78 = arith.cmpi sgt, %jit3A_65, %sign3A_77 : i32
    %sign3A_79 = arith.extui %sign3A_78 : i1 to i32
    %sign3A_80 = arith.constant 0 : i32
    %sign3A_81 = arith.cmpi slt, %jit3A_65, %sign3A_80 : i32
    %sign3A_82 = arith.extui %sign3A_81 : i1 to i32
    %sign3A_83 = arith.subi %sign3A_79, %sign3A_82 : i32
    %ne3A_84 = vector.broadcast %sign3A_83 : i32 to vector<16xi32>
    %ne3A_85 = arith.cmpi ne, %sign3A_76, %ne3A_84 : vector<16xi32>
    %rem3A_86 = vector.broadcast %jit3A_65 : i32 to vector<16xi32>
    %rem3A_87 = arith.remsi %add3A_64, %rem3A_86 : vector<16xi32>
    %ne3A_88 = arith.constant 0 : i32
    %ne3A_89 = vector.broadcast %ne3A_88 : i32 to vector<16xi32>
    %ne3A_90 = arith.cmpi ne, %rem3A_87, %ne3A_89 : vector<16xi32>
    %and3A_91 = arith.andi %ne3A_85, %ne3A_90 : vector<16xi1>
    %sub3A_92 = arith.constant 1 : i32
    %sub3A_93 = vector.broadcast %sub3A_92 : i32 to vector<16xi32>
    %sub3A_94 = arith.subi %div3A_67, %sub3A_93 : vector<16xi32>
    %select_n3A_95 = arith.select %and3A_91, %sub3A_94, %div3A_67 : vector<16xi1>, vector<16xi32>
    %mul3A_96 = arith.constant 48 : i32
    %mul3A_97 = vector.broadcast %mul3A_96 : i32 to vector<16xi32>
    %mul3A_98 = arith.muli %select_n3A_95, %mul3A_97 : vector<16xi32>
    %jit3A_99 = arith.constant 13 : i32
    %eq3A_100 = arith.constant 0 : i32
    %eq3A_101 = arith.cmpi eq, %jit3A_99, %eq3A_100 : i32
    %jit3A_102 = arith.constant 1 : i32
    %select_n3A_103 = arith.select %eq3A_101, %jit3A_102, %jit3A_99 : i32
    %rem3A_104 = vector.broadcast %select_n3A_103 : i32 to vector<16xi32>
    %rem3A_105 = arith.remsi %add3A_64, %rem3A_104 : vector<16xi32>
    %ne3A_106 = arith.constant 0 : i32
    %ne3A_107 = vector.broadcast %ne3A_106 : i32 to vector<16xi32>
    %ne3A_108 = arith.cmpi ne, %rem3A_105, %ne3A_107 : vector<16xi32>
    %lt3A_109 = arith.constant 0 : i32
    %lt3A_110 = vector.broadcast %lt3A_109 : i32 to vector<16xi32>
    %lt3A_111 = arith.cmpi slt, %rem3A_105, %lt3A_110 : vector<16xi32>
    %lt3A_112 = arith.constant 0 : i32
    %lt3A_113 = arith.cmpi slt, %select_n3A_103, %lt3A_112 : i32
    %ne3A_114 = vector.broadcast %lt3A_113 : i1 to vector<16xi1>
    %ne3A_115 = vector.broadcast %ne3A_114 : vector<16xi1> to vector<16xi1>
    %ne3A_116 = arith.xori %lt3A_111, %ne3A_115 : vector<16xi1>
    %and3A_117 = arith.andi %ne3A_116, %ne3A_108 : vector<16xi1>
    %add3A_118 = vector.broadcast %select_n3A_103 : i32 to vector<16xi32>
    %add3A_119 = arith.addi %rem3A_105, %add3A_118 : vector<16xi32>
    %select_n3A_120 = arith.select %and3A_117, %add3A_119, %rem3A_105 : vector<16xi1>, vector<16xi32>
    %add3A_121 = arith.addi %mul3A_98, %select_n3A_120 : vector<16xi32>
    %lt3A_122 = arith.constant 169 : i32
    %lt3A_123 = vector.broadcast %lt3A_122 : i32 to vector<16xi32>
    %lt3A_124 = arith.cmpi slt, %add3A_64, %lt3A_123 : vector<16xi32>
    %add3A_125 = arith.constant 32 : i32
    %add3A_126 = vector.broadcast %add3A_125 : i32 to vector<16xi32>
    %add3A_127 = arith.addi %iota3A, %add3A_126 : vector<16xi32>
    %jit3A_128 = arith.constant 13 : i32
    %div3A_129 = vector.broadcast %jit3A_128 : i32 to vector<16xi32>
    %div3A_130 = arith.divsi %add3A_127, %div3A_129 : vector<16xi32>
    %sign3A_131 = arith.constant 0 : i32
    %sign3A_132 = vector.broadcast %sign3A_131 : i32 to vector<16xi32>
    %sign3A_133 = arith.cmpi sgt, %add3A_127, %sign3A_132 : vector<16xi32>
    %sign3A_134 = arith.extui %sign3A_133 : vector<16xi1> to vector<16xi32>
    %sign3A_135 = arith.constant 0 : i32
    %sign3A_136 = vector.broadcast %sign3A_135 : i32 to vector<16xi32>
    %sign3A_137 = arith.cmpi slt, %add3A_127, %sign3A_136 : vector<16xi32>
    %sign3A_138 = arith.extui %sign3A_137 : vector<16xi1> to vector<16xi32>
    %sign3A_139 = arith.subi %sign3A_134, %sign3A_138 : vector<16xi32>
    %sign3A_140 = arith.constant 0 : i32
    %sign3A_141 = arith.cmpi sgt, %jit3A_128, %sign3A_140 : i32
    %sign3A_142 = arith.extui %sign3A_141 : i1 to i32
    %sign3A_143 = arith.constant 0 : i32
    %sign3A_144 = arith.cmpi slt, %jit3A_128, %sign3A_143 : i32
    %sign3A_145 = arith.extui %sign3A_144 : i1 to i32
    %sign3A_146 = arith.subi %sign3A_142, %sign3A_145 : i32
    %ne3A_147 = vector.broadcast %sign3A_146 : i32 to vector<16xi32>
    %ne3A_148 = arith.cmpi ne, %sign3A_139, %ne3A_147 : vector<16xi32>
    %rem3A_149 = vector.broadcast %jit3A_128 : i32 to vector<16xi32>
    %rem3A_150 = arith.remsi %add3A_127, %rem3A_149 : vector<16xi32>
    %ne3A_151 = arith.constant 0 : i32
    %ne3A_152 = vector.broadcast %ne3A_151 : i32 to vector<16xi32>
    %ne3A_153 = arith.cmpi ne, %rem3A_150, %ne3A_152 : vector<16xi32>
    %and3A_154 = arith.andi %ne3A_148, %ne3A_153 : vector<16xi1>
    %sub3A_155 = arith.constant 1 : i32
    %sub3A_156 = vector.broadcast %sub3A_155 : i32 to vector<16xi32>
    %sub3A_157 = arith.subi %div3A_130, %sub3A_156 : vector<16xi32>
    %select_n3A_158 = arith.select %and3A_154, %sub3A_157, %div3A_130 : vector<16xi1>, vector<16xi32>
    %mul3A_159 = arith.constant 48 : i32
    %mul3A_160 = vector.broadcast %mul3A_159 : i32 to vector<16xi32>
    %mul3A_161 = arith.muli %select_n3A_158, %mul3A_160 : vector<16xi32>
    %jit3A_162 = arith.constant 13 : i32
    %eq3A_163 = arith.constant 0 : i32
    %eq3A_164 = arith.cmpi eq, %jit3A_162, %eq3A_163 : i32
    %jit3A_165 = arith.constant 1 : i32
    %select_n3A_166 = arith.select %eq3A_164, %jit3A_165, %jit3A_162 : i32
    %rem3A_167 = vector.broadcast %select_n3A_166 : i32 to vector<16xi32>
    %rem3A_168 = arith.remsi %add3A_127, %rem3A_167 : vector<16xi32>
    %ne3A_169 = arith.constant 0 : i32
    %ne3A_170 = vector.broadcast %ne3A_169 : i32 to vector<16xi32>
    %ne3A_171 = arith.cmpi ne, %rem3A_168, %ne3A_170 : vector<16xi32>
    %lt3A_172 = arith.constant 0 : i32
    %lt3A_173 = vector.broadcast %lt3A_172 : i32 to vector<16xi32>
    %lt3A_174 = arith.cmpi slt, %rem3A_168, %lt3A_173 : vector<16xi32>
    %lt3A_175 = arith.constant 0 : i32
    %lt3A_176 = arith.cmpi slt, %select_n3A_166, %lt3A_175 : i32
    %ne3A_177 = vector.broadcast %lt3A_176 : i1 to vector<16xi1>
    %ne3A_178 = vector.broadcast %ne3A_177 : vector<16xi1> to vector<16xi1>
    %ne3A_179 = arith.xori %lt3A_174, %ne3A_178 : vector<16xi1>
    %and3A_180 = arith.andi %ne3A_179, %ne3A_171 : vector<16xi1>
    %add3A_181 = vector.broadcast %select_n3A_166 : i32 to vector<16xi32>
    %add3A_182 = arith.addi %rem3A_168, %add3A_181 : vector<16xi32>
    %select_n3A_183 = arith.select %and3A_180, %add3A_182, %rem3A_168 : vector<16xi1>, vector<16xi32>
    %add3A_184 = arith.addi %mul3A_161, %select_n3A_183 : vector<16xi32>
    %lt3A_185 = arith.constant 169 : i32
    %lt3A_186 = vector.broadcast %lt3A_185 : i32 to vector<16xi32>
    %lt3A_187 = arith.cmpi slt, %add3A_127, %lt3A_186 : vector<16xi32>
    %add3A_188 = arith.constant 48 : i32
    %add3A_189 = vector.broadcast %add3A_188 : i32 to vector<16xi32>
    %add3A_190 = arith.addi %iota3A, %add3A_189 : vector<16xi32>
    %jit3A_191 = arith.constant 13 : i32
    %div3A_192 = vector.broadcast %jit3A_191 : i32 to vector<16xi32>
    %div3A_193 = arith.divsi %add3A_190, %div3A_192 : vector<16xi32>
    %sign3A_194 = arith.constant 0 : i32
    %sign3A_195 = vector.broadcast %sign3A_194 : i32 to vector<16xi32>
    %sign3A_196 = arith.cmpi sgt, %add3A_190, %sign3A_195 : vector<16xi32>
    %sign3A_197 = arith.extui %sign3A_196 : vector<16xi1> to vector<16xi32>
    %sign3A_198 = arith.constant 0 : i32
    %sign3A_199 = vector.broadcast %sign3A_198 : i32 to vector<16xi32>
    %sign3A_200 = arith.cmpi slt, %add3A_190, %sign3A_199 : vector<16xi32>
    %sign3A_201 = arith.extui %sign3A_200 : vector<16xi1> to vector<16xi32>
    %sign3A_202 = arith.subi %sign3A_197, %sign3A_201 : vector<16xi32>
    %sign3A_203 = arith.constant 0 : i32
    %sign3A_204 = arith.cmpi sgt, %jit3A_191, %sign3A_203 : i32
    %sign3A_205 = arith.extui %sign3A_204 : i1 to i32
    %sign3A_206 = arith.constant 0 : i32
    %sign3A_207 = arith.cmpi slt, %jit3A_191, %sign3A_206 : i32
    %sign3A_208 = arith.extui %sign3A_207 : i1 to i32
    %sign3A_209 = arith.subi %sign3A_205, %sign3A_208 : i32
    %ne3A_210 = vector.broadcast %sign3A_209 : i32 to vector<16xi32>
    %ne3A_211 = arith.cmpi ne, %sign3A_202, %ne3A_210 : vector<16xi32>
    %rem3A_212 = vector.broadcast %jit3A_191 : i32 to vector<16xi32>
    %rem3A_213 = arith.remsi %add3A_190, %rem3A_212 : vector<16xi32>
    %ne3A_214 = arith.constant 0 : i32
    %ne3A_215 = vector.broadcast %ne3A_214 : i32 to vector<16xi32>
    %ne3A_216 = arith.cmpi ne, %rem3A_213, %ne3A_215 : vector<16xi32>
    %and3A_217 = arith.andi %ne3A_211, %ne3A_216 : vector<16xi1>
    %sub3A_218 = arith.constant 1 : i32
    %sub3A_219 = vector.broadcast %sub3A_218 : i32 to vector<16xi32>
    %sub3A_220 = arith.subi %div3A_193, %sub3A_219 : vector<16xi32>
    %select_n3A_221 = arith.select %and3A_217, %sub3A_220, %div3A_193 : vector<16xi1>, vector<16xi32>
    %mul3A_222 = arith.constant 48 : i32
    %mul3A_223 = vector.broadcast %mul3A_222 : i32 to vector<16xi32>
    %mul3A_224 = arith.muli %select_n3A_221, %mul3A_223 : vector<16xi32>
    %jit3A_225 = arith.constant 13 : i32
    %eq3A_226 = arith.constant 0 : i32
    %eq3A_227 = arith.cmpi eq, %jit3A_225, %eq3A_226 : i32
    %jit3A_228 = arith.constant 1 : i32
    %select_n3A_229 = arith.select %eq3A_227, %jit3A_228, %jit3A_225 : i32
    %rem3A_230 = vector.broadcast %select_n3A_229 : i32 to vector<16xi32>
    %rem3A_231 = arith.remsi %add3A_190, %rem3A_230 : vector<16xi32>
    %ne3A_232 = arith.constant 0 : i32
    %ne3A_233 = vector.broadcast %ne3A_232 : i32 to vector<16xi32>
    %ne3A_234 = arith.cmpi ne, %rem3A_231, %ne3A_233 : vector<16xi32>
    %lt3A_235 = arith.constant 0 : i32
    %lt3A_236 = vector.broadcast %lt3A_235 : i32 to vector<16xi32>
    %lt3A_237 = arith.cmpi slt, %rem3A_231, %lt3A_236 : vector<16xi32>
    %lt3A_238 = arith.constant 0 : i32
    %lt3A_239 = arith.cmpi slt, %select_n3A_229, %lt3A_238 : i32
    %ne3A_240 = vector.broadcast %lt3A_239 : i1 to vector<16xi1>
    %ne3A_241 = vector.broadcast %ne3A_240 : vector<16xi1> to vector<16xi1>
    %ne3A_242 = arith.xori %lt3A_237, %ne3A_241 : vector<16xi1>
    %and3A_243 = arith.andi %ne3A_242, %ne3A_234 : vector<16xi1>
    %add3A_244 = vector.broadcast %select_n3A_229 : i32 to vector<16xi32>
    %add3A_245 = arith.addi %rem3A_231, %add3A_244 : vector<16xi32>
    %select_n3A_246 = arith.select %and3A_243, %add3A_245, %rem3A_231 : vector<16xi1>, vector<16xi32>
    %add3A_247 = arith.addi %mul3A_224, %select_n3A_246 : vector<16xi32>
    %lt3A_248 = arith.constant 169 : i32
    %lt3A_249 = vector.broadcast %lt3A_248 : i32 to vector<16xi32>
    %lt3A_250 = arith.cmpi slt, %add3A_190, %lt3A_249 : vector<16xi32>
    %add3A_251 = arith.constant 64 : i32
    %add3A_252 = vector.broadcast %add3A_251 : i32 to vector<16xi32>
    %add3A_253 = arith.addi %iota3A, %add3A_252 : vector<16xi32>
    %jit3A_254 = arith.constant 13 : i32
    %div3A_255 = vector.broadcast %jit3A_254 : i32 to vector<16xi32>
    %div3A_256 = arith.divsi %add3A_253, %div3A_255 : vector<16xi32>
    %sign3A_257 = arith.constant 0 : i32
    %sign3A_258 = vector.broadcast %sign3A_257 : i32 to vector<16xi32>
    %sign3A_259 = arith.cmpi sgt, %add3A_253, %sign3A_258 : vector<16xi32>
    %sign3A_260 = arith.extui %sign3A_259 : vector<16xi1> to vector<16xi32>
    %sign3A_261 = arith.constant 0 : i32
    %sign3A_262 = vector.broadcast %sign3A_261 : i32 to vector<16xi32>
    %sign3A_263 = arith.cmpi slt, %add3A_253, %sign3A_262 : vector<16xi32>
    %sign3A_264 = arith.extui %sign3A_263 : vector<16xi1> to vector<16xi32>
    %sign3A_265 = arith.subi %sign3A_260, %sign3A_264 : vector<16xi32>
    %sign3A_266 = arith.constant 0 : i32
    %sign3A_267 = arith.cmpi sgt, %jit3A_254, %sign3A_266 : i32
    %sign3A_268 = arith.extui %sign3A_267 : i1 to i32
    %sign3A_269 = arith.constant 0 : i32
    %sign3A_270 = arith.cmpi slt, %jit3A_254, %sign3A_269 : i32
    %sign3A_271 = arith.extui %sign3A_270 : i1 to i32
    %sign3A_272 = arith.subi %sign3A_268, %sign3A_271 : i32
    %ne3A_273 = vector.broadcast %sign3A_272 : i32 to vector<16xi32>
    %ne3A_274 = arith.cmpi ne, %sign3A_265, %ne3A_273 : vector<16xi32>
    %rem3A_275 = vector.broadcast %jit3A_254 : i32 to vector<16xi32>
    %rem3A_276 = arith.remsi %add3A_253, %rem3A_275 : vector<16xi32>
    %ne3A_277 = arith.constant 0 : i32
    %ne3A_278 = vector.broadcast %ne3A_277 : i32 to vector<16xi32>
    %ne3A_279 = arith.cmpi ne, %rem3A_276, %ne3A_278 : vector<16xi32>
    %and3A_280 = arith.andi %ne3A_274, %ne3A_279 : vector<16xi1>
    %sub3A_281 = arith.constant 1 : i32
    %sub3A_282 = vector.broadcast %sub3A_281 : i32 to vector<16xi32>
    %sub3A_283 = arith.subi %div3A_256, %sub3A_282 : vector<16xi32>
    %select_n3A_284 = arith.select %and3A_280, %sub3A_283, %div3A_256 : vector<16xi1>, vector<16xi32>
    %mul3A_285 = arith.constant 48 : i32
    %mul3A_286 = vector.broadcast %mul3A_285 : i32 to vector<16xi32>
    %mul3A_287 = arith.muli %select_n3A_284, %mul3A_286 : vector<16xi32>
    %jit3A_288 = arith.constant 13 : i32
    %eq3A_289 = arith.constant 0 : i32
    %eq3A_290 = arith.cmpi eq, %jit3A_288, %eq3A_289 : i32
    %jit3A_291 = arith.constant 1 : i32
    %select_n3A_292 = arith.select %eq3A_290, %jit3A_291, %jit3A_288 : i32
    %rem3A_293 = vector.broadcast %select_n3A_292 : i32 to vector<16xi32>
    %rem3A_294 = arith.remsi %add3A_253, %rem3A_293 : vector<16xi32>
    %ne3A_295 = arith.constant 0 : i32
    %ne3A_296 = vector.broadcast %ne3A_295 : i32 to vector<16xi32>
    %ne3A_297 = arith.cmpi ne, %rem3A_294, %ne3A_296 : vector<16xi32>
    %lt3A_298 = arith.constant 0 : i32
    %lt3A_299 = vector.broadcast %lt3A_298 : i32 to vector<16xi32>
    %lt3A_300 = arith.cmpi slt, %rem3A_294, %lt3A_299 : vector<16xi32>
    %lt3A_301 = arith.constant 0 : i32
    %lt3A_302 = arith.cmpi slt, %select_n3A_292, %lt3A_301 : i32
    %ne3A_303 = vector.broadcast %lt3A_302 : i1 to vector<16xi1>
    %ne3A_304 = vector.broadcast %ne3A_303 : vector<16xi1> to vector<16xi1>
    %ne3A_305 = arith.xori %lt3A_300, %ne3A_304 : vector<16xi1>
    %and3A_306 = arith.andi %ne3A_305, %ne3A_297 : vector<16xi1>
    %add3A_307 = vector.broadcast %select_n3A_292 : i32 to vector<16xi32>
    %add3A_308 = arith.addi %rem3A_294, %add3A_307 : vector<16xi32>
    %select_n3A_309 = arith.select %and3A_306, %add3A_308, %rem3A_294 : vector<16xi1>, vector<16xi32>
    %add3A_310 = arith.addi %mul3A_287, %select_n3A_309 : vector<16xi32>
    %lt3A_311 = arith.constant 169 : i32
    %lt3A_312 = vector.broadcast %lt3A_311 : i32 to vector<16xi32>
    %lt3A_313 = arith.cmpi slt, %add3A_253, %lt3A_312 : vector<16xi32>
    %add3A_314 = arith.constant 80 : i32
    %add3A_315 = vector.broadcast %add3A_314 : i32 to vector<16xi32>
    %add3A_316 = arith.addi %iota3A, %add3A_315 : vector<16xi32>
    %jit3A_317 = arith.constant 13 : i32
    %div3A_318 = vector.broadcast %jit3A_317 : i32 to vector<16xi32>
    %div3A_319 = arith.divsi %add3A_316, %div3A_318 : vector<16xi32>
    %sign3A_320 = arith.constant 0 : i32
    %sign3A_321 = vector.broadcast %sign3A_320 : i32 to vector<16xi32>
    %sign3A_322 = arith.cmpi sgt, %add3A_316, %sign3A_321 : vector<16xi32>
    %sign3A_323 = arith.extui %sign3A_322 : vector<16xi1> to vector<16xi32>
    %sign3A_324 = arith.constant 0 : i32
    %sign3A_325 = vector.broadcast %sign3A_324 : i32 to vector<16xi32>
    %sign3A_326 = arith.cmpi slt, %add3A_316, %sign3A_325 : vector<16xi32>
    %sign3A_327 = arith.extui %sign3A_326 : vector<16xi1> to vector<16xi32>
    %sign3A_328 = arith.subi %sign3A_323, %sign3A_327 : vector<16xi32>
    %sign3A_329 = arith.constant 0 : i32
    %sign3A_330 = arith.cmpi sgt, %jit3A_317, %sign3A_329 : i32
    %sign3A_331 = arith.extui %sign3A_330 : i1 to i32
    %sign3A_332 = arith.constant 0 : i32
    %sign3A_333 = arith.cmpi slt, %jit3A_317, %sign3A_332 : i32
    %sign3A_334 = arith.extui %sign3A_333 : i1 to i32
    %sign3A_335 = arith.subi %sign3A_331, %sign3A_334 : i32
    %ne3A_336 = vector.broadcast %sign3A_335 : i32 to vector<16xi32>
    %ne3A_337 = arith.cmpi ne, %sign3A_328, %ne3A_336 : vector<16xi32>
    %rem3A_338 = vector.broadcast %jit3A_317 : i32 to vector<16xi32>
    %rem3A_339 = arith.remsi %add3A_316, %rem3A_338 : vector<16xi32>
    %ne3A_340 = arith.constant 0 : i32
    %ne3A_341 = vector.broadcast %ne3A_340 : i32 to vector<16xi32>
    %ne3A_342 = arith.cmpi ne, %rem3A_339, %ne3A_341 : vector<16xi32>
    %and3A_343 = arith.andi %ne3A_337, %ne3A_342 : vector<16xi1>
    %sub3A_344 = arith.constant 1 : i32
    %sub3A_345 = vector.broadcast %sub3A_344 : i32 to vector<16xi32>
    %sub3A_346 = arith.subi %div3A_319, %sub3A_345 : vector<16xi32>
    %select_n3A_347 = arith.select %and3A_343, %sub3A_346, %div3A_319 : vector<16xi1>, vector<16xi32>
    %mul3A_348 = arith.constant 48 : i32
    %mul3A_349 = vector.broadcast %mul3A_348 : i32 to vector<16xi32>
    %mul3A_350 = arith.muli %select_n3A_347, %mul3A_349 : vector<16xi32>
    %jit3A_351 = arith.constant 13 : i32
    %eq3A_352 = arith.constant 0 : i32
    %eq3A_353 = arith.cmpi eq, %jit3A_351, %eq3A_352 : i32
    %jit3A_354 = arith.constant 1 : i32
    %select_n3A_355 = arith.select %eq3A_353, %jit3A_354, %jit3A_351 : i32
    %rem3A_356 = vector.broadcast %select_n3A_355 : i32 to vector<16xi32>
    %rem3A_357 = arith.remsi %add3A_316, %rem3A_356 : vector<16xi32>
    %ne3A_358 = arith.constant 0 : i32
    %ne3A_359 = vector.broadcast %ne3A_358 : i32 to vector<16xi32>
    %ne3A_360 = arith.cmpi ne, %rem3A_357, %ne3A_359 : vector<16xi32>
    %lt3A_361 = arith.constant 0 : i32
    %lt3A_362 = vector.broadcast %lt3A_361 : i32 to vector<16xi32>
    %lt3A_363 = arith.cmpi slt, %rem3A_357, %lt3A_362 : vector<16xi32>
    %lt3A_364 = arith.constant 0 : i32
    %lt3A_365 = arith.cmpi slt, %select_n3A_355, %lt3A_364 : i32
    %ne3A_366 = vector.broadcast %lt3A_365 : i1 to vector<16xi1>
    %ne3A_367 = vector.broadcast %ne3A_366 : vector<16xi1> to vector<16xi1>
    %ne3A_368 = arith.xori %lt3A_363, %ne3A_367 : vector<16xi1>
    %and3A_369 = arith.andi %ne3A_368, %ne3A_360 : vector<16xi1>
    %add3A_370 = vector.broadcast %select_n3A_355 : i32 to vector<16xi32>
    %add3A_371 = arith.addi %rem3A_357, %add3A_370 : vector<16xi32>
    %select_n3A_372 = arith.select %and3A_369, %add3A_371, %rem3A_357 : vector<16xi1>, vector<16xi32>
    %add3A_373 = arith.addi %mul3A_350, %select_n3A_372 : vector<16xi32>
    %lt3A_374 = arith.constant 169 : i32
    %lt3A_375 = vector.broadcast %lt3A_374 : i32 to vector<16xi32>
    %lt3A_376 = arith.cmpi slt, %add3A_316, %lt3A_375 : vector<16xi32>
    %add3A_377 = arith.constant 96 : i32
    %add3A_378 = vector.broadcast %add3A_377 : i32 to vector<16xi32>
    %add3A_379 = arith.addi %iota3A, %add3A_378 : vector<16xi32>
    %jit3A_380 = arith.constant 13 : i32
    %div3A_381 = vector.broadcast %jit3A_380 : i32 to vector<16xi32>
    %div3A_382 = arith.divsi %add3A_379, %div3A_381 : vector<16xi32>
    %sign3A_383 = arith.constant 0 : i32
    %sign3A_384 = vector.broadcast %sign3A_383 : i32 to vector<16xi32>
    %sign3A_385 = arith.cmpi sgt, %add3A_379, %sign3A_384 : vector<16xi32>
    %sign3A_386 = arith.extui %sign3A_385 : vector<16xi1> to vector<16xi32>
    %sign3A_387 = arith.constant 0 : i32
    %sign3A_388 = vector.broadcast %sign3A_387 : i32 to vector<16xi32>
    %sign3A_389 = arith.cmpi slt, %add3A_379, %sign3A_388 : vector<16xi32>
    %sign3A_390 = arith.extui %sign3A_389 : vector<16xi1> to vector<16xi32>
    %sign3A_391 = arith.subi %sign3A_386, %sign3A_390 : vector<16xi32>
    %sign3A_392 = arith.constant 0 : i32
    %sign3A_393 = arith.cmpi sgt, %jit3A_380, %sign3A_392 : i32
    %sign3A_394 = arith.extui %sign3A_393 : i1 to i32
    %sign3A_395 = arith.constant 0 : i32
    %sign3A_396 = arith.cmpi slt, %jit3A_380, %sign3A_395 : i32
    %sign3A_397 = arith.extui %sign3A_396 : i1 to i32
    %sign3A_398 = arith.subi %sign3A_394, %sign3A_397 : i32
    %ne3A_399 = vector.broadcast %sign3A_398 : i32 to vector<16xi32>
    %ne3A_400 = arith.cmpi ne, %sign3A_391, %ne3A_399 : vector<16xi32>
    %rem3A_401 = vector.broadcast %jit3A_380 : i32 to vector<16xi32>
    %rem3A_402 = arith.remsi %add3A_379, %rem3A_401 : vector<16xi32>
    %ne3A_403 = arith.constant 0 : i32
    %ne3A_404 = vector.broadcast %ne3A_403 : i32 to vector<16xi32>
    %ne3A_405 = arith.cmpi ne, %rem3A_402, %ne3A_404 : vector<16xi32>
    %and3A_406 = arith.andi %ne3A_400, %ne3A_405 : vector<16xi1>
    %sub3A_407 = arith.constant 1 : i32
    %sub3A_408 = vector.broadcast %sub3A_407 : i32 to vector<16xi32>
    %sub3A_409 = arith.subi %div3A_382, %sub3A_408 : vector<16xi32>
    %select_n3A_410 = arith.select %and3A_406, %sub3A_409, %div3A_382 : vector<16xi1>, vector<16xi32>
    %mul3A_411 = arith.constant 48 : i32
    %mul3A_412 = vector.broadcast %mul3A_411 : i32 to vector<16xi32>
    %mul3A_413 = arith.muli %select_n3A_410, %mul3A_412 : vector<16xi32>
    %jit3A_414 = arith.constant 13 : i32
    %eq3A_415 = arith.constant 0 : i32
    %eq3A_416 = arith.cmpi eq, %jit3A_414, %eq3A_415 : i32
    %jit3A_417 = arith.constant 1 : i32
    %select_n3A_418 = arith.select %eq3A_416, %jit3A_417, %jit3A_414 : i32
    %rem3A_419 = vector.broadcast %select_n3A_418 : i32 to vector<16xi32>
    %rem3A_420 = arith.remsi %add3A_379, %rem3A_419 : vector<16xi32>
    %ne3A_421 = arith.constant 0 : i32
    %ne3A_422 = vector.broadcast %ne3A_421 : i32 to vector<16xi32>
    %ne3A_423 = arith.cmpi ne, %rem3A_420, %ne3A_422 : vector<16xi32>
    %lt3A_424 = arith.constant 0 : i32
    %lt3A_425 = vector.broadcast %lt3A_424 : i32 to vector<16xi32>
    %lt3A_426 = arith.cmpi slt, %rem3A_420, %lt3A_425 : vector<16xi32>
    %lt3A_427 = arith.constant 0 : i32
    %lt3A_428 = arith.cmpi slt, %select_n3A_418, %lt3A_427 : i32
    %ne3A_429 = vector.broadcast %lt3A_428 : i1 to vector<16xi1>
    %ne3A_430 = vector.broadcast %ne3A_429 : vector<16xi1> to vector<16xi1>
    %ne3A_431 = arith.xori %lt3A_426, %ne3A_430 : vector<16xi1>
    %and3A_432 = arith.andi %ne3A_431, %ne3A_423 : vector<16xi1>
    %add3A_433 = vector.broadcast %select_n3A_418 : i32 to vector<16xi32>
    %add3A_434 = arith.addi %rem3A_420, %add3A_433 : vector<16xi32>
    %select_n3A_435 = arith.select %and3A_432, %add3A_434, %rem3A_420 : vector<16xi1>, vector<16xi32>
    %add3A_436 = arith.addi %mul3A_413, %select_n3A_435 : vector<16xi32>
    %lt3A_437 = arith.constant 169 : i32
    %lt3A_438 = vector.broadcast %lt3A_437 : i32 to vector<16xi32>
    %lt3A_439 = arith.cmpi slt, %add3A_379, %lt3A_438 : vector<16xi32>
    %add3A_440 = arith.constant 112 : i32
    %add3A_441 = vector.broadcast %add3A_440 : i32 to vector<16xi32>
    %add3A_442 = arith.addi %iota3A, %add3A_441 : vector<16xi32>
    %jit3A_443 = arith.constant 13 : i32
    %div3A_444 = vector.broadcast %jit3A_443 : i32 to vector<16xi32>
    %div3A_445 = arith.divsi %add3A_442, %div3A_444 : vector<16xi32>
    %sign3A_446 = arith.constant 0 : i32
    %sign3A_447 = vector.broadcast %sign3A_446 : i32 to vector<16xi32>
    %sign3A_448 = arith.cmpi sgt, %add3A_442, %sign3A_447 : vector<16xi32>
    %sign3A_449 = arith.extui %sign3A_448 : vector<16xi1> to vector<16xi32>
    %sign3A_450 = arith.constant 0 : i32
    %sign3A_451 = vector.broadcast %sign3A_450 : i32 to vector<16xi32>
    %sign3A_452 = arith.cmpi slt, %add3A_442, %sign3A_451 : vector<16xi32>
    %sign3A_453 = arith.extui %sign3A_452 : vector<16xi1> to vector<16xi32>
    %sign3A_454 = arith.subi %sign3A_449, %sign3A_453 : vector<16xi32>
    %sign3A_455 = arith.constant 0 : i32
    %sign3A_456 = arith.cmpi sgt, %jit3A_443, %sign3A_455 : i32
    %sign3A_457 = arith.extui %sign3A_456 : i1 to i32
    %sign3A_458 = arith.constant 0 : i32
    %sign3A_459 = arith.cmpi slt, %jit3A_443, %sign3A_458 : i32
    %sign3A_460 = arith.extui %sign3A_459 : i1 to i32
    %sign3A_461 = arith.subi %sign3A_457, %sign3A_460 : i32
    %ne3A_462 = vector.broadcast %sign3A_461 : i32 to vector<16xi32>
    %ne3A_463 = arith.cmpi ne, %sign3A_454, %ne3A_462 : vector<16xi32>
    %rem3A_464 = vector.broadcast %jit3A_443 : i32 to vector<16xi32>
    %rem3A_465 = arith.remsi %add3A_442, %rem3A_464 : vector<16xi32>
    %ne3A_466 = arith.constant 0 : i32
    %ne3A_467 = vector.broadcast %ne3A_466 : i32 to vector<16xi32>
    %ne3A_468 = arith.cmpi ne, %rem3A_465, %ne3A_467 : vector<16xi32>
    %and3A_469 = arith.andi %ne3A_463, %ne3A_468 : vector<16xi1>
    %sub3A_470 = arith.constant 1 : i32
    %sub3A_471 = vector.broadcast %sub3A_470 : i32 to vector<16xi32>
    %sub3A_472 = arith.subi %div3A_445, %sub3A_471 : vector<16xi32>
    %select_n3A_473 = arith.select %and3A_469, %sub3A_472, %div3A_445 : vector<16xi1>, vector<16xi32>
    %mul3A_474 = arith.constant 48 : i32
    %mul3A_475 = vector.broadcast %mul3A_474 : i32 to vector<16xi32>
    %mul3A_476 = arith.muli %select_n3A_473, %mul3A_475 : vector<16xi32>
    %jit3A_477 = arith.constant 13 : i32
    %eq3A_478 = arith.constant 0 : i32
    %eq3A_479 = arith.cmpi eq, %jit3A_477, %eq3A_478 : i32
    %jit3A_480 = arith.constant 1 : i32
    %select_n3A_481 = arith.select %eq3A_479, %jit3A_480, %jit3A_477 : i32
    %rem3A_482 = vector.broadcast %select_n3A_481 : i32 to vector<16xi32>
    %rem3A_483 = arith.remsi %add3A_442, %rem3A_482 : vector<16xi32>
    %ne3A_484 = arith.constant 0 : i32
    %ne3A_485 = vector.broadcast %ne3A_484 : i32 to vector<16xi32>
    %ne3A_486 = arith.cmpi ne, %rem3A_483, %ne3A_485 : vector<16xi32>
    %lt3A_487 = arith.constant 0 : i32
    %lt3A_488 = vector.broadcast %lt3A_487 : i32 to vector<16xi32>
    %lt3A_489 = arith.cmpi slt, %rem3A_483, %lt3A_488 : vector<16xi32>
    %lt3A_490 = arith.constant 0 : i32
    %lt3A_491 = arith.cmpi slt, %select_n3A_481, %lt3A_490 : i32
    %ne3A_492 = vector.broadcast %lt3A_491 : i1 to vector<16xi1>
    %ne3A_493 = vector.broadcast %ne3A_492 : vector<16xi1> to vector<16xi1>
    %ne3A_494 = arith.xori %lt3A_489, %ne3A_493 : vector<16xi1>
    %and3A_495 = arith.andi %ne3A_494, %ne3A_486 : vector<16xi1>
    %add3A_496 = vector.broadcast %select_n3A_481 : i32 to vector<16xi32>
    %add3A_497 = arith.addi %rem3A_483, %add3A_496 : vector<16xi32>
    %select_n3A_498 = arith.select %and3A_495, %add3A_497, %rem3A_483 : vector<16xi1>, vector<16xi32>
    %add3A_499 = arith.addi %mul3A_476, %select_n3A_498 : vector<16xi32>
    %lt3A_500 = arith.constant 169 : i32
    %lt3A_501 = vector.broadcast %lt3A_500 : i32 to vector<16xi32>
    %lt3A_502 = arith.cmpi slt, %add3A_442, %lt3A_501 : vector<16xi32>
    %add3A_503 = arith.constant 128 : i32
    %add3A_504 = vector.broadcast %add3A_503 : i32 to vector<16xi32>
    %add3A_505 = arith.addi %iota3A, %add3A_504 : vector<16xi32>
    %jit3A_506 = arith.constant 13 : i32
    %div3A_507 = vector.broadcast %jit3A_506 : i32 to vector<16xi32>
    %div3A_508 = arith.divsi %add3A_505, %div3A_507 : vector<16xi32>
    %sign3A_509 = arith.constant 0 : i32
    %sign3A_510 = vector.broadcast %sign3A_509 : i32 to vector<16xi32>
    %sign3A_511 = arith.cmpi sgt, %add3A_505, %sign3A_510 : vector<16xi32>
    %sign3A_512 = arith.extui %sign3A_511 : vector<16xi1> to vector<16xi32>
    %sign3A_513 = arith.constant 0 : i32
    %sign3A_514 = vector.broadcast %sign3A_513 : i32 to vector<16xi32>
    %sign3A_515 = arith.cmpi slt, %add3A_505, %sign3A_514 : vector<16xi32>
    %sign3A_516 = arith.extui %sign3A_515 : vector<16xi1> to vector<16xi32>
    %sign3A_517 = arith.subi %sign3A_512, %sign3A_516 : vector<16xi32>
    %sign3A_518 = arith.constant 0 : i32
    %sign3A_519 = arith.cmpi sgt, %jit3A_506, %sign3A_518 : i32
    %sign3A_520 = arith.extui %sign3A_519 : i1 to i32
    %sign3A_521 = arith.constant 0 : i32
    %sign3A_522 = arith.cmpi slt, %jit3A_506, %sign3A_521 : i32
    %sign3A_523 = arith.extui %sign3A_522 : i1 to i32
    %sign3A_524 = arith.subi %sign3A_520, %sign3A_523 : i32
    %ne3A_525 = vector.broadcast %sign3A_524 : i32 to vector<16xi32>
    %ne3A_526 = arith.cmpi ne, %sign3A_517, %ne3A_525 : vector<16xi32>
    %rem3A_527 = vector.broadcast %jit3A_506 : i32 to vector<16xi32>
    %rem3A_528 = arith.remsi %add3A_505, %rem3A_527 : vector<16xi32>
    %ne3A_529 = arith.constant 0 : i32
    %ne3A_530 = vector.broadcast %ne3A_529 : i32 to vector<16xi32>
    %ne3A_531 = arith.cmpi ne, %rem3A_528, %ne3A_530 : vector<16xi32>
    %and3A_532 = arith.andi %ne3A_526, %ne3A_531 : vector<16xi1>
    %sub3A_533 = arith.constant 1 : i32
    %sub3A_534 = vector.broadcast %sub3A_533 : i32 to vector<16xi32>
    %sub3A_535 = arith.subi %div3A_508, %sub3A_534 : vector<16xi32>
    %select_n3A_536 = arith.select %and3A_532, %sub3A_535, %div3A_508 : vector<16xi1>, vector<16xi32>
    %mul3A_537 = arith.constant 48 : i32
    %mul3A_538 = vector.broadcast %mul3A_537 : i32 to vector<16xi32>
    %mul3A_539 = arith.muli %select_n3A_536, %mul3A_538 : vector<16xi32>
    %jit3A_540 = arith.constant 13 : i32
    %eq3A_541 = arith.constant 0 : i32
    %eq3A_542 = arith.cmpi eq, %jit3A_540, %eq3A_541 : i32
    %jit3A_543 = arith.constant 1 : i32
    %select_n3A_544 = arith.select %eq3A_542, %jit3A_543, %jit3A_540 : i32
    %rem3A_545 = vector.broadcast %select_n3A_544 : i32 to vector<16xi32>
    %rem3A_546 = arith.remsi %add3A_505, %rem3A_545 : vector<16xi32>
    %ne3A_547 = arith.constant 0 : i32
    %ne3A_548 = vector.broadcast %ne3A_547 : i32 to vector<16xi32>
    %ne3A_549 = arith.cmpi ne, %rem3A_546, %ne3A_548 : vector<16xi32>
    %lt3A_550 = arith.constant 0 : i32
    %lt3A_551 = vector.broadcast %lt3A_550 : i32 to vector<16xi32>
    %lt3A_552 = arith.cmpi slt, %rem3A_546, %lt3A_551 : vector<16xi32>
    %lt3A_553 = arith.constant 0 : i32
    %lt3A_554 = arith.cmpi slt, %select_n3A_544, %lt3A_553 : i32
    %ne3A_555 = vector.broadcast %lt3A_554 : i1 to vector<16xi1>
    %ne3A_556 = vector.broadcast %ne3A_555 : vector<16xi1> to vector<16xi1>
    %ne3A_557 = arith.xori %lt3A_552, %ne3A_556 : vector<16xi1>
    %and3A_558 = arith.andi %ne3A_557, %ne3A_549 : vector<16xi1>
    %add3A_559 = vector.broadcast %select_n3A_544 : i32 to vector<16xi32>
    %add3A_560 = arith.addi %rem3A_546, %add3A_559 : vector<16xi32>
    %select_n3A_561 = arith.select %and3A_558, %add3A_560, %rem3A_546 : vector<16xi1>, vector<16xi32>
    %add3A_562 = arith.addi %mul3A_539, %select_n3A_561 : vector<16xi32>
    %lt3A_563 = arith.constant 169 : i32
    %lt3A_564 = vector.broadcast %lt3A_563 : i32 to vector<16xi32>
    %lt3A_565 = arith.cmpi slt, %add3A_505, %lt3A_564 : vector<16xi32>
    %add3A_566 = arith.constant 144 : i32
    %add3A_567 = vector.broadcast %add3A_566 : i32 to vector<16xi32>
    %add3A_568 = arith.addi %iota3A, %add3A_567 : vector<16xi32>
    %jit3A_569 = arith.constant 13 : i32
    %div3A_570 = vector.broadcast %jit3A_569 : i32 to vector<16xi32>
    %div3A_571 = arith.divsi %add3A_568, %div3A_570 : vector<16xi32>
    %sign3A_572 = arith.constant 0 : i32
    %sign3A_573 = vector.broadcast %sign3A_572 : i32 to vector<16xi32>
    %sign3A_574 = arith.cmpi sgt, %add3A_568, %sign3A_573 : vector<16xi32>
    %sign3A_575 = arith.extui %sign3A_574 : vector<16xi1> to vector<16xi32>
    %sign3A_576 = arith.constant 0 : i32
    %sign3A_577 = vector.broadcast %sign3A_576 : i32 to vector<16xi32>
    %sign3A_578 = arith.cmpi slt, %add3A_568, %sign3A_577 : vector<16xi32>
    %sign3A_579 = arith.extui %sign3A_578 : vector<16xi1> to vector<16xi32>
    %sign3A_580 = arith.subi %sign3A_575, %sign3A_579 : vector<16xi32>
    %sign3A_581 = arith.constant 0 : i32
    %sign3A_582 = arith.cmpi sgt, %jit3A_569, %sign3A_581 : i32
    %sign3A_583 = arith.extui %sign3A_582 : i1 to i32
    %sign3A_584 = arith.constant 0 : i32
    %sign3A_585 = arith.cmpi slt, %jit3A_569, %sign3A_584 : i32
    %sign3A_586 = arith.extui %sign3A_585 : i1 to i32
    %sign3A_587 = arith.subi %sign3A_583, %sign3A_586 : i32
    %ne3A_588 = vector.broadcast %sign3A_587 : i32 to vector<16xi32>
    %ne3A_589 = arith.cmpi ne, %sign3A_580, %ne3A_588 : vector<16xi32>
    %rem3A_590 = vector.broadcast %jit3A_569 : i32 to vector<16xi32>
    %rem3A_591 = arith.remsi %add3A_568, %rem3A_590 : vector<16xi32>
    %ne3A_592 = arith.constant 0 : i32
    %ne3A_593 = vector.broadcast %ne3A_592 : i32 to vector<16xi32>
    %ne3A_594 = arith.cmpi ne, %rem3A_591, %ne3A_593 : vector<16xi32>
    %and3A_595 = arith.andi %ne3A_589, %ne3A_594 : vector<16xi1>
    %sub3A_596 = arith.constant 1 : i32
    %sub3A_597 = vector.broadcast %sub3A_596 : i32 to vector<16xi32>
    %sub3A_598 = arith.subi %div3A_571, %sub3A_597 : vector<16xi32>
    %select_n3A_599 = arith.select %and3A_595, %sub3A_598, %div3A_571 : vector<16xi1>, vector<16xi32>
    %mul3A_600 = arith.constant 48 : i32
    %mul3A_601 = vector.broadcast %mul3A_600 : i32 to vector<16xi32>
    %mul3A_602 = arith.muli %select_n3A_599, %mul3A_601 : vector<16xi32>
    %jit3A_603 = arith.constant 13 : i32
    %eq3A_604 = arith.constant 0 : i32
    %eq3A_605 = arith.cmpi eq, %jit3A_603, %eq3A_604 : i32
    %jit3A_606 = arith.constant 1 : i32
    %select_n3A_607 = arith.select %eq3A_605, %jit3A_606, %jit3A_603 : i32
    %rem3A_608 = vector.broadcast %select_n3A_607 : i32 to vector<16xi32>
    %rem3A_609 = arith.remsi %add3A_568, %rem3A_608 : vector<16xi32>
    %ne3A_610 = arith.constant 0 : i32
    %ne3A_611 = vector.broadcast %ne3A_610 : i32 to vector<16xi32>
    %ne3A_612 = arith.cmpi ne, %rem3A_609, %ne3A_611 : vector<16xi32>
    %lt3A_613 = arith.constant 0 : i32
    %lt3A_614 = vector.broadcast %lt3A_613 : i32 to vector<16xi32>
    %lt3A_615 = arith.cmpi slt, %rem3A_609, %lt3A_614 : vector<16xi32>
    %lt3A_616 = arith.constant 0 : i32
    %lt3A_617 = arith.cmpi slt, %select_n3A_607, %lt3A_616 : i32
    %ne3A_618 = vector.broadcast %lt3A_617 : i1 to vector<16xi1>
    %ne3A_619 = vector.broadcast %ne3A_618 : vector<16xi1> to vector<16xi1>
    %ne3A_620 = arith.xori %lt3A_615, %ne3A_619 : vector<16xi1>
    %and3A_621 = arith.andi %ne3A_620, %ne3A_612 : vector<16xi1>
    %add3A_622 = vector.broadcast %select_n3A_607 : i32 to vector<16xi32>
    %add3A_623 = arith.addi %rem3A_609, %add3A_622 : vector<16xi32>
    %select_n3A_624 = arith.select %and3A_621, %add3A_623, %rem3A_609 : vector<16xi1>, vector<16xi32>
    %add3A_625 = arith.addi %mul3A_602, %select_n3A_624 : vector<16xi32>
    %lt3A_626 = arith.constant 169 : i32
    %lt3A_627 = vector.broadcast %lt3A_626 : i32 to vector<16xi32>
    %lt3A_628 = arith.cmpi slt, %add3A_568, %lt3A_627 : vector<16xi32>
    %add3A_629 = arith.constant 160 : i32
    %add3A_630 = vector.broadcast %add3A_629 : i32 to vector<16xi32>
    %add3A_631 = arith.addi %iota3A, %add3A_630 : vector<16xi32>
    %jit3A_632 = arith.constant 13 : i32
    %div3A_633 = vector.broadcast %jit3A_632 : i32 to vector<16xi32>
    %div3A_634 = arith.divsi %add3A_631, %div3A_633 : vector<16xi32>
    %sign3A_635 = arith.constant 0 : i32
    %sign3A_636 = vector.broadcast %sign3A_635 : i32 to vector<16xi32>
    %sign3A_637 = arith.cmpi sgt, %add3A_631, %sign3A_636 : vector<16xi32>
    %sign3A_638 = arith.extui %sign3A_637 : vector<16xi1> to vector<16xi32>
    %sign3A_639 = arith.constant 0 : i32
    %sign3A_640 = vector.broadcast %sign3A_639 : i32 to vector<16xi32>
    %sign3A_641 = arith.cmpi slt, %add3A_631, %sign3A_640 : vector<16xi32>
    %sign3A_642 = arith.extui %sign3A_641 : vector<16xi1> to vector<16xi32>
    %sign3A_643 = arith.subi %sign3A_638, %sign3A_642 : vector<16xi32>
    %sign3A_644 = arith.constant 0 : i32
    %sign3A_645 = arith.cmpi sgt, %jit3A_632, %sign3A_644 : i32
    %sign3A_646 = arith.extui %sign3A_645 : i1 to i32
    %sign3A_647 = arith.constant 0 : i32
    %sign3A_648 = arith.cmpi slt, %jit3A_632, %sign3A_647 : i32
    %sign3A_649 = arith.extui %sign3A_648 : i1 to i32
    %sign3A_650 = arith.subi %sign3A_646, %sign3A_649 : i32
    %ne3A_651 = vector.broadcast %sign3A_650 : i32 to vector<16xi32>
    %ne3A_652 = arith.cmpi ne, %sign3A_643, %ne3A_651 : vector<16xi32>
    %rem3A_653 = vector.broadcast %jit3A_632 : i32 to vector<16xi32>
    %rem3A_654 = arith.remsi %add3A_631, %rem3A_653 : vector<16xi32>
    %ne3A_655 = arith.constant 0 : i32
    %ne3A_656 = vector.broadcast %ne3A_655 : i32 to vector<16xi32>
    %ne3A_657 = arith.cmpi ne, %rem3A_654, %ne3A_656 : vector<16xi32>
    %and3A_658 = arith.andi %ne3A_652, %ne3A_657 : vector<16xi1>
    %sub3A_659 = arith.constant 1 : i32
    %sub3A_660 = vector.broadcast %sub3A_659 : i32 to vector<16xi32>
    %sub3A_661 = arith.subi %div3A_634, %sub3A_660 : vector<16xi32>
    %select_n3A_662 = arith.select %and3A_658, %sub3A_661, %div3A_634 : vector<16xi1>, vector<16xi32>
    %mul3A_663 = arith.constant 48 : i32
    %mul3A_664 = vector.broadcast %mul3A_663 : i32 to vector<16xi32>
    %mul3A_665 = arith.muli %select_n3A_662, %mul3A_664 : vector<16xi32>
    %jit3A_666 = arith.constant 13 : i32
    %eq3A_667 = arith.constant 0 : i32
    %eq3A_668 = arith.cmpi eq, %jit3A_666, %eq3A_667 : i32
    %jit3A_669 = arith.constant 1 : i32
    %select_n3A_670 = arith.select %eq3A_668, %jit3A_669, %jit3A_666 : i32
    %rem3A_671 = vector.broadcast %select_n3A_670 : i32 to vector<16xi32>
    %rem3A_672 = arith.remsi %add3A_631, %rem3A_671 : vector<16xi32>
    %ne3A_673 = arith.constant 0 : i32
    %ne3A_674 = vector.broadcast %ne3A_673 : i32 to vector<16xi32>
    %ne3A_675 = arith.cmpi ne, %rem3A_672, %ne3A_674 : vector<16xi32>
    %lt3A_676 = arith.constant 0 : i32
    %lt3A_677 = vector.broadcast %lt3A_676 : i32 to vector<16xi32>
    %lt3A_678 = arith.cmpi slt, %rem3A_672, %lt3A_677 : vector<16xi32>
    %lt3A_679 = arith.constant 0 : i32
    %lt3A_680 = arith.cmpi slt, %select_n3A_670, %lt3A_679 : i32
    %ne3A_681 = vector.broadcast %lt3A_680 : i1 to vector<16xi1>
    %ne3A_682 = vector.broadcast %ne3A_681 : vector<16xi1> to vector<16xi1>
    %ne3A_683 = arith.xori %lt3A_678, %ne3A_682 : vector<16xi1>
    %and3A_684 = arith.andi %ne3A_683, %ne3A_675 : vector<16xi1>
    %add3A_685 = vector.broadcast %select_n3A_670 : i32 to vector<16xi32>
    %add3A_686 = arith.addi %rem3A_672, %add3A_685 : vector<16xi32>
    %select_n3A_687 = arith.select %and3A_684, %add3A_686, %rem3A_672 : vector<16xi1>, vector<16xi32>
    %add3A_688 = arith.addi %mul3A_665, %select_n3A_687 : vector<16xi32>
    %lt3A_689 = arith.constant 169 : i32
    %lt3A_690 = vector.broadcast %lt3A_689 : i32 to vector<16xi32>
    %lt3A_691 = arith.cmpi slt, %add3A_631, %lt3A_690 : vector<16xi32>
    %scan3A = arith.constant 0 : i32
    %scan3A_692 = arith.constant 0 : i32
    %scan3A_693 = arith.constant 72 : i32
    %scan3A_694 = arith.addi %scan3A_692, %scan3A_693 : i32
    %scan3A_695 = arith.constant 1 : i32
    scf.for %scan3A_699 = %scan3A_692 to %scan3A_694 step %scan3A_695  : i32 {
      %mul3A_700 = arith.constant 72 : i32
      %mul3A_701 = arith.muli %add3A, %mul3A_700 : i32
      %add3A_702 = arith.addi %mul3A_701, %scan3A_699 : i32
      %jit3A_703 = arith.constant 48 : i32
      %div3A_704 = arith.divsi %add3A_702, %jit3A_703 : i32
      %sign3A_705 = arith.constant 0 : i32
      %sign3A_706 = arith.cmpi sgt, %add3A_702, %sign3A_705 : i32
      %sign3A_707 = arith.extui %sign3A_706 : i1 to i32
      %sign3A_708 = arith.constant 0 : i32
      %sign3A_709 = arith.cmpi slt, %add3A_702, %sign3A_708 : i32
      %sign3A_710 = arith.extui %sign3A_709 : i1 to i32
      %sign3A_711 = arith.subi %sign3A_707, %sign3A_710 : i32
      %sign3A_712 = arith.constant 0 : i32
      %sign3A_713 = arith.cmpi sgt, %jit3A_703, %sign3A_712 : i32
      %sign3A_714 = arith.extui %sign3A_713 : i1 to i32
      %sign3A_715 = arith.constant 0 : i32
      %sign3A_716 = arith.cmpi slt, %jit3A_703, %sign3A_715 : i32
      %sign3A_717 = arith.extui %sign3A_716 : i1 to i32
      %sign3A_718 = arith.subi %sign3A_714, %sign3A_717 : i32
      %ne3A_719 = arith.cmpi ne, %sign3A_711, %sign3A_718 : i32
      %rem3A_720 = arith.remsi %add3A_702, %jit3A_703 : i32
      %ne3A_721 = arith.constant 0 : i32
      %ne3A_722 = arith.cmpi ne, %rem3A_720, %ne3A_721 : i32
      %and3A_723 = arith.andi %ne3A_719, %ne3A_722 : i1
      %sub3A_724 = arith.constant 1 : i32
      %sub3A_725 = arith.subi %div3A_704, %sub3A_724 : i32
      %select_n3A_726 = arith.select %and3A_723, %sub3A_725, %div3A_704 : i32
      %jit3A_727 = arith.constant 8 : i32
      %eq3A_728 = arith.constant 0 : i32
      %eq3A_729 = arith.cmpi eq, %jit3A_727, %eq3A_728 : i32
      %jit3A_730 = arith.constant 1 : i32
      %select_n3A_731 = arith.select %eq3A_729, %jit3A_730, %jit3A_727 : i32
      %rem3A_732 = arith.remsi %select_n3A_726, %select_n3A_731 : i32
      %ne3A_733 = arith.constant 0 : i32
      %ne3A_734 = arith.cmpi ne, %rem3A_732, %ne3A_733 : i32
      %lt3A_735 = arith.constant 0 : i32
      %lt3A_736 = arith.cmpi slt, %rem3A_732, %lt3A_735 : i32
      %lt3A_737 = arith.constant 0 : i32
      %lt3A_738 = arith.cmpi slt, %select_n3A_731, %lt3A_737 : i32
      %ne3A_739 = arith.xori %lt3A_736, %lt3A_738 : i1
      %and3A_740 = arith.andi %ne3A_739, %ne3A_734 : i1
      %add3A_741 = arith.addi %rem3A_732, %select_n3A_731 : i32
      %select_n3A_742 = arith.select %and3A_740, %add3A_741, %rem3A_732 : i32
      %mul3A_743 = arith.constant 48 : i32
      %mul3A_744 = arith.muli %select_n3A_726, %mul3A_743 : i32
      %sub3A_745 = arith.subi %add3A_702, %mul3A_744 : i32
      %mul3A_746 = arith.constant 48 : i32
      %mul3A_747 = arith.muli %select_n3A_742, %mul3A_746 : i32
      %add3A_748 = arith.addi %mul3A_747, %sub3A_745 : i32
      %add3A_749 = arith.constant 26 : i32
      %add3A_750 = arith.addi %add3A_748, %add3A_749 : i32
      %broadcast_in_dim3A = vector.broadcast %scan3A_699 : i32 to vector<16xi32>
      %broadcast_in_dim3A_751 = arith.constant -1.000000e+09 : f32
      %broadcast_in_dim3A_752 = vector.broadcast %broadcast_in_dim3A_751 : f32 to vector<16xf32>
      %add3A_753 = vector.broadcast %add3A_750 : i32 to vector<16xi32>
      %add3A_754 = arith.addi %add3A_753, %add3A_58 : vector<16xi32>
      %jit3A_755 = arith.constant 0 : i32
      %broadcast_in_dim3A_756 = vector.broadcast %jit3A_755 : i32 to vector<16xi32>
      %select_n3A_757 = arith.select %lt3A_61, %add3A_754, %broadcast_in_dim3A_756 : vector<16xi1>, vector<16xi32>
      %gather3A = tpu.vector_load_idx %arg4[%broadcast_in_dim3A, %select_n3A_757] : memref<72x1024xf32, #tpu.memory_space<vmem>>[vector<16xi32>, vector<16xi32>], vector<16xf32>,
      %sort3A = arith.constant dense<true> : vector<16xi1>
      %sort3A_758, %sort3A_759, %sort3A_760 = tpu.sort %gather3A, %gather3A masked %sort3A : (vector<16xf32>, vector<16xf32>, vector<16xi1>) -> (vector<16xi1>, vector<16xf32>, vector<16xf32>)
      %rev3A = arith.constant 15 : i32
      %rev3A_761 = vector.broadcast %rev3A : i32 to vector<16xi32>
      %rev3A_762 = tpu.iota {dimensions = array<i32: 0>} : vector<16xi32>
      %rev3A_763 = arith.subi %rev3A_761, %rev3A_762 : vector<16xi32>
      %rev3A_764 = tpu.dynamic_gather %sort3A_759[%rev3A_763] in [0] : vector<16xf32>, vector<16xi32> -> vector<16xf32>
      %max3A = arith.maximumf %broadcast_in_dim3A_752, %rev3A_764 : vector<16xf32>
      %sort3A_765 = arith.constant dense<true> : vector<16xi1>
      %sort3A_766, %sort3A_767, %sort3A_768 = tpu.sort %max3A, %max3A masked %sort3A_765 : (vector<16xf32>, vector<16xf32>, vector<16xi1>) -> (vector<16xi1>, vector<16xf32>, vector<16xf32>)
      %add3A_769 = vector.broadcast %add3A_750 : i32 to vector<16xi32>
      %add3A_770 = arith.addi %add3A_769, %add3A_121 : vector<16xi32>
      %jit3A_771 = arith.constant 0 : i32
      %broadcast_in_dim3A_772 = vector.broadcast %jit3A_771 : i32 to vector<16xi32>
      %select_n3A_773 = arith.select %lt3A_124, %add3A_770, %broadcast_in_dim3A_772 : vector<16xi1>, vector<16xi32>
      %gather3A_774 = tpu.vector_load_idx %arg4[%broadcast_in_dim3A, %select_n3A_773] : memref<72x1024xf32, #tpu.memory_space<vmem>>[vector<16xi32>, vector<16xi32>], vector<16xf32>,
      %sort3A_775 = arith.constant dense<true> : vector<16xi1>
      %sort3A_776, %sort3A_777, %sort3A_778 = tpu.sort %gather3A_774, %gather3A_774 masked %sort3A_775 : (vector<16xf32>, vector<16xf32>, vector<16xi1>) -> (vector<16xi1>, vector<16xf32>, vector<16xf32>)
      %rev3A_779 = arith.constant 15 : i32
      %rev3A_780 = vector.broadcast %rev3A_779 : i32 to vector<16xi32>
      %rev3A_781 = tpu.iota {dimensions = array<i32: 0>} : vector<16xi32>
      %rev3A_782 = arith.subi %rev3A_780, %rev3A_781 : vector<16xi32>
      %rev3A_783 = tpu.dynamic_gather %sort3A_777[%rev3A_782] in [0] : vector<16xf32>, vector<16xi32> -> vector<16xf32>
      %max3A_784 = arith.maximumf %sort3A_767, %rev3A_783 : vector<16xf32>
      %sort3A_785 = arith.constant dense<true> : vector<16xi1>
      %sort3A_786, %sort3A_787, %sort3A_788 = tpu.sort %max3A_784, %max3A_784 masked %sort3A_785 : (vector<16xf32>, vector<16xf32>, vector<16xi1>) -> (vector<16xi1>, vector<16xf32>, vector<16xf32>)
      %add3A_789 = vector.broadcast %add3A_750 : i32 to vector<16xi32>
      %add3A_790 = arith.addi %add3A_789, %add3A_184 : vector<16xi32>
      %jit3A_791 = arith.constant 0 : i32
      %broadcast_in_dim3A_792 = vector.broadcast %jit3A_791 : i32 to vector<16xi32>
      %select_n3A_793 = arith.select %lt3A_187, %add3A_790, %broadcast_in_dim3A_792 : vector<16xi1>, vector<16xi32>
      %gather3A_794 = tpu.vector_load_idx %arg4[%broadcast_in_dim3A, %select_n3A_793] : memref<72x1024xf32, #tpu.memory_space<vmem>>[vector<16xi32>, vector<16xi32>], vector<16xf32>,
      %sort3A_795 = arith.constant dense<true> : vector<16xi1>
      %sort3A_796, %sort3A_797, %sort3A_798 = tpu.sort %gather3A_794, %gather3A_794 masked %sort3A_795 : (vector<16xf32>, vector<16xf32>, vector<16xi1>) -> (vector<16xi1>, vector<16xf32>, vector<16xf32>)
      %rev3A_799 = arith.constant 15 : i32
      %rev3A_800 = vector.broadcast %rev3A_799 : i32 to vector<16xi32>
      %rev3A_801 = tpu.iota {dimensions = array<i32: 0>} : vector<16xi32>
      %rev3A_802 = arith.subi %rev3A_800, %rev3A_801 : vector<16xi32>
      %rev3A_803 = tpu.dynamic_gather %sort3A_797[%rev3A_802] in [0] : vector<16xf32>, vector<16xi32> -> vector<16xf32>
      %max3A_804 = arith.maximumf %sort3A_787, %rev3A_803 : vector<16xf32>
      %sort3A_805 = arith.constant dense<true> : vector<16xi1>
      %sort3A_806, %sort3A_807, %sort3A_808 = tpu.sort %max3A_804, %max3A_804 masked %sort3A_805 : (vector<16xf32>, vector<16xf32>, vector<16xi1>) -> (vector<16xi1>, vector<16xf32>, vector<16xf32>)
      %add3A_809 = vector.broadcast %add3A_750 : i32 to vector<16xi32>
      %add3A_810 = arith.addi %add3A_809, %add3A_247 : vector<16xi32>
      %jit3A_811 = arith.constant 0 : i32
      %broadcast_in_dim3A_812 = vector.broadcast %jit3A_811 : i32 to vector<16xi32>
      %select_n3A_813 = arith.select %lt3A_250, %add3A_810, %broadcast_in_dim3A_812 : vector<16xi1>, vector<16xi32>
      %gather3A_814 = tpu.vector_load_idx %arg4[%broadcast_in_dim3A, %select_n3A_813] : memref<72x1024xf32, #tpu.memory_space<vmem>>[vector<16xi32>, vector<16xi32>], vector<16xf32>,
      %sort3A_815 = arith.constant dense<true> : vector<16xi1>
      %sort3A_816, %sort3A_817, %sort3A_818 = tpu.sort %gather3A_814, %gather3A_814 masked %sort3A_815 : (vector<16xf32>, vector<16xf32>, vector<16xi1>) -> (vector<16xi1>, vector<16xf32>, vector<16xf32>)
      %rev3A_819 = arith.constant 15 : i32
      %rev3A_820 = vector.broadcast %rev3A_819 : i32 to vector<16xi32>
      %rev3A_821 = tpu.iota {dimensions = array<i32: 0>} : vector<16xi32>
      %rev3A_822 = arith.subi %rev3A_820, %rev3A_821 : vector<16xi32>
      %rev3A_823 = tpu.dynamic_gather %sort3A_817[%rev3A_822] in [0] : vector<16xf32>, vector<16xi32> -> vector<16xf32>
      %max3A_824 = arith.maximumf %sort3A_807, %rev3A_823 : vector<16xf32>
      %sort3A_825 = arith.constant dense<true> : vector<16xi1>
      %sort3A_826, %sort3A_827, %sort3A_828 = tpu.sort %max3A_824, %max3A_824 masked %sort3A_825 : (vector<16xf32>, vector<16xf32>, vector<16xi1>) -> (vector<16xi1>, vector<16xf32>, vector<16xf32>)
      %add3A_829 = vector.broadcast %add3A_750 : i32 to vector<16xi32>
      %add3A_830 = arith.addi %add3A_829, %add3A_310 : vector<16xi32>
      %jit3A_831 = arith.constant 0 : i32
      %broadcast_in_dim3A_832 = vector.broadcast %jit3A_831 : i32 to vector<16xi32>
      %select_n3A_833 = arith.select %lt3A_313, %add3A_830, %broadcast_in_dim3A_832 : vector<16xi1>, vector<16xi32>
      %gather3A_834 = tpu.vector_load_idx %arg4[%broadcast_in_dim3A, %select_n3A_833] : memref<72x1024xf32, #tpu.memory_space<vmem>>[vector<16xi32>, vector<16xi32>], vector<16xf32>,
      %sort3A_835 = arith.constant dense<true> : vector<16xi1>
      %sort3A_836, %sort3A_837, %sort3A_838 = tpu.sort %gather3A_834, %gather3A_834 masked %sort3A_835 : (vector<16xf32>, vector<16xf32>, vector<16xi1>) -> (vector<16xi1>, vector<16xf32>, vector<16xf32>)
      %rev3A_839 = arith.constant 15 : i32
      %rev3A_840 = vector.broadcast %rev3A_839 : i32 to vector<16xi32>
      %rev3A_841 = tpu.iota {dimensions = array<i32: 0>} : vector<16xi32>
      %rev3A_842 = arith.subi %rev3A_840, %rev3A_841 : vector<16xi32>
      %rev3A_843 = tpu.dynamic_gather %sort3A_837[%rev3A_842] in [0] : vector<16xf32>, vector<16xi32> -> vector<16xf32>
      %max3A_844 = arith.maximumf %sort3A_827, %rev3A_843 : vector<16xf32>
      %sort3A_845 = arith.constant dense<true> : vector<16xi1>
      %sort3A_846, %sort3A_847, %sort3A_848 = tpu.sort %max3A_844, %max3A_844 masked %sort3A_845 : (vector<16xf32>, vector<16xf32>, vector<16xi1>) -> (vector<16xi1>, vector<16xf32>, vector<16xf32>)
      %add3A_849 = vector.broadcast %add3A_750 : i32 to vector<16xi32>
      %add3A_850 = arith.addi %add3A_849, %add3A_373 : vector<16xi32>
      %jit3A_851 = arith.constant 0 : i32
      %broadcast_in_dim3A_852 = vector.broadcast %jit3A_851 : i32 to vector<16xi32>
      %select_n3A_853 = arith.select %lt3A_376, %add3A_850, %broadcast_in_dim3A_852 : vector<16xi1>, vector<16xi32>
      %gather3A_854 = tpu.vector_load_idx %arg4[%broadcast_in_dim3A, %select_n3A_853] : memref<72x1024xf32, #tpu.memory_space<vmem>>[vector<16xi32>, vector<16xi32>], vector<16xf32>,
      %sort3A_855 = arith.constant dense<true> : vector<16xi1>
      %sort3A_856, %sort3A_857, %sort3A_858 = tpu.sort %gather3A_854, %gather3A_854 masked %sort3A_855 : (vector<16xf32>, vector<16xf32>, vector<16xi1>) -> (vector<16xi1>, vector<16xf32>, vector<16xf32>)
      %rev3A_859 = arith.constant 15 : i32
      %rev3A_860 = vector.broadcast %rev3A_859 : i32 to vector<16xi32>
      %rev3A_861 = tpu.iota {dimensions = array<i32: 0>} : vector<16xi32>
      %rev3A_862 = arith.subi %rev3A_860, %rev3A_861 : vector<16xi32>
      %rev3A_863 = tpu.dynamic_gather %sort3A_857[%rev3A_862] in [0] : vector<16xf32>, vector<16xi32> -> vector<16xf32>
      %max3A_864 = arith.maximumf %sort3A_847, %rev3A_863 : vector<16xf32>
      %sort3A_865 = arith.constant dense<true> : vector<16xi1>
      %sort3A_866, %sort3A_867, %sort3A_868 = tpu.sort %max3A_864, %max3A_864 masked %sort3A_865 : (vector<16xf32>, vector<16xf32>, vector<16xi1>) -> (vector<16xi1>, vector<16xf32>, vector<16xf32>)
      %add3A_869 = vector.broadcast %add3A_750 : i32 to vector<16xi32>
      %add3A_870 = arith.addi %add3A_869, %add3A_436 : vector<16xi32>
      %jit3A_871 = arith.constant 0 : i32
      %broadcast_in_dim3A_872 = vector.broadcast %jit3A_871 : i32 to vector<16xi32>
      %select_n3A_873 = arith.select %lt3A_439, %add3A_870, %broadcast_in_dim3A_872 : vector<16xi1>, vector<16xi32>
      %gather3A_874 = tpu.vector_load_idx %arg4[%broadcast_in_dim3A, %select_n3A_873] : memref<72x1024xf32, #tpu.memory_space<vmem>>[vector<16xi32>, vector<16xi32>], vector<16xf32>,
      %sort3A_875 = arith.constant dense<true> : vector<16xi1>
      %sort3A_876, %sort3A_877, %sort3A_878 = tpu.sort %gather3A_874, %gather3A_874 masked %sort3A_875 : (vector<16xf32>, vector<16xf32>, vector<16xi1>) -> (vector<16xi1>, vector<16xf32>, vector<16xf32>)
      %rev3A_879 = arith.constant 15 : i32
      %rev3A_880 = vector.broadcast %rev3A_879 : i32 to vector<16xi32>
      %rev3A_881 = tpu.iota {dimensions = array<i32: 0>} : vector<16xi32>
      %rev3A_882 = arith.subi %rev3A_880, %rev3A_881 : vector<16xi32>
      %rev3A_883 = tpu.dynamic_gather %sort3A_877[%rev3A_882] in [0] : vector<16xf32>, vector<16xi32> -> vector<16xf32>
      %max3A_884 = arith.maximumf %sort3A_867, %rev3A_883 : vector<16xf32>
      %sort3A_885 = arith.constant dense<true> : vector<16xi1>
      %sort3A_886, %sort3A_887, %sort3A_888 = tpu.sort %max3A_884, %max3A_884 masked %sort3A_885 : (vector<16xf32>, vector<16xf32>, vector<16xi1>) -> (vector<16xi1>, vector<16xf32>, vector<16xf32>)
      %add3A_889 = vector.broadcast %add3A_750 : i32 to vector<16xi32>
      %add3A_890 = arith.addi %add3A_889, %add3A_499 : vector<16xi32>
      %jit3A_891 = arith.constant 0 : i32
      %broadcast_in_dim3A_892 = vector.broadcast %jit3A_891 : i32 to vector<16xi32>
      %select_n3A_893 = arith.select %lt3A_502, %add3A_890, %broadcast_in_dim3A_892 : vector<16xi1>, vector<16xi32>
      %gather3A_894 = tpu.vector_load_idx %arg4[%broadcast_in_dim3A, %select_n3A_893] : memref<72x1024xf32, #tpu.memory_space<vmem>>[vector<16xi32>, vector<16xi32>], vector<16xf32>,
      %sort3A_895 = arith.constant dense<true> : vector<16xi1>
      %sort3A_896, %sort3A_897, %sort3A_898 = tpu.sort %gather3A_894, %gather3A_894 masked %sort3A_895 : (vector<16xf32>, vector<16xf32>, vector<16xi1>) -> (vector<16xi1>, vector<16xf32>, vector<16xf32>)
      %rev3A_899 = arith.constant 15 : i32
      %rev3A_900 = vector.broadcast %rev3A_899 : i32 to vector<16xi32>
      %rev3A_901 = tpu.iota {dimensions = array<i32: 0>} : vector<16xi32>
      %rev3A_902 = arith.subi %rev3A_900, %rev3A_901 : vector<16xi32>
      %rev3A_903 = tpu.dynamic_gather %sort3A_897[%rev3A_902] in [0] : vector<16xf32>, vector<16xi32> -> vector<16xf32>
      %max3A_904 = arith.maximumf %sort3A_887, %rev3A_903 : vector<16xf32>
      %sort3A_905 = arith.constant dense<true> : vector<16xi1>
      %sort3A_906, %sort3A_907, %sort3A_908 = tpu.sort %max3A_904, %max3A_904 masked %sort3A_905 : (vector<16xf32>, vector<16xf32>, vector<16xi1>) -> (vector<16xi1>, vector<16xf32>, vector<16xf32>)
      %add3A_909 = vector.broadcast %add3A_750 : i32 to vector<16xi32>
      %add3A_910 = arith.addi %add3A_909, %add3A_562 : vector<16xi32>
      %jit3A_911 = arith.constant 0 : i32
      %broadcast_in_dim3A_912 = vector.broadcast %jit3A_911 : i32 to vector<16xi32>
      %select_n3A_913 = arith.select %lt3A_565, %add3A_910, %broadcast_in_dim3A_912 : vector<16xi1>, vector<16xi32>
      %gather3A_914 = tpu.vector_load_idx %arg4[%broadcast_in_dim3A, %select_n3A_913] : memref<72x1024xf32, #tpu.memory_space<vmem>>[vector<16xi32>, vector<16xi32>], vector<16xf32>,
      %sort3A_915 = arith.constant dense<true> : vector<16xi1>
      %sort3A_916, %sort3A_917, %sort3A_918 = tpu.sort %gather3A_914, %gather3A_914 masked %sort3A_915 : (vector<16xf32>, vector<16xf32>, vector<16xi1>) -> (vector<16xi1>, vector<16xf32>, vector<16xf32>)
      %rev3A_919 = arith.constant 15 : i32
      %rev3A_920 = vector.broadcast %rev3A_919 : i32 to vector<16xi32>
      %rev3A_921 = tpu.iota {dimensions = array<i32: 0>} : vector<16xi32>
      %rev3A_922 = arith.subi %rev3A_920, %rev3A_921 : vector<16xi32>
      %rev3A_923 = tpu.dynamic_gather %sort3A_917[%rev3A_922] in [0] : vector<16xf32>, vector<16xi32> -> vector<16xf32>
      %max3A_924 = arith.maximumf %sort3A_907, %rev3A_923 : vector<16xf32>
      %sort3A_925 = arith.constant dense<true> : vector<16xi1>
      %sort3A_926, %sort3A_927, %sort3A_928 = tpu.sort %max3A_924, %max3A_924 masked %sort3A_925 : (vector<16xf32>, vector<16xf32>, vector<16xi1>) -> (vector<16xi1>, vector<16xf32>, vector<16xf32>)
      %add3A_929 = vector.broadcast %add3A_750 : i32 to vector<16xi32>
      %add3A_930 = arith.addi %add3A_929, %add3A_625 : vector<16xi32>
      %jit3A_931 = arith.constant 0 : i32
      %broadcast_in_dim3A_932 = vector.broadcast %jit3A_931 : i32 to vector<16xi32>
      %select_n3A_933 = arith.select %lt3A_628, %add3A_930, %broadcast_in_dim3A_932 : vector<16xi1>, vector<16xi32>
      %gather3A_934 = tpu.vector_load_idx %arg4[%broadcast_in_dim3A, %select_n3A_933] : memref<72x1024xf32, #tpu.memory_space<vmem>>[vector<16xi32>, vector<16xi32>], vector<16xf32>,
      %sort3A_935 = arith.constant dense<true> : vector<16xi1>
      %sort3A_936, %sort3A_937, %sort3A_938 = tpu.sort %gather3A_934, %gather3A_934 masked %sort3A_935 : (vector<16xf32>, vector<16xf32>, vector<16xi1>) -> (vector<16xi1>, vector<16xf32>, vector<16xf32>)
      %rev3A_939 = arith.constant 15 : i32
      %rev3A_940 = vector.broadcast %rev3A_939 : i32 to vector<16xi32>
      %rev3A_941 = tpu.iota {dimensions = array<i32: 0>} : vector<16xi32>
      %rev3A_942 = arith.subi %rev3A_940, %rev3A_941 : vector<16xi32>
      %rev3A_943 = tpu.dynamic_gather %sort3A_937[%rev3A_942] in [0] : vector<16xf32>, vector<16xi32> -> vector<16xf32>
      %max3A_944 = arith.maximumf %sort3A_927, %rev3A_943 : vector<16xf32>
      %sort3A_945 = arith.constant dense<true> : vector<16xi1>
      %sort3A_946, %sort3A_947, %sort3A_948 = tpu.sort %max3A_944, %max3A_944 masked %sort3A_945 : (vector<16xf32>, vector<16xf32>, vector<16xi1>) -> (vector<16xi1>, vector<16xf32>, vector<16xf32>)
      %add3A_949 = vector.broadcast %add3A_750 : i32 to vector<16xi32>
      %add3A_950 = arith.addi %add3A_949, %add3A_688 : vector<16xi32>
      %jit3A_951 = arith.constant 0 : i32
      %broadcast_in_dim3A_952 = vector.broadcast %jit3A_951 : i32 to vector<16xi32>
      %select_n3A_953 = arith.select %lt3A_691, %add3A_950, %broadcast_in_dim3A_952 : vector<16xi1>, vector<16xi32>
      %gather3A_954 = tpu.vector_load_idx %arg4[%broadcast_in_dim3A, %select_n3A_953] : memref<72x1024xf32, #tpu.memory_space<vmem>>[vector<16xi32>, vector<16xi32>], vector<16xf32>,
      %sort3A_955 = arith.constant dense<true> : vector<16xi1>
      %sort3A_956, %sort3A_957, %sort3A_958 = tpu.sort %gather3A_954, %gather3A_954 masked %sort3A_955 : (vector<16xf32>, vector<16xf32>, vector<16xi1>) -> (vector<16xi1>, vector<16xf32>, vector<16xf32>)
      %rev3A_959 = arith.constant 15 : i32
      %rev3A_960 = vector.broadcast %rev3A_959 : i32 to vector<16xi32>
      %rev3A_961 = tpu.iota {dimensions = array<i32: 0>} : vector<16xi32>
      %rev3A_962 = arith.subi %rev3A_960, %rev3A_961 : vector<16xi32>
      %rev3A_963 = tpu.dynamic_gather %sort3A_957[%rev3A_962] in [0] : vector<16xf32>, vector<16xi32> -> vector<16xf32>
      %max3A_964 = arith.maximumf %sort3A_947, %rev3A_963 : vector<16xf32>
      %sort3A_965 = arith.constant dense<true> : vector<16xi1>
      %sort3A_966, %sort3A_967, %sort3A_968 = tpu.sort %max3A_964, %max3A_964 masked %sort3A_965 : (vector<16xf32>, vector<16xf32>, vector<16xi1>) -> (vector<16xi1>, vector<16xf32>, vector<16xf32>)
      tpu.vector_store_idx %arg5[%broadcast_in_dim3A, %iota3A], %sort3A_967 : memref<72x16xf32, #tpu.memory_space<vmem>>[vector<16xi32>, vector<16xi32>], vector<16xf32>,
    }
    %scan3A_696 = arith.constant 72 : i32
    %mul3A_697 = arith.constant 72 : i32
    %mul3A_698 = arith.muli %add3A, %mul3A_697 : i32
    "tpu.region"() ({
      %run_scoped3A = tpu.sem_alloc : memref<!tpu.dma_semaphore, #tpu.memory_space<semaphore_mem>>
      %dma_start3A_699 = arith.constant 0 : i32
      %dma_start3A_700 = tpu.memref_slice %arg3[%mul3A_698, %dma_start3A_699] : memref<2304x16xf32, #tpu.memory_space<hbm>> -> memref<72x16xf32, #tpu.memory_space<hbm>>
      %dma_start3A_701 = arith.constant 0 : i32
      %dma_start3A_702 = tpu.memref_slice %arg3[%mul3A_698, %dma_start3A_701] : memref<2304x16xf32, #tpu.memory_space<hbm>> -> memref<72x16xf32, #tpu.memory_space<hbm>>
      tpu.enqueue_dma source(%arg5 : memref<72x16xf32, #tpu.memory_space<vmem>>) target(%dma_start3A_702 : memref<72x16xf32, #tpu.memory_space<hbm>>) target_semaphore(%run_scoped3A : memref<!tpu.dma_semaphore, #tpu.memory_space<semaphore_mem>>)
      %dma_wait3A_703 = arith.constant 0 : i32
      %dma_wait3A_704 = tpu.memref_slice %arg3[%mul3A_698, %dma_wait3A_703] : memref<2304x16xf32, #tpu.memory_space<hbm>> -> memref<72x16xf32, #tpu.memory_space<hbm>>
      %dma_wait3A_705 = arith.constant 0 : i32
      %dma_wait3A_706 = tpu.memref_slice %arg3[%mul3A_698, %dma_wait3A_705] : memref<2304x16xf32, #tpu.memory_space<hbm>> -> memref<72x16xf32, #tpu.memory_space<hbm>>
      tpu.wait_dma2 semaphore(%run_scoped3A : memref<!tpu.dma_semaphore, #tpu.memory_space<semaphore_mem>>) src(%arg5 : memref<72x16xf32, #tpu.memory_space<vmem>>) dst(%dma_wait3A_706 : memref<72x16xf32, #tpu.memory_space<hbm>>)
      tpu.yield
    }) : () -> ()
    return
  }
}

module attributes {stable_mosaic.version = 14 : i64} {
  func.func @_tc1_body(%arg0: memref<2976x96xf32, #tpu.memory_space<vmem>>, %arg1: memref<96x2880xf32, #tpu.memory_space<vmem>>, %arg2: memref<4608x48xf32, #tpu.memory_space<vmem>>, %arg3: memref<24x48xf32, #tpu.memory_space<vmem>>, %arg4: memref<48x24xf32, #tpu.memory_space<vmem>>, %arg5: memref<4608x7xf32, #tpu.memory_space<vmem>>, %arg6: memref<2304x1024xf32, #tpu.memory_space<vmem>>, %arg7: memref<48x48xf32, #tpu.memory_space<vmem>>, %arg8: memref<2880x96xf32, #tpu.memory_space<vmem>>) attributes {dimension_semantics = [], scalar_prefetch = 0 : i64, scratch_operands = 1 : i64, tpu.core_type = #tpu.core_type<tc>} {
    %get3A = arith.constant 0 : index
    %get3A_0 = arith.constant 0 : index
    %get3A_1 = vector.load %arg3[%get3A, %get3A_0] : memref<24x48xf32, #tpu.memory_space<vmem>>, vector<24x48xf32>
    %get3A_2 = arith.constant 0 : index
    %get3A_3 = arith.constant 0 : index
    %get3A_4 = vector.load %arg4[%get3A_2, %get3A_3] : memref<48x24xf32, #tpu.memory_space<vmem>>, vector<48x24xf32>
    %get3A_5 = arith.constant 0 : index
    %get3A_6 = arith.constant 0 : index
    %get3A_7 = vector.load %arg2[%get3A_5, %get3A_6] : memref<4608x48xf32, #tpu.memory_space<vmem>>, vector<4608x48xf32>
    %dot_general3A = arith.constant dense<0.000000e+00> : vector<4608x24xf32>
    %dot_general3A_8 = tpu.matmul %get3A_7, %get3A_1, %dot_general3A {dimension_numbers = #tpu.dot_dimension_numbers<[1], [1], [0], [0], [0, 0, 1, 0], [], []>, precision = #tpu.contract_precision<fp32>, transpose_lhs_hint = false} : vector<4608x48xf32>, vector<24x48xf32>, vector<4608x24xf32> -> vector<4608x24xf32>
    %dot_general3A_9 = arith.constant dense<0.000000e+00> : vector<4608x48xf32>
    %dot_general3A_10 = tpu.matmul %dot_general3A_8, %get3A_4, %dot_general3A_9 {dimension_numbers = #tpu.dot_dimension_numbers<[1], [1], [0], [0], [0, 0, 1, 0], [], []>, precision = #tpu.contract_precision<fp32>, transpose_lhs_hint = false} : vector<4608x24xf32>, vector<48x24xf32>, vector<4608x48xf32> -> vector<4608x48xf32>
    %jit3A = arith.constant 0 : i32
    %convert_element_type3A = arith.sitofp %jit3A : i32 to f32
    %pad3A = vector.broadcast %convert_element_type3A : f32 to vector<3x48xf32>
    %pad3A_11 = tpu.concatenate %pad3A, %dot_general3A_10 in 0 : vector<3x48xf32>, vector<4608x48xf32> -> vector<4611x48xf32>
    %pad3A_12 = vector.broadcast %convert_element_type3A : f32 to vector<3x48xf32>
    %pad3A_13 = tpu.concatenate %pad3A_11, %pad3A_12 in 0 : vector<4611x48xf32>, vector<3x48xf32> -> vector<4614x48xf32>
    %get3A_14 = arith.constant 0 : index
    %get3A_15 = arith.constant 0 : index
    %get3A_16 = vector.load %arg5[%get3A_14, %get3A_15] : memref<4608x7xf32, #tpu.memory_space<vmem>>, vector<4608x7xf32>
    %slice3A = vector.extract_strided_slice %get3A_16 {offsets = [0, 0], sizes = [4608, 1], strides = [1, 1]} : vector<4608x7xf32> to vector<4608x1xf32>
    %slice3A_17 = vector.extract_strided_slice %pad3A_13 {offsets = [0, 0], sizes = [4608, 48], strides = [1, 1]} : vector<4614x48xf32> to vector<4608x48xf32>
    %mul3A = vector.broadcast %slice3A : vector<4608x1xf32> to vector<4608x48xf32>
    %mul3A_18 = arith.mulf %mul3A, %slice3A_17 : vector<4608x48xf32>
    %slice3A_19 = vector.extract_strided_slice %get3A_16 {offsets = [0, 1], sizes = [4608, 1], strides = [1, 1]} : vector<4608x7xf32> to vector<4608x1xf32>
    %slice3A_20 = vector.extract_strided_slice %pad3A_13 {offsets = [1, 0], sizes = [4608, 48], strides = [1, 1]} : vector<4614x48xf32> to vector<4608x48xf32>
    %mul3A_21 = vector.broadcast %slice3A_19 : vector<4608x1xf32> to vector<4608x48xf32>
    %mul3A_22 = arith.mulf %mul3A_21, %slice3A_20 : vector<4608x48xf32>
    %add3A = arith.addf %mul3A_18, %mul3A_22 : vector<4608x48xf32>
    %slice3A_23 = vector.extract_strided_slice %get3A_16 {offsets = [0, 2], sizes = [4608, 1], strides = [1, 1]} : vector<4608x7xf32> to vector<4608x1xf32>
    %slice3A_24 = vector.extract_strided_slice %pad3A_13 {offsets = [2, 0], sizes = [4608, 48], strides = [1, 1]} : vector<4614x48xf32> to vector<4608x48xf32>
    %mul3A_25 = vector.broadcast %slice3A_23 : vector<4608x1xf32> to vector<4608x48xf32>
    %mul3A_26 = arith.mulf %mul3A_25, %slice3A_24 : vector<4608x48xf32>
    %add3A_27 = arith.addf %add3A, %mul3A_26 : vector<4608x48xf32>
    %slice3A_28 = vector.extract_strided_slice %get3A_16 {offsets = [0, 3], sizes = [4608, 1], strides = [1, 1]} : vector<4608x7xf32> to vector<4608x1xf32>
    %slice3A_29 = vector.extract_strided_slice %pad3A_13 {offsets = [3, 0], sizes = [4608, 48], strides = [1, 1]} : vector<4614x48xf32> to vector<4608x48xf32>
    %mul3A_30 = vector.broadcast %slice3A_28 : vector<4608x1xf32> to vector<4608x48xf32>
    %mul3A_31 = arith.mulf %mul3A_30, %slice3A_29 : vector<4608x48xf32>
    %add3A_32 = arith.addf %add3A_27, %mul3A_31 : vector<4608x48xf32>
    %slice3A_33 = vector.extract_strided_slice %get3A_16 {offsets = [0, 4], sizes = [4608, 1], strides = [1, 1]} : vector<4608x7xf32> to vector<4608x1xf32>
    %slice3A_34 = vector.extract_strided_slice %pad3A_13 {offsets = [4, 0], sizes = [4608, 48], strides = [1, 1]} : vector<4614x48xf32> to vector<4608x48xf32>
    %mul3A_35 = vector.broadcast %slice3A_33 : vector<4608x1xf32> to vector<4608x48xf32>
    %mul3A_36 = arith.mulf %mul3A_35, %slice3A_34 : vector<4608x48xf32>
    %add3A_37 = arith.addf %add3A_32, %mul3A_36 : vector<4608x48xf32>
    %slice3A_38 = vector.extract_strided_slice %get3A_16 {offsets = [0, 5], sizes = [4608, 1], strides = [1, 1]} : vector<4608x7xf32> to vector<4608x1xf32>
    %slice3A_39 = vector.extract_strided_slice %pad3A_13 {offsets = [5, 0], sizes = [4608, 48], strides = [1, 1]} : vector<4614x48xf32> to vector<4608x48xf32>
    %mul3A_40 = vector.broadcast %slice3A_38 : vector<4608x1xf32> to vector<4608x48xf32>
    %mul3A_41 = arith.mulf %mul3A_40, %slice3A_39 : vector<4608x48xf32>
    %add3A_42 = arith.addf %add3A_37, %mul3A_41 : vector<4608x48xf32>
    %slice3A_43 = vector.extract_strided_slice %get3A_16 {offsets = [0, 6], sizes = [4608, 1], strides = [1, 1]} : vector<4608x7xf32> to vector<4608x1xf32>
    %slice3A_44 = vector.extract_strided_slice %pad3A_13 {offsets = [6, 0], sizes = [4608, 48], strides = [1, 1]} : vector<4614x48xf32> to vector<4608x48xf32>
    %mul3A_45 = vector.broadcast %slice3A_43 : vector<4608x1xf32> to vector<4608x48xf32>
    %mul3A_46 = arith.mulf %mul3A_45, %slice3A_44 : vector<4608x48xf32>
    %add3A_47 = arith.addf %add3A_42, %mul3A_46 : vector<4608x48xf32>
    %sub3A = arith.subf %get3A_7, %add3A_47 : vector<4608x48xf32>
    %abs3A = math.absf %sub3A : vector<4608x48xf32>
    %slice3A_48 = vector.extract_strided_slice %abs3A {offsets = [0, 0], sizes = [2304, 48], strides = [1, 1]} : vector<4608x48xf32> to vector<2304x48xf32>
    %slice3A_49 = vector.extract_strided_slice %abs3A {offsets = [2304, 0], sizes = [2304, 48], strides = [1, 1]} : vector<4608x48xf32> to vector<2304x48xf32>
    %add3A_50 = arith.addf %slice3A_48, %slice3A_49 : vector<2304x48xf32>
    %slice3A_51 = vector.extract_strided_slice %add3A_50 {offsets = [0, 0], sizes = [1152, 48], strides = [1, 1]} : vector<2304x48xf32> to vector<1152x48xf32>
    %slice3A_52 = vector.extract_strided_slice %add3A_50 {offsets = [1152, 0], sizes = [1152, 48], strides = [1, 1]} : vector<2304x48xf32> to vector<1152x48xf32>
    %add3A_53 = arith.addf %slice3A_51, %slice3A_52 : vector<1152x48xf32>
    %slice3A_54 = vector.extract_strided_slice %add3A_53 {offsets = [0, 0], sizes = [576, 48], strides = [1, 1]} : vector<1152x48xf32> to vector<576x48xf32>
    %slice3A_55 = vector.extract_strided_slice %add3A_53 {offsets = [576, 0], sizes = [576, 48], strides = [1, 1]} : vector<1152x48xf32> to vector<576x48xf32>
    %add3A_56 = arith.addf %slice3A_54, %slice3A_55 : vector<576x48xf32>
    %slice3A_57 = vector.extract_strided_slice %add3A_56 {offsets = [0, 0], sizes = [288, 48], strides = [1, 1]} : vector<576x48xf32> to vector<288x48xf32>
    %slice3A_58 = vector.extract_strided_slice %add3A_56 {offsets = [288, 0], sizes = [288, 48], strides = [1, 1]} : vector<576x48xf32> to vector<288x48xf32>
    %add3A_59 = arith.addf %slice3A_57, %slice3A_58 : vector<288x48xf32>
    %slice3A_60 = vector.extract_strided_slice %add3A_59 {offsets = [0, 0], sizes = [144, 48], strides = [1, 1]} : vector<288x48xf32> to vector<144x48xf32>
    %slice3A_61 = vector.extract_strided_slice %add3A_59 {offsets = [144, 0], sizes = [144, 48], strides = [1, 1]} : vector<288x48xf32> to vector<144x48xf32>
    %add3A_62 = arith.addf %slice3A_60, %slice3A_61 : vector<144x48xf32>
    %slice3A_63 = vector.extract_strided_slice %add3A_62 {offsets = [0, 0], sizes = [48, 48], strides = [1, 1]} : vector<144x48xf32> to vector<48x48xf32>
    %slice3A_64 = vector.extract_strided_slice %add3A_62 {offsets = [48, 0], sizes = [48, 48], strides = [1, 1]} : vector<144x48xf32> to vector<48x48xf32>
    %add3A_65 = arith.addf %slice3A_63, %slice3A_64 : vector<48x48xf32>
    %slice3A_66 = vector.extract_strided_slice %add3A_62 {offsets = [96, 0], sizes = [48, 48], strides = [1, 1]} : vector<144x48xf32> to vector<48x48xf32>
    %add3A_67 = arith.addf %add3A_65, %slice3A_66 : vector<48x48xf32>
    %reduce_min3A = vector.shape_cast %add3A_67 : vector<48x48xf32> to vector<1x48x48xf32>
    %reduce_min3A_68 = arith.constant dense<0x7F800000> : vector<1xf32>
    %reduce_min3A_69 = vector.multi_reduction <minimumf>, %reduce_min3A, %reduce_min3A_68 [1, 2] : vector<1x48x48xf32> to vector<1xf32>
    %reduce_min3A_70 = vector.shape_cast %reduce_min3A_69 : vector<1xf32> to vector<1x1x1xf32>
    %reduce_min3A_71 = vector.extract %reduce_min3A_70[0, 0, 0] : f32 from vector<1x1x1xf32>
    %reduce_max3A = vector.shape_cast %add3A_67 : vector<48x48xf32> to vector<1x48x48xf32>
    %reduce_max3A_72 = arith.constant dense<0xFF800000> : vector<1xf32>
    %reduce_max3A_73 = vector.multi_reduction <maximumf>, %reduce_max3A, %reduce_max3A_72 [1, 2] : vector<1x48x48xf32> to vector<1xf32>
    %reduce_max3A_74 = vector.shape_cast %reduce_max3A_73 : vector<1xf32> to vector<1x1x1xf32>
    %reduce_max3A_75 = vector.extract %reduce_max3A_74[0, 0, 0] : f32 from vector<1x1x1xf32>
    %sub3A_76 = vector.broadcast %reduce_min3A_71 : f32 to vector<48x48xf32>
    %sub3A_77 = arith.subf %add3A_67, %sub3A_76 : vector<48x48xf32>
    %sub3A_78 = arith.subf %reduce_max3A_75, %reduce_min3A_71 : f32
    %add3A_79 = arith.constant 9.99999993E-9 : f32
    %add3A_80 = arith.addf %sub3A_78, %add3A_79 : f32
    %div3A = vector.broadcast %add3A_80 : f32 to vector<48x48xf32>
    %div3A_81 = arith.divf %sub3A_77, %div3A : vector<48x48xf32>
    %mul3A_82 = arith.constant 1.500000e+01 : f32
    %mul3A_83 = vector.broadcast %mul3A_82 : f32 to vector<48x48xf32>
    %mul3A_84 = arith.mulf %div3A_81, %mul3A_83 : vector<48x48xf32>
    %round3A = math.roundeven %mul3A_84 : vector<48x48xf32>
    %add3A_85 = arith.constant 1.000000e+00 : f32
    %add3A_86 = vector.broadcast %add3A_85 : f32 to vector<48x48xf32>
    %add3A_87 = arith.addf %add3A_86, %round3A : vector<48x48xf32>
    %swap3A = arith.constant 0 : index
    %swap3A_88 = arith.constant 0 : index
    %swap3A_89 = vector.load %arg7[%swap3A, %swap3A_88] : memref<48x48xf32, #tpu.memory_space<vmem>>, vector<48x48xf32>
    tpu.vector_store %arg7[%swap3A, %swap3A_88], %add3A_87 {strides = array<i32>} : memref<48x48xf32, #tpu.memory_space<vmem>>, vector<48x48xf32>,
    %get3A_90 = arith.constant 32 : index
    %get3A_91 = arith.constant 0 : index
    %get3A_92 = vector.load %arg0[%get3A_90, %get3A_91] : memref<2976x96xf32, #tpu.memory_space<vmem>>, vector<2880x96xf32>
    %mul3A_93 = arith.mulf %get3A_92, %get3A_92 : vector<2880x96xf32>
    %reduce_sum3A = arith.constant dense<0.000000e+00> : vector<2880xf32>
    %reduce_sum3A_94 = vector.multi_reduction <add>, %mul3A_93, %reduce_sum3A [1] : vector<2880x96xf32> to vector<2880xf32>
    %broadcast_in_dim3A = vector.shape_cast %reduce_sum3A_94 : vector<2880xf32> to vector<2880x1xf32>
    %sqrt3A = math.sqrt %broadcast_in_dim3A : vector<2880x1xf32>
    %max3A = arith.constant 9.99999996E-13 : f32
    %max3A_95 = vector.broadcast %max3A : f32 to vector<2880x1xf32>
    %max3A_96 = arith.maximumf %sqrt3A, %max3A_95 : vector<2880x1xf32>
    %div3A_97 = vector.broadcast %max3A_96 : vector<2880x1xf32> to vector<2880x96xf32>
    %div3A_98 = arith.divf %get3A_92, %div3A_97 : vector<2880x96xf32>
    %swap3A_99 = arith.constant 0 : index
    %swap3A_100 = arith.constant 0 : index
    %swap3A_101 = vector.load %arg8[%swap3A_99, %swap3A_100] : memref<2880x96xf32, #tpu.memory_space<vmem>>, vector<2880x96xf32>
    tpu.vector_store %arg8[%swap3A_99, %swap3A_100], %div3A_98 {strides = array<i32>} : memref<2880x96xf32, #tpu.memory_space<vmem>>, vector<2880x96xf32>,
    %get3A_102 = arith.constant 0 : index
    %get3A_103 = arith.constant 0 : index
    %get3A_104 = vector.load %arg1[%get3A_102, %get3A_103] : memref<96x2880xf32, #tpu.memory_space<vmem>>, vector<96x2880xf32>
    %mul3A_105 = arith.mulf %get3A_104, %get3A_104 : vector<96x2880xf32>
    %reduce_sum3A_106 = arith.constant dense<0.000000e+00> : vector<2880xf32>
    %reduce_sum3A_107 = vector.multi_reduction <add>, %mul3A_105, %reduce_sum3A_106 [0] : vector<96x2880xf32> to vector<2880xf32>
    %broadcast_in_dim3A_108 = vector.shape_cast %reduce_sum3A_107 : vector<2880xf32> to vector<1x2880xf32>
    %sqrt3A_109 = math.sqrt %broadcast_in_dim3A_108 : vector<1x2880xf32>
    %max3A_110 = arith.constant 9.99999996E-13 : f32
    %max3A_111 = vector.broadcast %max3A_110 : f32 to vector<1x2880xf32>
    %max3A_112 = arith.maximumf %sqrt3A_109, %max3A_111 : vector<1x2880xf32>
    %iota3A = tpu.iota {dimensions = array<i32: 0>} : vector<384x960xi32>
    %iota3A_113 = tpu.iota {dimensions = array<i32: 1>} : vector<384x960xi32>
    %jit3A_114 = arith.constant 48 : i32
    %div3A_115 = vector.broadcast %jit3A_114 : i32 to vector<384x960xi32>
    %div3A_116 = arith.divsi %iota3A, %div3A_115 : vector<384x960xi32>
    %sign3A = arith.constant 0 : i32
    %sign3A_117 = vector.broadcast %sign3A : i32 to vector<384x960xi32>
    %sign3A_118 = arith.cmpi sgt, %iota3A, %sign3A_117 : vector<384x960xi32>
    %sign3A_119 = arith.extui %sign3A_118 : vector<384x960xi1> to vector<384x960xi32>
    %sign3A_120 = arith.constant 0 : i32
    %sign3A_121 = vector.broadcast %sign3A_120 : i32 to vector<384x960xi32>
    %sign3A_122 = arith.cmpi slt, %iota3A, %sign3A_121 : vector<384x960xi32>
    %sign3A_123 = arith.extui %sign3A_122 : vector<384x960xi1> to vector<384x960xi32>
    %sign3A_124 = arith.subi %sign3A_119, %sign3A_123 : vector<384x960xi32>
    %sign3A_125 = arith.constant 0 : i32
    %sign3A_126 = arith.cmpi sgt, %jit3A_114, %sign3A_125 : i32
    %sign3A_127 = arith.extui %sign3A_126 : i1 to i32
    %sign3A_128 = arith.constant 0 : i32
    %sign3A_129 = arith.cmpi slt, %jit3A_114, %sign3A_128 : i32
    %sign3A_130 = arith.extui %sign3A_129 : i1 to i32
    %sign3A_131 = arith.subi %sign3A_127, %sign3A_130 : i32
    %ne3A = vector.broadcast %sign3A_131 : i32 to vector<384x960xi32>
    %ne3A_132 = arith.cmpi ne, %sign3A_124, %ne3A : vector<384x960xi32>
    %rem3A = vector.broadcast %jit3A_114 : i32 to vector<384x960xi32>
    %rem3A_133 = arith.remsi %iota3A, %rem3A : vector<384x960xi32>
    %ne3A_134 = arith.constant 0 : i32
    %ne3A_135 = vector.broadcast %ne3A_134 : i32 to vector<384x960xi32>
    %ne3A_136 = arith.cmpi ne, %rem3A_133, %ne3A_135 : vector<384x960xi32>
    %and3A = arith.andi %ne3A_132, %ne3A_136 : vector<384x960xi1>
    %sub3A_137 = arith.constant 1 : i32
    %sub3A_138 = vector.broadcast %sub3A_137 : i32 to vector<384x960xi32>
    %sub3A_139 = arith.subi %div3A_116, %sub3A_138 : vector<384x960xi32>
    %select_n3A = arith.select %and3A, %sub3A_139, %div3A_116 : vector<384x960xi1>, vector<384x960xi32>
    %mul3A_140 = arith.constant 48 : i32
    %mul3A_141 = vector.broadcast %mul3A_140 : i32 to vector<384x960xi32>
    %mul3A_142 = arith.muli %select_n3A, %mul3A_141 : vector<384x960xi32>
    %sub3A_143 = arith.subi %iota3A, %mul3A_142 : vector<384x960xi32>
    %jit3A_144 = arith.constant 48 : i32
    %div3A_145 = vector.broadcast %jit3A_144 : i32 to vector<384x960xi32>
    %div3A_146 = arith.divsi %iota3A_113, %div3A_145 : vector<384x960xi32>
    %sign3A_147 = arith.constant 0 : i32
    %sign3A_148 = vector.broadcast %sign3A_147 : i32 to vector<384x960xi32>
    %sign3A_149 = arith.cmpi sgt, %iota3A_113, %sign3A_148 : vector<384x960xi32>
    %sign3A_150 = arith.extui %sign3A_149 : vector<384x960xi1> to vector<384x960xi32>
    %sign3A_151 = arith.constant 0 : i32
    %sign3A_152 = vector.broadcast %sign3A_151 : i32 to vector<384x960xi32>
    %sign3A_153 = arith.cmpi slt, %iota3A_113, %sign3A_152 : vector<384x960xi32>
    %sign3A_154 = arith.extui %sign3A_153 : vector<384x960xi1> to vector<384x960xi32>
    %sign3A_155 = arith.subi %sign3A_150, %sign3A_154 : vector<384x960xi32>
    %sign3A_156 = arith.constant 0 : i32
    %sign3A_157 = arith.cmpi sgt, %jit3A_144, %sign3A_156 : i32
    %sign3A_158 = arith.extui %sign3A_157 : i1 to i32
    %sign3A_159 = arith.constant 0 : i32
    %sign3A_160 = arith.cmpi slt, %jit3A_144, %sign3A_159 : i32
    %sign3A_161 = arith.extui %sign3A_160 : i1 to i32
    %sign3A_162 = arith.subi %sign3A_158, %sign3A_161 : i32
    %ne3A_163 = vector.broadcast %sign3A_162 : i32 to vector<384x960xi32>
    %ne3A_164 = arith.cmpi ne, %sign3A_155, %ne3A_163 : vector<384x960xi32>
    %rem3A_165 = vector.broadcast %jit3A_144 : i32 to vector<384x960xi32>
    %rem3A_166 = arith.remsi %iota3A_113, %rem3A_165 : vector<384x960xi32>
    %ne3A_167 = arith.constant 0 : i32
    %ne3A_168 = vector.broadcast %ne3A_167 : i32 to vector<384x960xi32>
    %ne3A_169 = arith.cmpi ne, %rem3A_166, %ne3A_168 : vector<384x960xi32>
    %and3A_170 = arith.andi %ne3A_164, %ne3A_169 : vector<384x960xi1>
    %sub3A_171 = arith.constant 1 : i32
    %sub3A_172 = vector.broadcast %sub3A_171 : i32 to vector<384x960xi32>
    %sub3A_173 = arith.subi %div3A_146, %sub3A_172 : vector<384x960xi32>
    %select_n3A_174 = arith.select %and3A_170, %sub3A_173, %div3A_146 : vector<384x960xi1>, vector<384x960xi32>
    %mul3A_175 = arith.constant 48 : i32
    %mul3A_176 = vector.broadcast %mul3A_175 : i32 to vector<384x960xi32>
    %mul3A_177 = arith.muli %select_n3A_174, %mul3A_176 : vector<384x960xi32>
    %sub3A_178 = arith.subi %iota3A_113, %mul3A_177 : vector<384x960xi32>
    %sub3A_179 = arith.subi %sub3A_178, %sub3A_143 : vector<384x960xi32>
    %abs3A_180 = math.absi %sub3A_179 : vector<384x960xi32>
    %le3A = arith.constant 6 : i32
    %le3A_181 = vector.broadcast %le3A : i32 to vector<384x960xi32>
    %le3A_182 = arith.cmpi sle, %abs3A_180, %le3A_181 : vector<384x960xi32>
    %sub3A_183 = arith.subi %select_n3A_174, %select_n3A : vector<384x960xi32>
    %ge3A = arith.constant 0 : i32
    %ge3A_184 = vector.broadcast %ge3A : i32 to vector<384x960xi32>
    %ge3A_185 = arith.cmpi sge, %sub3A_183, %ge3A_184 : vector<384x960xi32>
    %and3A_186 = arith.andi %le3A_182, %ge3A_185 : vector<384x960xi1>
    %le3A_187 = arith.constant 12 : i32
    %le3A_188 = vector.broadcast %le3A_187 : i32 to vector<384x960xi32>
    %le3A_189 = arith.cmpi sle, %sub3A_183, %le3A_188 : vector<384x960xi32>
    %and3A_190 = arith.andi %and3A_186, %le3A_189 : vector<384x960xi1>
    %broadcast_in_dim3A_191 = arith.constant -1.000000e+09 : f32
    %broadcast_in_dim3A_192 = vector.broadcast %broadcast_in_dim3A_191 : f32 to vector<384x32xf32>
    %get3A_193 = arith.constant 288 : index
    %get3A_194 = arith.constant 0 : index
    %get3A_195 = vector.load %arg8[%get3A_193, %get3A_194] : memref<2880x96xf32, #tpu.memory_space<vmem>>, vector<384x96xf32>
    %get3A_196 = arith.constant 32 : index
    %get3A_197 = arith.constant 0 : index
    %get3A_198 = vector.load %arg0[%get3A_196, %get3A_197] : memref<2976x96xf32, #tpu.memory_space<vmem>>, vector<960x96xf32>
    %dot_general3A_199 = arith.constant dense<0.000000e+00> : vector<384x960xf32>
    %dot_general3A_200 = tpu.matmul %get3A_195, %get3A_198, %dot_general3A_199 {dimension_numbers = #tpu.dot_dimension_numbers<[1], [1], [0], [0], [0, 0, 1, 0], [], []>, transpose_lhs_hint = false} : vector<384x96xf32>, vector<960x96xf32>, vector<384x960xf32> -> vector<384x960xf32>
    %slice3A_201 = vector.extract_strided_slice %max3A_112 {offsets = [0, 0], sizes = [1, 960], strides = [1, 1]} : vector<1x2880xf32> to vector<1x960xf32>
    %div3A_202 = vector.broadcast %slice3A_201 : vector<1x960xf32> to vector<384x960xf32>
    %div3A_203 = arith.divf %dot_general3A_200, %div3A_202 : vector<384x960xf32>
    %add3A_204 = arith.constant 0 : i32
    %add3A_205 = vector.broadcast %add3A_204 : i32 to vector<384x960xi32>
    %add3A_206 = arith.addi %add3A_205, %select_n3A_174 : vector<384x960xi32>
    %sub3A_207 = arith.constant 6 : i32
    %sub3A_208 = vector.broadcast %sub3A_207 : i32 to vector<384x960xi32>
    %sub3A_209 = arith.subi %add3A_206, %sub3A_208 : vector<384x960xi32>
    %ge3A_210 = arith.constant 0 : i32
    %ge3A_211 = vector.broadcast %ge3A_210 : i32 to vector<384x960xi32>
    %ge3A_212 = arith.cmpi sge, %sub3A_209, %ge3A_211 : vector<384x960xi32>
    %add3A_213 = arith.constant 0 : i32
    %add3A_214 = vector.broadcast %add3A_213 : i32 to vector<384x960xi32>
    %add3A_215 = arith.addi %add3A_214, %select_n3A_174 : vector<384x960xi32>
    %sub3A_216 = arith.constant 6 : i32
    %sub3A_217 = vector.broadcast %sub3A_216 : i32 to vector<384x960xi32>
    %sub3A_218 = arith.subi %add3A_215, %sub3A_217 : vector<384x960xi32>
    %lt3A = arith.constant 48 : i32
    %lt3A_219 = vector.broadcast %lt3A : i32 to vector<384x960xi32>
    %lt3A_220 = arith.cmpi slt, %sub3A_218, %lt3A_219 : vector<384x960xi32>
    %and3A_221 = arith.andi %ge3A_212, %lt3A_220 : vector<384x960xi1>
    %and3A_222 = arith.andi %and3A_190, %and3A_221 : vector<384x960xi1>
    %jit3A_223 = arith.constant -1.000000e+09 : f32
    %broadcast_in_dim3A_224 = vector.broadcast %jit3A_223 : f32 to vector<384x960xf32>
    %select_n3A_225 = arith.select %and3A_222, %div3A_203, %broadcast_in_dim3A_224 : vector<384x960xi1>, vector<384x960xf32>
    %concatenate3A = tpu.concatenate %broadcast_in_dim3A_192, %select_n3A_225, %broadcast_in_dim3A_192 in 1 : vector<384x32xf32>, vector<384x960xf32>, vector<384x32xf32> -> vector<384x1024xf32>
    %swap3A_226 = arith.constant 0 : index
    %swap3A_227 = arith.constant 0 : index
    %swap3A_228 = vector.load %arg6[%swap3A_226, %swap3A_227] : memref<2304x1024xf32, #tpu.memory_space<vmem>>, vector<384x1024xf32>
    tpu.vector_store %arg6[%swap3A_226, %swap3A_227], %concatenate3A {strides = array<i32>} : memref<2304x1024xf32, #tpu.memory_space<vmem>>, vector<384x1024xf32>,
    %get3A_229 = arith.constant 672 : index
    %get3A_230 = arith.constant 0 : index
    %get3A_231 = vector.load %arg8[%get3A_229, %get3A_230] : memref<2880x96xf32, #tpu.memory_space<vmem>>, vector<384x96xf32>
    %get3A_232 = arith.constant 416 : index
    %get3A_233 = arith.constant 0 : index
    %get3A_234 = vector.load %arg0[%get3A_232, %get3A_233] : memref<2976x96xf32, #tpu.memory_space<vmem>>, vector<960x96xf32>
    %dot_general3A_235 = arith.constant dense<0.000000e+00> : vector<384x960xf32>
    %dot_general3A_236 = tpu.matmul %get3A_231, %get3A_234, %dot_general3A_235 {dimension_numbers = #tpu.dot_dimension_numbers<[1], [1], [0], [0], [0, 0, 1, 0], [], []>, transpose_lhs_hint = false} : vector<384x96xf32>, vector<960x96xf32>, vector<384x960xf32> -> vector<384x960xf32>
    %slice3A_237 = vector.extract_strided_slice %max3A_112 {offsets = [0, 384], sizes = [1, 960], strides = [1, 1]} : vector<1x2880xf32> to vector<1x960xf32>
    %div3A_238 = vector.broadcast %slice3A_237 : vector<1x960xf32> to vector<384x960xf32>
    %div3A_239 = arith.divf %dot_general3A_236, %div3A_238 : vector<384x960xf32>
    %add3A_240 = arith.constant 8 : i32
    %add3A_241 = vector.broadcast %add3A_240 : i32 to vector<384x960xi32>
    %add3A_242 = arith.addi %add3A_241, %select_n3A_174 : vector<384x960xi32>
    %sub3A_243 = arith.constant 6 : i32
    %sub3A_244 = vector.broadcast %sub3A_243 : i32 to vector<384x960xi32>
    %sub3A_245 = arith.subi %add3A_242, %sub3A_244 : vector<384x960xi32>
    %ge3A_246 = arith.constant 0 : i32
    %ge3A_247 = vector.broadcast %ge3A_246 : i32 to vector<384x960xi32>
    %ge3A_248 = arith.cmpi sge, %sub3A_245, %ge3A_247 : vector<384x960xi32>
    %add3A_249 = arith.constant 8 : i32
    %add3A_250 = vector.broadcast %add3A_249 : i32 to vector<384x960xi32>
    %add3A_251 = arith.addi %add3A_250, %select_n3A_174 : vector<384x960xi32>
    %sub3A_252 = arith.constant 6 : i32
    %sub3A_253 = vector.broadcast %sub3A_252 : i32 to vector<384x960xi32>
    %sub3A_254 = arith.subi %add3A_251, %sub3A_253 : vector<384x960xi32>
    %lt3A_255 = arith.constant 48 : i32
    %lt3A_256 = vector.broadcast %lt3A_255 : i32 to vector<384x960xi32>
    %lt3A_257 = arith.cmpi slt, %sub3A_254, %lt3A_256 : vector<384x960xi32>
    %and3A_258 = arith.andi %ge3A_248, %lt3A_257 : vector<384x960xi1>
    %and3A_259 = arith.andi %and3A_190, %and3A_258 : vector<384x960xi1>
    %jit3A_260 = arith.constant -1.000000e+09 : f32
    %broadcast_in_dim3A_261 = vector.broadcast %jit3A_260 : f32 to vector<384x960xf32>
    %select_n3A_262 = arith.select %and3A_259, %div3A_239, %broadcast_in_dim3A_261 : vector<384x960xi1>, vector<384x960xf32>
    %concatenate3A_263 = tpu.concatenate %broadcast_in_dim3A_192, %select_n3A_262, %broadcast_in_dim3A_192 in 1 : vector<384x32xf32>, vector<384x960xf32>, vector<384x32xf32> -> vector<384x1024xf32>
    %swap3A_264 = arith.constant 384 : index
    %swap3A_265 = arith.constant 0 : index
    %swap3A_266 = vector.load %arg6[%swap3A_264, %swap3A_265] : memref<2304x1024xf32, #tpu.memory_space<vmem>>, vector<384x1024xf32>
    tpu.vector_store %arg6[%swap3A_264, %swap3A_265], %concatenate3A_263 {strides = array<i32>} : memref<2304x1024xf32, #tpu.memory_space<vmem>>, vector<384x1024xf32>,
    %get3A_267 = arith.constant 1056 : index
    %get3A_268 = arith.constant 0 : index
    %get3A_269 = vector.load %arg8[%get3A_267, %get3A_268] : memref<2880x96xf32, #tpu.memory_space<vmem>>, vector<384x96xf32>
    %get3A_270 = arith.constant 800 : index
    %get3A_271 = arith.constant 0 : index
    %get3A_272 = vector.load %arg0[%get3A_270, %get3A_271] : memref<2976x96xf32, #tpu.memory_space<vmem>>, vector<960x96xf32>
    %dot_general3A_273 = arith.constant dense<0.000000e+00> : vector<384x960xf32>
    %dot_general3A_274 = tpu.matmul %get3A_269, %get3A_272, %dot_general3A_273 {dimension_numbers = #tpu.dot_dimension_numbers<[1], [1], [0], [0], [0, 0, 1, 0], [], []>, transpose_lhs_hint = false} : vector<384x96xf32>, vector<960x96xf32>, vector<384x960xf32> -> vector<384x960xf32>
    %slice3A_275 = vector.extract_strided_slice %max3A_112 {offsets = [0, 768], sizes = [1, 960], strides = [1, 1]} : vector<1x2880xf32> to vector<1x960xf32>
    %div3A_276 = vector.broadcast %slice3A_275 : vector<1x960xf32> to vector<384x960xf32>
    %div3A_277 = arith.divf %dot_general3A_274, %div3A_276 : vector<384x960xf32>
    %add3A_278 = arith.constant 16 : i32
    %add3A_279 = vector.broadcast %add3A_278 : i32 to vector<384x960xi32>
    %add3A_280 = arith.addi %add3A_279, %select_n3A_174 : vector<384x960xi32>
    %sub3A_281 = arith.constant 6 : i32
    %sub3A_282 = vector.broadcast %sub3A_281 : i32 to vector<384x960xi32>
    %sub3A_283 = arith.subi %add3A_280, %sub3A_282 : vector<384x960xi32>
    %ge3A_284 = arith.constant 0 : i32
    %ge3A_285 = vector.broadcast %ge3A_284 : i32 to vector<384x960xi32>
    %ge3A_286 = arith.cmpi sge, %sub3A_283, %ge3A_285 : vector<384x960xi32>
    %add3A_287 = arith.constant 16 : i32
    %add3A_288 = vector.broadcast %add3A_287 : i32 to vector<384x960xi32>
    %add3A_289 = arith.addi %add3A_288, %select_n3A_174 : vector<384x960xi32>
    %sub3A_290 = arith.constant 6 : i32
    %sub3A_291 = vector.broadcast %sub3A_290 : i32 to vector<384x960xi32>
    %sub3A_292 = arith.subi %add3A_289, %sub3A_291 : vector<384x960xi32>
    %lt3A_293 = arith.constant 48 : i32
    %lt3A_294 = vector.broadcast %lt3A_293 : i32 to vector<384x960xi32>
    %lt3A_295 = arith.cmpi slt, %sub3A_292, %lt3A_294 : vector<384x960xi32>
    %and3A_296 = arith.andi %ge3A_286, %lt3A_295 : vector<384x960xi1>
    %and3A_297 = arith.andi %and3A_190, %and3A_296 : vector<384x960xi1>
    %jit3A_298 = arith.constant -1.000000e+09 : f32
    %broadcast_in_dim3A_299 = vector.broadcast %jit3A_298 : f32 to vector<384x960xf32>
    %select_n3A_300 = arith.select %and3A_297, %div3A_277, %broadcast_in_dim3A_299 : vector<384x960xi1>, vector<384x960xf32>
    %concatenate3A_301 = tpu.concatenate %broadcast_in_dim3A_192, %select_n3A_300, %broadcast_in_dim3A_192 in 1 : vector<384x32xf32>, vector<384x960xf32>, vector<384x32xf32> -> vector<384x1024xf32>
    %swap3A_302 = arith.constant 768 : index
    %swap3A_303 = arith.constant 0 : index
    %swap3A_304 = vector.load %arg6[%swap3A_302, %swap3A_303] : memref<2304x1024xf32, #tpu.memory_space<vmem>>, vector<384x1024xf32>
    tpu.vector_store %arg6[%swap3A_302, %swap3A_303], %concatenate3A_301 {strides = array<i32>} : memref<2304x1024xf32, #tpu.memory_space<vmem>>, vector<384x1024xf32>,
    %get3A_305 = arith.constant 1440 : index
    %get3A_306 = arith.constant 0 : index
    %get3A_307 = vector.load %arg8[%get3A_305, %get3A_306] : memref<2880x96xf32, #tpu.memory_space<vmem>>, vector<384x96xf32>
    %get3A_308 = arith.constant 1184 : index
    %get3A_309 = arith.constant 0 : index
    %get3A_310 = vector.load %arg0[%get3A_308, %get3A_309] : memref<2976x96xf32, #tpu.memory_space<vmem>>, vector<960x96xf32>
    %dot_general3A_311 = arith.constant dense<0.000000e+00> : vector<384x960xf32>
    %dot_general3A_312 = tpu.matmul %get3A_307, %get3A_310, %dot_general3A_311 {dimension_numbers = #tpu.dot_dimension_numbers<[1], [1], [0], [0], [0, 0, 1, 0], [], []>, transpose_lhs_hint = false} : vector<384x96xf32>, vector<960x96xf32>, vector<384x960xf32> -> vector<384x960xf32>
    %slice3A_313 = vector.extract_strided_slice %max3A_112 {offsets = [0, 1152], sizes = [1, 960], strides = [1, 1]} : vector<1x2880xf32> to vector<1x960xf32>
    %div3A_314 = vector.broadcast %slice3A_313 : vector<1x960xf32> to vector<384x960xf32>
    %div3A_315 = arith.divf %dot_general3A_312, %div3A_314 : vector<384x960xf32>
    %add3A_316 = arith.constant 24 : i32
    %add3A_317 = vector.broadcast %add3A_316 : i32 to vector<384x960xi32>
    %add3A_318 = arith.addi %add3A_317, %select_n3A_174 : vector<384x960xi32>
    %sub3A_319 = arith.constant 6 : i32
    %sub3A_320 = vector.broadcast %sub3A_319 : i32 to vector<384x960xi32>
    %sub3A_321 = arith.subi %add3A_318, %sub3A_320 : vector<384x960xi32>
    %ge3A_322 = arith.constant 0 : i32
    %ge3A_323 = vector.broadcast %ge3A_322 : i32 to vector<384x960xi32>
    %ge3A_324 = arith.cmpi sge, %sub3A_321, %ge3A_323 : vector<384x960xi32>
    %add3A_325 = arith.constant 24 : i32
    %add3A_326 = vector.broadcast %add3A_325 : i32 to vector<384x960xi32>
    %add3A_327 = arith.addi %add3A_326, %select_n3A_174 : vector<384x960xi32>
    %sub3A_328 = arith.constant 6 : i32
    %sub3A_329 = vector.broadcast %sub3A_328 : i32 to vector<384x960xi32>
    %sub3A_330 = arith.subi %add3A_327, %sub3A_329 : vector<384x960xi32>
    %lt3A_331 = arith.constant 48 : i32
    %lt3A_332 = vector.broadcast %lt3A_331 : i32 to vector<384x960xi32>
    %lt3A_333 = arith.cmpi slt, %sub3A_330, %lt3A_332 : vector<384x960xi32>
    %and3A_334 = arith.andi %ge3A_324, %lt3A_333 : vector<384x960xi1>
    %and3A_335 = arith.andi %and3A_190, %and3A_334 : vector<384x960xi1>
    %jit3A_336 = arith.constant -1.000000e+09 : f32
    %broadcast_in_dim3A_337 = vector.broadcast %jit3A_336 : f32 to vector<384x960xf32>
    %select_n3A_338 = arith.select %and3A_335, %div3A_315, %broadcast_in_dim3A_337 : vector<384x960xi1>, vector<384x960xf32>
    %concatenate3A_339 = tpu.concatenate %broadcast_in_dim3A_192, %select_n3A_338, %broadcast_in_dim3A_192 in 1 : vector<384x32xf32>, vector<384x960xf32>, vector<384x32xf32> -> vector<384x1024xf32>
    %swap3A_340 = arith.constant 1152 : index
    %swap3A_341 = arith.constant 0 : index
    %swap3A_342 = vector.load %arg6[%swap3A_340, %swap3A_341] : memref<2304x1024xf32, #tpu.memory_space<vmem>>, vector<384x1024xf32>
    tpu.vector_store %arg6[%swap3A_340, %swap3A_341], %concatenate3A_339 {strides = array<i32>} : memref<2304x1024xf32, #tpu.memory_space<vmem>>, vector<384x1024xf32>,
    %get3A_343 = arith.constant 1824 : index
    %get3A_344 = arith.constant 0 : index
    %get3A_345 = vector.load %arg8[%get3A_343, %get3A_344] : memref<2880x96xf32, #tpu.memory_space<vmem>>, vector<384x96xf32>
    %get3A_346 = arith.constant 1568 : index
    %get3A_347 = arith.constant 0 : index
    %get3A_348 = vector.load %arg0[%get3A_346, %get3A_347] : memref<2976x96xf32, #tpu.memory_space<vmem>>, vector<960x96xf32>
    %dot_general3A_349 = arith.constant dense<0.000000e+00> : vector<384x960xf32>
    %dot_general3A_350 = tpu.matmul %get3A_345, %get3A_348, %dot_general3A_349 {dimension_numbers = #tpu.dot_dimension_numbers<[1], [1], [0], [0], [0, 0, 1, 0], [], []>, transpose_lhs_hint = false} : vector<384x96xf32>, vector<960x96xf32>, vector<384x960xf32> -> vector<384x960xf32>
    %slice3A_351 = vector.extract_strided_slice %max3A_112 {offsets = [0, 1536], sizes = [1, 960], strides = [1, 1]} : vector<1x2880xf32> to vector<1x960xf32>
    %div3A_352 = vector.broadcast %slice3A_351 : vector<1x960xf32> to vector<384x960xf32>
    %div3A_353 = arith.divf %dot_general3A_350, %div3A_352 : vector<384x960xf32>
    %add3A_354 = arith.constant 32 : i32
    %add3A_355 = vector.broadcast %add3A_354 : i32 to vector<384x960xi32>
    %add3A_356 = arith.addi %add3A_355, %select_n3A_174 : vector<384x960xi32>
    %sub3A_357 = arith.constant 6 : i32
    %sub3A_358 = vector.broadcast %sub3A_357 : i32 to vector<384x960xi32>
    %sub3A_359 = arith.subi %add3A_356, %sub3A_358 : vector<384x960xi32>
    %ge3A_360 = arith.constant 0 : i32
    %ge3A_361 = vector.broadcast %ge3A_360 : i32 to vector<384x960xi32>
    %ge3A_362 = arith.cmpi sge, %sub3A_359, %ge3A_361 : vector<384x960xi32>
    %add3A_363 = arith.constant 32 : i32
    %add3A_364 = vector.broadcast %add3A_363 : i32 to vector<384x960xi32>
    %add3A_365 = arith.addi %add3A_364, %select_n3A_174 : vector<384x960xi32>
    %sub3A_366 = arith.constant 6 : i32
    %sub3A_367 = vector.broadcast %sub3A_366 : i32 to vector<384x960xi32>
    %sub3A_368 = arith.subi %add3A_365, %sub3A_367 : vector<384x960xi32>
    %lt3A_369 = arith.constant 48 : i32
    %lt3A_370 = vector.broadcast %lt3A_369 : i32 to vector<384x960xi32>
    %lt3A_371 = arith.cmpi slt, %sub3A_368, %lt3A_370 : vector<384x960xi32>
    %and3A_372 = arith.andi %ge3A_362, %lt3A_371 : vector<384x960xi1>
    %and3A_373 = arith.andi %and3A_190, %and3A_372 : vector<384x960xi1>
    %jit3A_374 = arith.constant -1.000000e+09 : f32
    %broadcast_in_dim3A_375 = vector.broadcast %jit3A_374 : f32 to vector<384x960xf32>
    %select_n3A_376 = arith.select %and3A_373, %div3A_353, %broadcast_in_dim3A_375 : vector<384x960xi1>, vector<384x960xf32>
    %concatenate3A_377 = tpu.concatenate %broadcast_in_dim3A_192, %select_n3A_376, %broadcast_in_dim3A_192 in 1 : vector<384x32xf32>, vector<384x960xf32>, vector<384x32xf32> -> vector<384x1024xf32>
    %swap3A_378 = arith.constant 1536 : index
    %swap3A_379 = arith.constant 0 : index
    %swap3A_380 = vector.load %arg6[%swap3A_378, %swap3A_379] : memref<2304x1024xf32, #tpu.memory_space<vmem>>, vector<384x1024xf32>
    tpu.vector_store %arg6[%swap3A_378, %swap3A_379], %concatenate3A_377 {strides = array<i32>} : memref<2304x1024xf32, #tpu.memory_space<vmem>>, vector<384x1024xf32>,
    %get3A_381 = arith.constant 2208 : index
    %get3A_382 = arith.constant 0 : index
    %get3A_383 = vector.load %arg8[%get3A_381, %get3A_382] : memref<2880x96xf32, #tpu.memory_space<vmem>>, vector<384x96xf32>
    %get3A_384 = arith.constant 1952 : index
    %get3A_385 = arith.constant 0 : index
    %get3A_386 = vector.load %arg0[%get3A_384, %get3A_385] : memref<2976x96xf32, #tpu.memory_space<vmem>>, vector<960x96xf32>
    %dot_general3A_387 = arith.constant dense<0.000000e+00> : vector<384x960xf32>
    %dot_general3A_388 = tpu.matmul %get3A_383, %get3A_386, %dot_general3A_387 {dimension_numbers = #tpu.dot_dimension_numbers<[1], [1], [0], [0], [0, 0, 1, 0], [], []>, transpose_lhs_hint = false} : vector<384x96xf32>, vector<960x96xf32>, vector<384x960xf32> -> vector<384x960xf32>
    %slice3A_389 = vector.extract_strided_slice %max3A_112 {offsets = [0, 1920], sizes = [1, 960], strides = [1, 1]} : vector<1x2880xf32> to vector<1x960xf32>
    %div3A_390 = vector.broadcast %slice3A_389 : vector<1x960xf32> to vector<384x960xf32>
    %div3A_391 = arith.divf %dot_general3A_388, %div3A_390 : vector<384x960xf32>
    %add3A_392 = arith.constant 40 : i32
    %add3A_393 = vector.broadcast %add3A_392 : i32 to vector<384x960xi32>
    %add3A_394 = arith.addi %add3A_393, %select_n3A_174 : vector<384x960xi32>
    %sub3A_395 = arith.constant 6 : i32
    %sub3A_396 = vector.broadcast %sub3A_395 : i32 to vector<384x960xi32>
    %sub3A_397 = arith.subi %add3A_394, %sub3A_396 : vector<384x960xi32>
    %ge3A_398 = arith.constant 0 : i32
    %ge3A_399 = vector.broadcast %ge3A_398 : i32 to vector<384x960xi32>
    %ge3A_400 = arith.cmpi sge, %sub3A_397, %ge3A_399 : vector<384x960xi32>
    %add3A_401 = arith.constant 40 : i32
    %add3A_402 = vector.broadcast %add3A_401 : i32 to vector<384x960xi32>
    %add3A_403 = arith.addi %add3A_402, %select_n3A_174 : vector<384x960xi32>
    %sub3A_404 = arith.constant 6 : i32
    %sub3A_405 = vector.broadcast %sub3A_404 : i32 to vector<384x960xi32>
    %sub3A_406 = arith.subi %add3A_403, %sub3A_405 : vector<384x960xi32>
    %lt3A_407 = arith.constant 48 : i32
    %lt3A_408 = vector.broadcast %lt3A_407 : i32 to vector<384x960xi32>
    %lt3A_409 = arith.cmpi slt, %sub3A_406, %lt3A_408 : vector<384x960xi32>
    %and3A_410 = arith.andi %ge3A_400, %lt3A_409 : vector<384x960xi1>
    %and3A_411 = arith.andi %and3A_190, %and3A_410 : vector<384x960xi1>
    %jit3A_412 = arith.constant -1.000000e+09 : f32
    %broadcast_in_dim3A_413 = vector.broadcast %jit3A_412 : f32 to vector<384x960xf32>
    %select_n3A_414 = arith.select %and3A_411, %div3A_391, %broadcast_in_dim3A_413 : vector<384x960xi1>, vector<384x960xf32>
    %concatenate3A_415 = tpu.concatenate %broadcast_in_dim3A_192, %select_n3A_414, %broadcast_in_dim3A_192 in 1 : vector<384x32xf32>, vector<384x960xf32>, vector<384x32xf32> -> vector<384x1024xf32>
    %swap3A_416 = arith.constant 1920 : index
    %swap3A_417 = arith.constant 0 : index
    %swap3A_418 = vector.load %arg6[%swap3A_416, %swap3A_417] : memref<2304x1024xf32, #tpu.memory_space<vmem>>, vector<384x1024xf32>
    tpu.vector_store %arg6[%swap3A_416, %swap3A_417], %concatenate3A_415 {strides = array<i32>} : memref<2304x1024xf32, #tpu.memory_space<vmem>>, vector<384x1024xf32>,
    return
  }
}

module attributes {stable_mosaic.version = 14 : i64} {
  func.func @_tc2_body(%arg0: memref<2976x96xf32, #tpu.memory_space<vmem>>, %arg1: memref<2304x1024xf32, #tpu.memory_space<vmem>>, %arg2: memref<2304x16xf32, #tpu.memory_space<vmem>>, %arg3: memref<48x48xf32, #tpu.memory_space<vmem>>, %arg4: memref<1x96xf32, #tpu.memory_space<vmem>>, %arg5: memref<1x96xf32, #tpu.memory_space<vmem>>, %arg6: memref<192x96xf32, #tpu.memory_space<vmem>>, %arg7: memref<1x192xf32, #tpu.memory_space<vmem>>, %arg8: memref<96x192xf32, #tpu.memory_space<vmem>>, %arg9: memref<1x96xf32, #tpu.memory_space<vmem>>, %arg10: memref<2304x96xf32, #tpu.memory_space<vmem>>) attributes {dimension_semantics = [], scalar_prefetch = 0 : i64, scratch_operands = 0 : i64, tpu.core_type = #tpu.core_type<tc>} {
    %get3A = arith.constant 0 : index
    %get3A_0 = arith.constant 0 : index
    %get3A_1 = vector.load %arg3[%get3A, %get3A_0] : memref<48x48xf32, #tpu.memory_space<vmem>>, vector<48x48xf32>
    %concatenate3A = tpu.concatenate %get3A_1, %get3A_1, %get3A_1, %get3A_1, %get3A_1, %get3A_1, %get3A_1, %get3A_1 in 0 : vector<48x48xf32>, vector<48x48xf32>, vector<48x48xf32>, vector<48x48xf32>, vector<48x48xf32>, vector<48x48xf32>, vector<48x48xf32>, vector<48x48xf32> -> vector<384x48xf32>
    %iota3A = tpu.iota {dimensions = array<i32: 1>} : vector<384x48xi32>
    %iota3A_2 = tpu.iota {dimensions = array<i32: 0>} : vector<384x48xi32>
    %jit3A = arith.constant 48 : i32
    %div3A = vector.broadcast %jit3A : i32 to vector<384x48xi32>
    %div3A_3 = arith.divsi %iota3A_2, %div3A : vector<384x48xi32>
    %sign3A = arith.constant 0 : i32
    %sign3A_4 = vector.broadcast %sign3A : i32 to vector<384x48xi32>
    %sign3A_5 = arith.cmpi sgt, %iota3A_2, %sign3A_4 : vector<384x48xi32>
    %sign3A_6 = arith.extui %sign3A_5 : vector<384x48xi1> to vector<384x48xi32>
    %sign3A_7 = arith.constant 0 : i32
    %sign3A_8 = vector.broadcast %sign3A_7 : i32 to vector<384x48xi32>
    %sign3A_9 = arith.cmpi slt, %iota3A_2, %sign3A_8 : vector<384x48xi32>
    %sign3A_10 = arith.extui %sign3A_9 : vector<384x48xi1> to vector<384x48xi32>
    %sign3A_11 = arith.subi %sign3A_6, %sign3A_10 : vector<384x48xi32>
    %sign3A_12 = arith.constant 0 : i32
    %sign3A_13 = arith.cmpi sgt, %jit3A, %sign3A_12 : i32
    %sign3A_14 = arith.extui %sign3A_13 : i1 to i32
    %sign3A_15 = arith.constant 0 : i32
    %sign3A_16 = arith.cmpi slt, %jit3A, %sign3A_15 : i32
    %sign3A_17 = arith.extui %sign3A_16 : i1 to i32
    %sign3A_18 = arith.subi %sign3A_14, %sign3A_17 : i32
    %ne3A = vector.broadcast %sign3A_18 : i32 to vector<384x48xi32>
    %ne3A_19 = arith.cmpi ne, %sign3A_11, %ne3A : vector<384x48xi32>
    %rem3A = vector.broadcast %jit3A : i32 to vector<384x48xi32>
    %rem3A_20 = arith.remsi %iota3A_2, %rem3A : vector<384x48xi32>
    %ne3A_21 = arith.constant 0 : i32
    %ne3A_22 = vector.broadcast %ne3A_21 : i32 to vector<384x48xi32>
    %ne3A_23 = arith.cmpi ne, %rem3A_20, %ne3A_22 : vector<384x48xi32>
    %and3A = arith.andi %ne3A_19, %ne3A_23 : vector<384x48xi1>
    %sub3A = arith.constant 1 : i32
    %sub3A_24 = vector.broadcast %sub3A : i32 to vector<384x48xi32>
    %sub3A_25 = arith.subi %div3A_3, %sub3A_24 : vector<384x48xi32>
    %select_n3A = arith.select %and3A, %sub3A_25, %div3A_3 : vector<384x48xi1>, vector<384x48xi32>
    %iota3A_26 = tpu.iota {dimensions = array<i32: 1>} : vector<384x16xi32>
    %get3A_27 = arith.constant 0 : index
    %get3A_28 = arith.constant 0 : index
    %get3A_29 = vector.load %arg4[%get3A_27, %get3A_28] : memref<1x96xf32, #tpu.memory_space<vmem>>, vector<1x96xf32>
    %get3A_30 = arith.constant 0 : index
    %get3A_31 = arith.constant 0 : index
    %get3A_32 = vector.load %arg5[%get3A_30, %get3A_31] : memref<1x96xf32, #tpu.memory_space<vmem>>, vector<1x96xf32>
    %get3A_33 = arith.constant 0 : index
    %get3A_34 = arith.constant 0 : index
    %get3A_35 = vector.load %arg6[%get3A_33, %get3A_34] : memref<192x96xf32, #tpu.memory_space<vmem>>, vector<192x96xf32>
    %get3A_36 = arith.constant 0 : index
    %get3A_37 = arith.constant 0 : index
    %get3A_38 = vector.load %arg7[%get3A_36, %get3A_37] : memref<1x192xf32, #tpu.memory_space<vmem>>, vector<1x192xf32>
    %get3A_39 = arith.constant 0 : index
    %get3A_40 = arith.constant 0 : index
    %get3A_41 = vector.load %arg8[%get3A_39, %get3A_40] : memref<96x192xf32, #tpu.memory_space<vmem>>, vector<96x192xf32>
    %get3A_42 = arith.constant 0 : index
    %get3A_43 = arith.constant 0 : index
    %get3A_44 = vector.load %arg9[%get3A_42, %get3A_43] : memref<1x96xf32, #tpu.memory_space<vmem>>, vector<1x96xf32>
    %add3A = arith.constant 0 : i32
    %add3A_45 = vector.broadcast %add3A : i32 to vector<384x48xi32>
    %add3A_46 = arith.addi %add3A_45, %select_n3A : vector<384x48xi32>
    %eq3A = arith.cmpi eq, %iota3A, %add3A_46 : vector<384x48xi32>
    %jit3A_47 = arith.constant 0.000000e+00 : f32
    %broadcast_in_dim3A = vector.broadcast %jit3A_47 : f32 to vector<384x48xf32>
    %select_n3A_48 = arith.select %eq3A, %concatenate3A, %broadcast_in_dim3A : vector<384x48xi1>, vector<384x48xf32>
    %reduce_sum3A = arith.constant dense<0.000000e+00> : vector<384xf32>
    %reduce_sum3A_49 = vector.multi_reduction <add>, %select_n3A_48, %reduce_sum3A [1] : vector<384x48xf32> to vector<384xf32>
    %broadcast_in_dim3A_50 = vector.shape_cast %reduce_sum3A_49 : vector<384xf32> to vector<384x1xf32>
    %get3A_51 = arith.constant 0 : index
    %get3A_52 = arith.constant 0 : index
    %get3A_53 = vector.load %arg2[%get3A_51, %get3A_52] : memref<2304x16xf32, #tpu.memory_space<vmem>>, vector<384x16xf32>
    %convert_element_type3A = arith.fptosi %broadcast_in_dim3A_50 : vector<384x1xf32> to vector<384x1xi32>
    %sub3A_54 = arith.constant 16 : i32
    %sub3A_55 = vector.broadcast %sub3A_54 : i32 to vector<384x1xi32>
    %sub3A_56 = arith.subi %sub3A_55, %convert_element_type3A : vector<384x1xi32>
    %eq3A_57 = vector.broadcast %sub3A_56 : vector<384x1xi32> to vector<384x16xi32>
    %eq3A_58 = arith.cmpi eq, %iota3A_26, %eq3A_57 : vector<384x16xi32>
    %jit3A_59 = arith.constant 0.000000e+00 : f32
    %broadcast_in_dim3A_60 = vector.broadcast %jit3A_59 : f32 to vector<384x16xf32>
    %select_n3A_61 = arith.select %eq3A_58, %get3A_53, %broadcast_in_dim3A_60 : vector<384x16xi1>, vector<384x16xf32>
    %reduce_sum3A_62 = arith.constant dense<0.000000e+00> : vector<384xf32>
    %reduce_sum3A_63 = vector.multi_reduction <add>, %select_n3A_61, %reduce_sum3A_62 [1] : vector<384x16xf32> to vector<384xf32>
    %broadcast_in_dim3A_64 = vector.shape_cast %reduce_sum3A_63 : vector<384xf32> to vector<384x1xf32>
    %get3A_65 = arith.constant 0 : index
    %get3A_66 = arith.constant 0 : index
    %get3A_67 = vector.load %arg1[%get3A_65, %get3A_66] : memref<2304x1024xf32, #tpu.memory_space<vmem>>, vector<384x1024xf32>
    %ge3A = vector.broadcast %broadcast_in_dim3A_64 : vector<384x1xf32> to vector<384x1024xf32>
    %ge3A_68 = arith.cmpf oge, %get3A_67, %ge3A : vector<384x1024xf32>
    %exp3A = math.exp %get3A_67 : vector<384x1024xf32>
    %jit3A_69 = arith.constant 0.000000e+00 : f32
    %broadcast_in_dim3A_70 = vector.broadcast %jit3A_69 : f32 to vector<384x1024xf32>
    %select_n3A_71 = arith.select %ge3A_68, %exp3A, %broadcast_in_dim3A_70 : vector<384x1024xi1>, vector<384x1024xf32>
    %reduce_sum3A_72 = arith.constant dense<0.000000e+00> : vector<384xf32>
    %reduce_sum3A_73 = vector.multi_reduction <add>, %select_n3A_71, %reduce_sum3A_72 [1] : vector<384x1024xf32> to vector<384xf32>
    %broadcast_in_dim3A_74 = vector.shape_cast %reduce_sum3A_73 : vector<384xf32> to vector<384x1xf32>
    %div3A_75 = vector.broadcast %broadcast_in_dim3A_74 : vector<384x1xf32> to vector<384x1024xf32>
    %div3A_76 = arith.divf %select_n3A_71, %div3A_75 : vector<384x1024xf32>
    %get3A_77 = arith.constant 0 : index
    %get3A_78 = arith.constant 0 : index
    %get3A_79 = vector.load %arg0[%get3A_77, %get3A_78] : memref<2976x96xf32, #tpu.memory_space<vmem>>, vector<1024x96xf32>
    %dot_general3A = arith.constant dense<0.000000e+00> : vector<384x96xf32>
    %dot_general3A_80 = tpu.matmul %div3A_76, %get3A_79, %dot_general3A {dimension_numbers = #tpu.dot_dimension_numbers<[1], [0], [0], [1], [0, 0, 1, 1], [], []>, precision = #tpu.contract_precision<fp32>, transpose_lhs_hint = false} : vector<384x1024xf32>, vector<1024x96xf32>, vector<384x96xf32> -> vector<384x96xf32>
    %get3A_81 = arith.constant 320 : index
    %get3A_82 = arith.constant 0 : index
    %get3A_83 = vector.load %arg0[%get3A_81, %get3A_82] : memref<2976x96xf32, #tpu.memory_space<vmem>>, vector<384x96xf32>
    %reduce_sum3A_84 = arith.constant dense<0.000000e+00> : vector<384xf32>
    %reduce_sum3A_85 = vector.multi_reduction <add>, %get3A_83, %reduce_sum3A_84 [1] : vector<384x96xf32> to vector<384xf32>
    %broadcast_in_dim3A_86 = vector.shape_cast %reduce_sum3A_85 : vector<384xf32> to vector<384x1xf32>
    %div3A_87 = arith.constant 9.600000e+01 : f32
    %div3A_88 = vector.broadcast %div3A_87 : f32 to vector<384x1xf32>
    %div3A_89 = arith.divf %broadcast_in_dim3A_86, %div3A_88 : vector<384x1xf32>
    %sub3A_90 = vector.broadcast %div3A_89 : vector<384x1xf32> to vector<384x96xf32>
    %sub3A_91 = arith.subf %get3A_83, %sub3A_90 : vector<384x96xf32>
    %mul3A = arith.mulf %sub3A_91, %sub3A_91 : vector<384x96xf32>
    %reduce_sum3A_92 = arith.constant dense<0.000000e+00> : vector<384xf32>
    %reduce_sum3A_93 = vector.multi_reduction <add>, %mul3A, %reduce_sum3A_92 [1] : vector<384x96xf32> to vector<384xf32>
    %broadcast_in_dim3A_94 = vector.shape_cast %reduce_sum3A_93 : vector<384xf32> to vector<384x1xf32>
    %div3A_95 = arith.constant 9.600000e+01 : f32
    %div3A_96 = vector.broadcast %div3A_95 : f32 to vector<384x1xf32>
    %div3A_97 = arith.divf %broadcast_in_dim3A_94, %div3A_96 : vector<384x1xf32>
    %add3A_98 = arith.constant 9.99999974E-6 : f32
    %add3A_99 = vector.broadcast %add3A_98 : f32 to vector<384x1xf32>
    %add3A_100 = arith.addf %div3A_97, %add3A_99 : vector<384x1xf32>
    %sqrt3A = math.sqrt %add3A_100 : vector<384x1xf32>
    %div3A_101 = vector.broadcast %sqrt3A : vector<384x1xf32> to vector<384x96xf32>
    %div3A_102 = arith.divf %sub3A_91, %div3A_101 : vector<384x96xf32>
    %mul3A_103 = vector.broadcast %get3A_29 : vector<1x96xf32> to vector<384x96xf32>
    %mul3A_104 = arith.mulf %div3A_102, %mul3A_103 : vector<384x96xf32>
    %add3A_105 = vector.broadcast %get3A_32 : vector<1x96xf32> to vector<384x96xf32>
    %add3A_106 = arith.addf %mul3A_104, %add3A_105 : vector<384x96xf32>
    %add3A_107 = arith.addf %dot_general3A_80, %add3A_106 : vector<384x96xf32>
    %dot_general3A_108 = arith.constant dense<0.000000e+00> : vector<384x192xf32>
    %dot_general3A_109 = tpu.matmul %add3A_107, %get3A_35, %dot_general3A_108 {dimension_numbers = #tpu.dot_dimension_numbers<[1], [1], [0], [0], [0, 0, 1, 0], [], []>, transpose_lhs_hint = false} : vector<384x96xf32>, vector<192x96xf32>, vector<384x192xf32> -> vector<384x192xf32>
    %add3A_110 = vector.broadcast %get3A_38 : vector<1x192xf32> to vector<384x192xf32>
    %add3A_111 = arith.addf %dot_general3A_109, %add3A_110 : vector<384x192xf32>
    %max3A = arith.constant 0.000000e+00 : f32
    %max3A_112 = vector.broadcast %max3A : f32 to vector<384x192xf32>
    %max3A_113 = arith.maximumf %add3A_111, %max3A_112 : vector<384x192xf32>
    %dot_general3A_114 = arith.constant dense<0.000000e+00> : vector<384x96xf32>
    %dot_general3A_115 = tpu.matmul %max3A_113, %get3A_41, %dot_general3A_114 {dimension_numbers = #tpu.dot_dimension_numbers<[1], [1], [0], [0], [0, 0, 1, 0], [], []>, transpose_lhs_hint = false} : vector<384x192xf32>, vector<96x192xf32>, vector<384x96xf32> -> vector<384x96xf32>
    %add3A_116 = vector.broadcast %get3A_44 : vector<1x96xf32> to vector<384x96xf32>
    %add3A_117 = arith.addf %dot_general3A_115, %add3A_116 : vector<384x96xf32>
    %add3A_118 = arith.addf %add3A_107, %add3A_117 : vector<384x96xf32>
    %swap3A = arith.constant 0 : index
    %swap3A_119 = arith.constant 0 : index
    %swap3A_120 = vector.load %arg10[%swap3A, %swap3A_119] : memref<2304x96xf32, #tpu.memory_space<vmem>>, vector<384x96xf32>
    tpu.vector_store %arg10[%swap3A, %swap3A_119], %add3A_118 {strides = array<i32>} : memref<2304x96xf32, #tpu.memory_space<vmem>>, vector<384x96xf32>,
    %add3A_121 = arith.constant 8 : i32
    %add3A_122 = vector.broadcast %add3A_121 : i32 to vector<384x48xi32>
    %add3A_123 = arith.addi %add3A_122, %select_n3A : vector<384x48xi32>
    %eq3A_124 = arith.cmpi eq, %iota3A, %add3A_123 : vector<384x48xi32>
    %jit3A_125 = arith.constant 0.000000e+00 : f32
    %broadcast_in_dim3A_126 = vector.broadcast %jit3A_125 : f32 to vector<384x48xf32>
    %select_n3A_127 = arith.select %eq3A_124, %concatenate3A, %broadcast_in_dim3A_126 : vector<384x48xi1>, vector<384x48xf32>
    %reduce_sum3A_128 = arith.constant dense<0.000000e+00> : vector<384xf32>
    %reduce_sum3A_129 = vector.multi_reduction <add>, %select_n3A_127, %reduce_sum3A_128 [1] : vector<384x48xf32> to vector<384xf32>
    %broadcast_in_dim3A_130 = vector.shape_cast %reduce_sum3A_129 : vector<384xf32> to vector<384x1xf32>
    %get3A_131 = arith.constant 384 : index
    %get3A_132 = arith.constant 0 : index
    %get3A_133 = vector.load %arg2[%get3A_131, %get3A_132] : memref<2304x16xf32, #tpu.memory_space<vmem>>, vector<384x16xf32>
    %convert_element_type3A_134 = arith.fptosi %broadcast_in_dim3A_130 : vector<384x1xf32> to vector<384x1xi32>
    %sub3A_135 = arith.constant 16 : i32
    %sub3A_136 = vector.broadcast %sub3A_135 : i32 to vector<384x1xi32>
    %sub3A_137 = arith.subi %sub3A_136, %convert_element_type3A_134 : vector<384x1xi32>
    %eq3A_138 = vector.broadcast %sub3A_137 : vector<384x1xi32> to vector<384x16xi32>
    %eq3A_139 = arith.cmpi eq, %iota3A_26, %eq3A_138 : vector<384x16xi32>
    %jit3A_140 = arith.constant 0.000000e+00 : f32
    %broadcast_in_dim3A_141 = vector.broadcast %jit3A_140 : f32 to vector<384x16xf32>
    %select_n3A_142 = arith.select %eq3A_139, %get3A_133, %broadcast_in_dim3A_141 : vector<384x16xi1>, vector<384x16xf32>
    %reduce_sum3A_143 = arith.constant dense<0.000000e+00> : vector<384xf32>
    %reduce_sum3A_144 = vector.multi_reduction <add>, %select_n3A_142, %reduce_sum3A_143 [1] : vector<384x16xf32> to vector<384xf32>
    %broadcast_in_dim3A_145 = vector.shape_cast %reduce_sum3A_144 : vector<384xf32> to vector<384x1xf32>
    %get3A_146 = arith.constant 384 : index
    %get3A_147 = arith.constant 0 : index
    %get3A_148 = vector.load %arg1[%get3A_146, %get3A_147] : memref<2304x1024xf32, #tpu.memory_space<vmem>>, vector<384x1024xf32>
    %ge3A_149 = vector.broadcast %broadcast_in_dim3A_145 : vector<384x1xf32> to vector<384x1024xf32>
    %ge3A_150 = arith.cmpf oge, %get3A_148, %ge3A_149 : vector<384x1024xf32>
    %exp3A_151 = math.exp %get3A_148 : vector<384x1024xf32>
    %jit3A_152 = arith.constant 0.000000e+00 : f32
    %broadcast_in_dim3A_153 = vector.broadcast %jit3A_152 : f32 to vector<384x1024xf32>
    %select_n3A_154 = arith.select %ge3A_150, %exp3A_151, %broadcast_in_dim3A_153 : vector<384x1024xi1>, vector<384x1024xf32>
    %reduce_sum3A_155 = arith.constant dense<0.000000e+00> : vector<384xf32>
    %reduce_sum3A_156 = vector.multi_reduction <add>, %select_n3A_154, %reduce_sum3A_155 [1] : vector<384x1024xf32> to vector<384xf32>
    %broadcast_in_dim3A_157 = vector.shape_cast %reduce_sum3A_156 : vector<384xf32> to vector<384x1xf32>
    %div3A_158 = vector.broadcast %broadcast_in_dim3A_157 : vector<384x1xf32> to vector<384x1024xf32>
    %div3A_159 = arith.divf %select_n3A_154, %div3A_158 : vector<384x1024xf32>
    %get3A_160 = arith.constant 384 : index
    %get3A_161 = arith.constant 0 : index
    %get3A_162 = vector.load %arg0[%get3A_160, %get3A_161] : memref<2976x96xf32, #tpu.memory_space<vmem>>, vector<1024x96xf32>
    %dot_general3A_163 = arith.constant dense<0.000000e+00> : vector<384x96xf32>
    %dot_general3A_164 = tpu.matmul %div3A_159, %get3A_162, %dot_general3A_163 {dimension_numbers = #tpu.dot_dimension_numbers<[1], [0], [0], [1], [0, 0, 1, 1], [], []>, precision = #tpu.contract_precision<fp32>, transpose_lhs_hint = false} : vector<384x1024xf32>, vector<1024x96xf32>, vector<384x96xf32> -> vector<384x96xf32>
    %get3A_165 = arith.constant 704 : index
    %get3A_166 = arith.constant 0 : index
    %get3A_167 = vector.load %arg0[%get3A_165, %get3A_166] : memref<2976x96xf32, #tpu.memory_space<vmem>>, vector<384x96xf32>
    %reduce_sum3A_168 = arith.constant dense<0.000000e+00> : vector<384xf32>
    %reduce_sum3A_169 = vector.multi_reduction <add>, %get3A_167, %reduce_sum3A_168 [1] : vector<384x96xf32> to vector<384xf32>
    %broadcast_in_dim3A_170 = vector.shape_cast %reduce_sum3A_169 : vector<384xf32> to vector<384x1xf32>
    %div3A_171 = arith.constant 9.600000e+01 : f32
    %div3A_172 = vector.broadcast %div3A_171 : f32 to vector<384x1xf32>
    %div3A_173 = arith.divf %broadcast_in_dim3A_170, %div3A_172 : vector<384x1xf32>
    %sub3A_174 = vector.broadcast %div3A_173 : vector<384x1xf32> to vector<384x96xf32>
    %sub3A_175 = arith.subf %get3A_167, %sub3A_174 : vector<384x96xf32>
    %mul3A_176 = arith.mulf %sub3A_175, %sub3A_175 : vector<384x96xf32>
    %reduce_sum3A_177 = arith.constant dense<0.000000e+00> : vector<384xf32>
    %reduce_sum3A_178 = vector.multi_reduction <add>, %mul3A_176, %reduce_sum3A_177 [1] : vector<384x96xf32> to vector<384xf32>
    %broadcast_in_dim3A_179 = vector.shape_cast %reduce_sum3A_178 : vector<384xf32> to vector<384x1xf32>
    %div3A_180 = arith.constant 9.600000e+01 : f32
    %div3A_181 = vector.broadcast %div3A_180 : f32 to vector<384x1xf32>
    %div3A_182 = arith.divf %broadcast_in_dim3A_179, %div3A_181 : vector<384x1xf32>
    %add3A_183 = arith.constant 9.99999974E-6 : f32
    %add3A_184 = vector.broadcast %add3A_183 : f32 to vector<384x1xf32>
    %add3A_185 = arith.addf %div3A_182, %add3A_184 : vector<384x1xf32>
    %sqrt3A_186 = math.sqrt %add3A_185 : vector<384x1xf32>
    %div3A_187 = vector.broadcast %sqrt3A_186 : vector<384x1xf32> to vector<384x96xf32>
    %div3A_188 = arith.divf %sub3A_175, %div3A_187 : vector<384x96xf32>
    %mul3A_189 = vector.broadcast %get3A_29 : vector<1x96xf32> to vector<384x96xf32>
    %mul3A_190 = arith.mulf %div3A_188, %mul3A_189 : vector<384x96xf32>
    %add3A_191 = vector.broadcast %get3A_32 : vector<1x96xf32> to vector<384x96xf32>
    %add3A_192 = arith.addf %mul3A_190, %add3A_191 : vector<384x96xf32>
    %add3A_193 = arith.addf %dot_general3A_164, %add3A_192 : vector<384x96xf32>
    %dot_general3A_194 = arith.constant dense<0.000000e+00> : vector<384x192xf32>
    %dot_general3A_195 = tpu.matmul %add3A_193, %get3A_35, %dot_general3A_194 {dimension_numbers = #tpu.dot_dimension_numbers<[1], [1], [0], [0], [0, 0, 1, 0], [], []>, transpose_lhs_hint = false} : vector<384x96xf32>, vector<192x96xf32>, vector<384x192xf32> -> vector<384x192xf32>
    %add3A_196 = vector.broadcast %get3A_38 : vector<1x192xf32> to vector<384x192xf32>
    %add3A_197 = arith.addf %dot_general3A_195, %add3A_196 : vector<384x192xf32>
    %max3A_198 = arith.constant 0.000000e+00 : f32
    %max3A_199 = vector.broadcast %max3A_198 : f32 to vector<384x192xf32>
    %max3A_200 = arith.maximumf %add3A_197, %max3A_199 : vector<384x192xf32>
    %dot_general3A_201 = arith.constant dense<0.000000e+00> : vector<384x96xf32>
    %dot_general3A_202 = tpu.matmul %max3A_200, %get3A_41, %dot_general3A_201 {dimension_numbers = #tpu.dot_dimension_numbers<[1], [1], [0], [0], [0, 0, 1, 0], [], []>, transpose_lhs_hint = false} : vector<384x192xf32>, vector<96x192xf32>, vector<384x96xf32> -> vector<384x96xf32>
    %add3A_203 = vector.broadcast %get3A_44 : vector<1x96xf32> to vector<384x96xf32>
    %add3A_204 = arith.addf %dot_general3A_202, %add3A_203 : vector<384x96xf32>
    %add3A_205 = arith.addf %add3A_193, %add3A_204 : vector<384x96xf32>
    %swap3A_206 = arith.constant 384 : index
    %swap3A_207 = arith.constant 0 : index
    %swap3A_208 = vector.load %arg10[%swap3A_206, %swap3A_207] : memref<2304x96xf32, #tpu.memory_space<vmem>>, vector<384x96xf32>
    tpu.vector_store %arg10[%swap3A_206, %swap3A_207], %add3A_205 {strides = array<i32>} : memref<2304x96xf32, #tpu.memory_space<vmem>>, vector<384x96xf32>,
    %add3A_209 = arith.constant 16 : i32
    %add3A_210 = vector.broadcast %add3A_209 : i32 to vector<384x48xi32>
    %add3A_211 = arith.addi %add3A_210, %select_n3A : vector<384x48xi32>
    %eq3A_212 = arith.cmpi eq, %iota3A, %add3A_211 : vector<384x48xi32>
    %jit3A_213 = arith.constant 0.000000e+00 : f32
    %broadcast_in_dim3A_214 = vector.broadcast %jit3A_213 : f32 to vector<384x48xf32>
    %select_n3A_215 = arith.select %eq3A_212, %concatenate3A, %broadcast_in_dim3A_214 : vector<384x48xi1>, vector<384x48xf32>
    %reduce_sum3A_216 = arith.constant dense<0.000000e+00> : vector<384xf32>
    %reduce_sum3A_217 = vector.multi_reduction <add>, %select_n3A_215, %reduce_sum3A_216 [1] : vector<384x48xf32> to vector<384xf32>
    %broadcast_in_dim3A_218 = vector.shape_cast %reduce_sum3A_217 : vector<384xf32> to vector<384x1xf32>
    %get3A_219 = arith.constant 768 : index
    %get3A_220 = arith.constant 0 : index
    %get3A_221 = vector.load %arg2[%get3A_219, %get3A_220] : memref<2304x16xf32, #tpu.memory_space<vmem>>, vector<384x16xf32>
    %convert_element_type3A_222 = arith.fptosi %broadcast_in_dim3A_218 : vector<384x1xf32> to vector<384x1xi32>
    %sub3A_223 = arith.constant 16 : i32
    %sub3A_224 = vector.broadcast %sub3A_223 : i32 to vector<384x1xi32>
    %sub3A_225 = arith.subi %sub3A_224, %convert_element_type3A_222 : vector<384x1xi32>
    %eq3A_226 = vector.broadcast %sub3A_225 : vector<384x1xi32> to vector<384x16xi32>
    %eq3A_227 = arith.cmpi eq, %iota3A_26, %eq3A_226 : vector<384x16xi32>
    %jit3A_228 = arith.constant 0.000000e+00 : f32
    %broadcast_in_dim3A_229 = vector.broadcast %jit3A_228 : f32 to vector<384x16xf32>
    %select_n3A_230 = arith.select %eq3A_227, %get3A_221, %broadcast_in_dim3A_229 : vector<384x16xi1>, vector<384x16xf32>
    %reduce_sum3A_231 = arith.constant dense<0.000000e+00> : vector<384xf32>
    %reduce_sum3A_232 = vector.multi_reduction <add>, %select_n3A_230, %reduce_sum3A_231 [1] : vector<384x16xf32> to vector<384xf32>
    %broadcast_in_dim3A_233 = vector.shape_cast %reduce_sum3A_232 : vector<384xf32> to vector<384x1xf32>
    %get3A_234 = arith.constant 768 : index
    %get3A_235 = arith.constant 0 : index
    %get3A_236 = vector.load %arg1[%get3A_234, %get3A_235] : memref<2304x1024xf32, #tpu.memory_space<vmem>>, vector<384x1024xf32>
    %ge3A_237 = vector.broadcast %broadcast_in_dim3A_233 : vector<384x1xf32> to vector<384x1024xf32>
    %ge3A_238 = arith.cmpf oge, %get3A_236, %ge3A_237 : vector<384x1024xf32>
    %exp3A_239 = math.exp %get3A_236 : vector<384x1024xf32>
    %jit3A_240 = arith.constant 0.000000e+00 : f32
    %broadcast_in_dim3A_241 = vector.broadcast %jit3A_240 : f32 to vector<384x1024xf32>
    %select_n3A_242 = arith.select %ge3A_238, %exp3A_239, %broadcast_in_dim3A_241 : vector<384x1024xi1>, vector<384x1024xf32>
    %reduce_sum3A_243 = arith.constant dense<0.000000e+00> : vector<384xf32>
    %reduce_sum3A_244 = vector.multi_reduction <add>, %select_n3A_242, %reduce_sum3A_243 [1] : vector<384x1024xf32> to vector<384xf32>
    %broadcast_in_dim3A_245 = vector.shape_cast %reduce_sum3A_244 : vector<384xf32> to vector<384x1xf32>
    %div3A_246 = vector.broadcast %broadcast_in_dim3A_245 : vector<384x1xf32> to vector<384x1024xf32>
    %div3A_247 = arith.divf %select_n3A_242, %div3A_246 : vector<384x1024xf32>
    %get3A_248 = arith.constant 768 : index
    %get3A_249 = arith.constant 0 : index
    %get3A_250 = vector.load %arg0[%get3A_248, %get3A_249] : memref<2976x96xf32, #tpu.memory_space<vmem>>, vector<1024x96xf32>
    %dot_general3A_251 = arith.constant dense<0.000000e+00> : vector<384x96xf32>
    %dot_general3A_252 = tpu.matmul %div3A_247, %get3A_250, %dot_general3A_251 {dimension_numbers = #tpu.dot_dimension_numbers<[1], [0], [0], [1], [0, 0, 1, 1], [], []>, precision = #tpu.contract_precision<fp32>, transpose_lhs_hint = false} : vector<384x1024xf32>, vector<1024x96xf32>, vector<384x96xf32> -> vector<384x96xf32>
    %get3A_253 = arith.constant 1088 : index
    %get3A_254 = arith.constant 0 : index
    %get3A_255 = vector.load %arg0[%get3A_253, %get3A_254] : memref<2976x96xf32, #tpu.memory_space<vmem>>, vector<384x96xf32>
    %reduce_sum3A_256 = arith.constant dense<0.000000e+00> : vector<384xf32>
    %reduce_sum3A_257 = vector.multi_reduction <add>, %get3A_255, %reduce_sum3A_256 [1] : vector<384x96xf32> to vector<384xf32>
    %broadcast_in_dim3A_258 = vector.shape_cast %reduce_sum3A_257 : vector<384xf32> to vector<384x1xf32>
    %div3A_259 = arith.constant 9.600000e+01 : f32
    %div3A_260 = vector.broadcast %div3A_259 : f32 to vector<384x1xf32>
    %div3A_261 = arith.divf %broadcast_in_dim3A_258, %div3A_260 : vector<384x1xf32>
    %sub3A_262 = vector.broadcast %div3A_261 : vector<384x1xf32> to vector<384x96xf32>
    %sub3A_263 = arith.subf %get3A_255, %sub3A_262 : vector<384x96xf32>
    %mul3A_264 = arith.mulf %sub3A_263, %sub3A_263 : vector<384x96xf32>
    %reduce_sum3A_265 = arith.constant dense<0.000000e+00> : vector<384xf32>
    %reduce_sum3A_266 = vector.multi_reduction <add>, %mul3A_264, %reduce_sum3A_265 [1] : vector<384x96xf32> to vector<384xf32>
    %broadcast_in_dim3A_267 = vector.shape_cast %reduce_sum3A_266 : vector<384xf32> to vector<384x1xf32>
    %div3A_268 = arith.constant 9.600000e+01 : f32
    %div3A_269 = vector.broadcast %div3A_268 : f32 to vector<384x1xf32>
    %div3A_270 = arith.divf %broadcast_in_dim3A_267, %div3A_269 : vector<384x1xf32>
    %add3A_271 = arith.constant 9.99999974E-6 : f32
    %add3A_272 = vector.broadcast %add3A_271 : f32 to vector<384x1xf32>
    %add3A_273 = arith.addf %div3A_270, %add3A_272 : vector<384x1xf32>
    %sqrt3A_274 = math.sqrt %add3A_273 : vector<384x1xf32>
    %div3A_275 = vector.broadcast %sqrt3A_274 : vector<384x1xf32> to vector<384x96xf32>
    %div3A_276 = arith.divf %sub3A_263, %div3A_275 : vector<384x96xf32>
    %mul3A_277 = vector.broadcast %get3A_29 : vector<1x96xf32> to vector<384x96xf32>
    %mul3A_278 = arith.mulf %div3A_276, %mul3A_277 : vector<384x96xf32>
    %add3A_279 = vector.broadcast %get3A_32 : vector<1x96xf32> to vector<384x96xf32>
    %add3A_280 = arith.addf %mul3A_278, %add3A_279 : vector<384x96xf32>
    %add3A_281 = arith.addf %dot_general3A_252, %add3A_280 : vector<384x96xf32>
    %dot_general3A_282 = arith.constant dense<0.000000e+00> : vector<384x192xf32>
    %dot_general3A_283 = tpu.matmul %add3A_281, %get3A_35, %dot_general3A_282 {dimension_numbers = #tpu.dot_dimension_numbers<[1], [1], [0], [0], [0, 0, 1, 0], [], []>, transpose_lhs_hint = false} : vector<384x96xf32>, vector<192x96xf32>, vector<384x192xf32> -> vector<384x192xf32>
    %add3A_284 = vector.broadcast %get3A_38 : vector<1x192xf32> to vector<384x192xf32>
    %add3A_285 = arith.addf %dot_general3A_283, %add3A_284 : vector<384x192xf32>
    %max3A_286 = arith.constant 0.000000e+00 : f32
    %max3A_287 = vector.broadcast %max3A_286 : f32 to vector<384x192xf32>
    %max3A_288 = arith.maximumf %add3A_285, %max3A_287 : vector<384x192xf32>
    %dot_general3A_289 = arith.constant dense<0.000000e+00> : vector<384x96xf32>
    %dot_general3A_290 = tpu.matmul %max3A_288, %get3A_41, %dot_general3A_289 {dimension_numbers = #tpu.dot_dimension_numbers<[1], [1], [0], [0], [0, 0, 1, 0], [], []>, transpose_lhs_hint = false} : vector<384x192xf32>, vector<96x192xf32>, vector<384x96xf32> -> vector<384x96xf32>
    %add3A_291 = vector.broadcast %get3A_44 : vector<1x96xf32> to vector<384x96xf32>
    %add3A_292 = arith.addf %dot_general3A_290, %add3A_291 : vector<384x96xf32>
    %add3A_293 = arith.addf %add3A_281, %add3A_292 : vector<384x96xf32>
    %swap3A_294 = arith.constant 768 : index
    %swap3A_295 = arith.constant 0 : index
    %swap3A_296 = vector.load %arg10[%swap3A_294, %swap3A_295] : memref<2304x96xf32, #tpu.memory_space<vmem>>, vector<384x96xf32>
    tpu.vector_store %arg10[%swap3A_294, %swap3A_295], %add3A_293 {strides = array<i32>} : memref<2304x96xf32, #tpu.memory_space<vmem>>, vector<384x96xf32>,
    %add3A_297 = arith.constant 24 : i32
    %add3A_298 = vector.broadcast %add3A_297 : i32 to vector<384x48xi32>
    %add3A_299 = arith.addi %add3A_298, %select_n3A : vector<384x48xi32>
    %eq3A_300 = arith.cmpi eq, %iota3A, %add3A_299 : vector<384x48xi32>
    %jit3A_301 = arith.constant 0.000000e+00 : f32
    %broadcast_in_dim3A_302 = vector.broadcast %jit3A_301 : f32 to vector<384x48xf32>
    %select_n3A_303 = arith.select %eq3A_300, %concatenate3A, %broadcast_in_dim3A_302 : vector<384x48xi1>, vector<384x48xf32>
    %reduce_sum3A_304 = arith.constant dense<0.000000e+00> : vector<384xf32>
    %reduce_sum3A_305 = vector.multi_reduction <add>, %select_n3A_303, %reduce_sum3A_304 [1] : vector<384x48xf32> to vector<384xf32>
    %broadcast_in_dim3A_306 = vector.shape_cast %reduce_sum3A_305 : vector<384xf32> to vector<384x1xf32>
    %get3A_307 = arith.constant 1152 : index
    %get3A_308 = arith.constant 0 : index
    %get3A_309 = vector.load %arg2[%get3A_307, %get3A_308] : memref<2304x16xf32, #tpu.memory_space<vmem>>, vector<384x16xf32>
    %convert_element_type3A_310 = arith.fptosi %broadcast_in_dim3A_306 : vector<384x1xf32> to vector<384x1xi32>
    %sub3A_311 = arith.constant 16 : i32
    %sub3A_312 = vector.broadcast %sub3A_311 : i32 to vector<384x1xi32>
    %sub3A_313 = arith.subi %sub3A_312, %convert_element_type3A_310 : vector<384x1xi32>
    %eq3A_314 = vector.broadcast %sub3A_313 : vector<384x1xi32> to vector<384x16xi32>
    %eq3A_315 = arith.cmpi eq, %iota3A_26, %eq3A_314 : vector<384x16xi32>
    %jit3A_316 = arith.constant 0.000000e+00 : f32
    %broadcast_in_dim3A_317 = vector.broadcast %jit3A_316 : f32 to vector<384x16xf32>
    %select_n3A_318 = arith.select %eq3A_315, %get3A_309, %broadcast_in_dim3A_317 : vector<384x16xi1>, vector<384x16xf32>
    %reduce_sum3A_319 = arith.constant dense<0.000000e+00> : vector<384xf32>
    %reduce_sum3A_320 = vector.multi_reduction <add>, %select_n3A_318, %reduce_sum3A_319 [1] : vector<384x16xf32> to vector<384xf32>
    %broadcast_in_dim3A_321 = vector.shape_cast %reduce_sum3A_320 : vector<384xf32> to vector<384x1xf32>
    %get3A_322 = arith.constant 1152 : index
    %get3A_323 = arith.constant 0 : index
    %get3A_324 = vector.load %arg1[%get3A_322, %get3A_323] : memref<2304x1024xf32, #tpu.memory_space<vmem>>, vector<384x1024xf32>
    %ge3A_325 = vector.broadcast %broadcast_in_dim3A_321 : vector<384x1xf32> to vector<384x1024xf32>
    %ge3A_326 = arith.cmpf oge, %get3A_324, %ge3A_325 : vector<384x1024xf32>
    %exp3A_327 = math.exp %get3A_324 : vector<384x1024xf32>
    %jit3A_328 = arith.constant 0.000000e+00 : f32
    %broadcast_in_dim3A_329 = vector.broadcast %jit3A_328 : f32 to vector<384x1024xf32>
    %select_n3A_330 = arith.select %ge3A_326, %exp3A_327, %broadcast_in_dim3A_329 : vector<384x1024xi1>, vector<384x1024xf32>
    %reduce_sum3A_331 = arith.constant dense<0.000000e+00> : vector<384xf32>
    %reduce_sum3A_332 = vector.multi_reduction <add>, %select_n3A_330, %reduce_sum3A_331 [1] : vector<384x1024xf32> to vector<384xf32>
    %broadcast_in_dim3A_333 = vector.shape_cast %reduce_sum3A_332 : vector<384xf32> to vector<384x1xf32>
    %div3A_334 = vector.broadcast %broadcast_in_dim3A_333 : vector<384x1xf32> to vector<384x1024xf32>
    %div3A_335 = arith.divf %select_n3A_330, %div3A_334 : vector<384x1024xf32>
    %get3A_336 = arith.constant 1152 : index
    %get3A_337 = arith.constant 0 : index
    %get3A_338 = vector.load %arg0[%get3A_336, %get3A_337] : memref<2976x96xf32, #tpu.memory_space<vmem>>, vector<1024x96xf32>
    %dot_general3A_339 = arith.constant dense<0.000000e+00> : vector<384x96xf32>
    %dot_general3A_340 = tpu.matmul %div3A_335, %get3A_338, %dot_general3A_339 {dimension_numbers = #tpu.dot_dimension_numbers<[1], [0], [0], [1], [0, 0, 1, 1], [], []>, precision = #tpu.contract_precision<fp32>, transpose_lhs_hint = false} : vector<384x1024xf32>, vector<1024x96xf32>, vector<384x96xf32> -> vector<384x96xf32>
    %get3A_341 = arith.constant 1472 : index
    %get3A_342 = arith.constant 0 : index
    %get3A_343 = vector.load %arg0[%get3A_341, %get3A_342] : memref<2976x96xf32, #tpu.memory_space<vmem>>, vector<384x96xf32>
    %reduce_sum3A_344 = arith.constant dense<0.000000e+00> : vector<384xf32>
    %reduce_sum3A_345 = vector.multi_reduction <add>, %get3A_343, %reduce_sum3A_344 [1] : vector<384x96xf32> to vector<384xf32>
    %broadcast_in_dim3A_346 = vector.shape_cast %reduce_sum3A_345 : vector<384xf32> to vector<384x1xf32>
    %div3A_347 = arith.constant 9.600000e+01 : f32
    %div3A_348 = vector.broadcast %div3A_347 : f32 to vector<384x1xf32>
    %div3A_349 = arith.divf %broadcast_in_dim3A_346, %div3A_348 : vector<384x1xf32>
    %sub3A_350 = vector.broadcast %div3A_349 : vector<384x1xf32> to vector<384x96xf32>
    %sub3A_351 = arith.subf %get3A_343, %sub3A_350 : vector<384x96xf32>
    %mul3A_352 = arith.mulf %sub3A_351, %sub3A_351 : vector<384x96xf32>
    %reduce_sum3A_353 = arith.constant dense<0.000000e+00> : vector<384xf32>
    %reduce_sum3A_354 = vector.multi_reduction <add>, %mul3A_352, %reduce_sum3A_353 [1] : vector<384x96xf32> to vector<384xf32>
    %broadcast_in_dim3A_355 = vector.shape_cast %reduce_sum3A_354 : vector<384xf32> to vector<384x1xf32>
    %div3A_356 = arith.constant 9.600000e+01 : f32
    %div3A_357 = vector.broadcast %div3A_356 : f32 to vector<384x1xf32>
    %div3A_358 = arith.divf %broadcast_in_dim3A_355, %div3A_357 : vector<384x1xf32>
    %add3A_359 = arith.constant 9.99999974E-6 : f32
    %add3A_360 = vector.broadcast %add3A_359 : f32 to vector<384x1xf32>
    %add3A_361 = arith.addf %div3A_358, %add3A_360 : vector<384x1xf32>
    %sqrt3A_362 = math.sqrt %add3A_361 : vector<384x1xf32>
    %div3A_363 = vector.broadcast %sqrt3A_362 : vector<384x1xf32> to vector<384x96xf32>
    %div3A_364 = arith.divf %sub3A_351, %div3A_363 : vector<384x96xf32>
    %mul3A_365 = vector.broadcast %get3A_29 : vector<1x96xf32> to vector<384x96xf32>
    %mul3A_366 = arith.mulf %div3A_364, %mul3A_365 : vector<384x96xf32>
    %add3A_367 = vector.broadcast %get3A_32 : vector<1x96xf32> to vector<384x96xf32>
    %add3A_368 = arith.addf %mul3A_366, %add3A_367 : vector<384x96xf32>
    %add3A_369 = arith.addf %dot_general3A_340, %add3A_368 : vector<384x96xf32>
    %dot_general3A_370 = arith.constant dense<0.000000e+00> : vector<384x192xf32>
    %dot_general3A_371 = tpu.matmul %add3A_369, %get3A_35, %dot_general3A_370 {dimension_numbers = #tpu.dot_dimension_numbers<[1], [1], [0], [0], [0, 0, 1, 0], [], []>, transpose_lhs_hint = false} : vector<384x96xf32>, vector<192x96xf32>, vector<384x192xf32> -> vector<384x192xf32>
    %add3A_372 = vector.broadcast %get3A_38 : vector<1x192xf32> to vector<384x192xf32>
    %add3A_373 = arith.addf %dot_general3A_371, %add3A_372 : vector<384x192xf32>
    %max3A_374 = arith.constant 0.000000e+00 : f32
    %max3A_375 = vector.broadcast %max3A_374 : f32 to vector<384x192xf32>
    %max3A_376 = arith.maximumf %add3A_373, %max3A_375 : vector<384x192xf32>
    %dot_general3A_377 = arith.constant dense<0.000000e+00> : vector<384x96xf32>
    %dot_general3A_378 = tpu.matmul %max3A_376, %get3A_41, %dot_general3A_377 {dimension_numbers = #tpu.dot_dimension_numbers<[1], [1], [0], [0], [0, 0, 1, 0], [], []>, transpose_lhs_hint = false} : vector<384x192xf32>, vector<96x192xf32>, vector<384x96xf32> -> vector<384x96xf32>
    %add3A_379 = vector.broadcast %get3A_44 : vector<1x96xf32> to vector<384x96xf32>
    %add3A_380 = arith.addf %dot_general3A_378, %add3A_379 : vector<384x96xf32>
    %add3A_381 = arith.addf %add3A_369, %add3A_380 : vector<384x96xf32>
    %swap3A_382 = arith.constant 1152 : index
    %swap3A_383 = arith.constant 0 : index
    %swap3A_384 = vector.load %arg10[%swap3A_382, %swap3A_383] : memref<2304x96xf32, #tpu.memory_space<vmem>>, vector<384x96xf32>
    tpu.vector_store %arg10[%swap3A_382, %swap3A_383], %add3A_381 {strides = array<i32>} : memref<2304x96xf32, #tpu.memory_space<vmem>>, vector<384x96xf32>,
    %add3A_385 = arith.constant 32 : i32
    %add3A_386 = vector.broadcast %add3A_385 : i32 to vector<384x48xi32>
    %add3A_387 = arith.addi %add3A_386, %select_n3A : vector<384x48xi32>
    %eq3A_388 = arith.cmpi eq, %iota3A, %add3A_387 : vector<384x48xi32>
    %jit3A_389 = arith.constant 0.000000e+00 : f32
    %broadcast_in_dim3A_390 = vector.broadcast %jit3A_389 : f32 to vector<384x48xf32>
    %select_n3A_391 = arith.select %eq3A_388, %concatenate3A, %broadcast_in_dim3A_390 : vector<384x48xi1>, vector<384x48xf32>
    %reduce_sum3A_392 = arith.constant dense<0.000000e+00> : vector<384xf32>
    %reduce_sum3A_393 = vector.multi_reduction <add>, %select_n3A_391, %reduce_sum3A_392 [1] : vector<384x48xf32> to vector<384xf32>
    %broadcast_in_dim3A_394 = vector.shape_cast %reduce_sum3A_393 : vector<384xf32> to vector<384x1xf32>
    %get3A_395 = arith.constant 1536 : index
    %get3A_396 = arith.constant 0 : index
    %get3A_397 = vector.load %arg2[%get3A_395, %get3A_396] : memref<2304x16xf32, #tpu.memory_space<vmem>>, vector<384x16xf32>
    %convert_element_type3A_398 = arith.fptosi %broadcast_in_dim3A_394 : vector<384x1xf32> to vector<384x1xi32>
    %sub3A_399 = arith.constant 16 : i32
    %sub3A_400 = vector.broadcast %sub3A_399 : i32 to vector<384x1xi32>
    %sub3A_401 = arith.subi %sub3A_400, %convert_element_type3A_398 : vector<384x1xi32>
    %eq3A_402 = vector.broadcast %sub3A_401 : vector<384x1xi32> to vector<384x16xi32>
    %eq3A_403 = arith.cmpi eq, %iota3A_26, %eq3A_402 : vector<384x16xi32>
    %jit3A_404 = arith.constant 0.000000e+00 : f32
    %broadcast_in_dim3A_405 = vector.broadcast %jit3A_404 : f32 to vector<384x16xf32>
    %select_n3A_406 = arith.select %eq3A_403, %get3A_397, %broadcast_in_dim3A_405 : vector<384x16xi1>, vector<384x16xf32>
    %reduce_sum3A_407 = arith.constant dense<0.000000e+00> : vector<384xf32>
    %reduce_sum3A_408 = vector.multi_reduction <add>, %select_n3A_406, %reduce_sum3A_407 [1] : vector<384x16xf32> to vector<384xf32>
    %broadcast_in_dim3A_409 = vector.shape_cast %reduce_sum3A_408 : vector<384xf32> to vector<384x1xf32>
    %get3A_410 = arith.constant 1536 : index
    %get3A_411 = arith.constant 0 : index
    %get3A_412 = vector.load %arg1[%get3A_410, %get3A_411] : memref<2304x1024xf32, #tpu.memory_space<vmem>>, vector<384x1024xf32>
    %ge3A_413 = vector.broadcast %broadcast_in_dim3A_409 : vector<384x1xf32> to vector<384x1024xf32>
    %ge3A_414 = arith.cmpf oge, %get3A_412, %ge3A_413 : vector<384x1024xf32>
    %exp3A_415 = math.exp %get3A_412 : vector<384x1024xf32>
    %jit3A_416 = arith.constant 0.000000e+00 : f32
    %broadcast_in_dim3A_417 = vector.broadcast %jit3A_416 : f32 to vector<384x1024xf32>
    %select_n3A_418 = arith.select %ge3A_414, %exp3A_415, %broadcast_in_dim3A_417 : vector<384x1024xi1>, vector<384x1024xf32>
    %reduce_sum3A_419 = arith.constant dense<0.000000e+00> : vector<384xf32>
    %reduce_sum3A_420 = vector.multi_reduction <add>, %select_n3A_418, %reduce_sum3A_419 [1] : vector<384x1024xf32> to vector<384xf32>
    %broadcast_in_dim3A_421 = vector.shape_cast %reduce_sum3A_420 : vector<384xf32> to vector<384x1xf32>
    %div3A_422 = vector.broadcast %broadcast_in_dim3A_421 : vector<384x1xf32> to vector<384x1024xf32>
    %div3A_423 = arith.divf %select_n3A_418, %div3A_422 : vector<384x1024xf32>
    %get3A_424 = arith.constant 1536 : index
    %get3A_425 = arith.constant 0 : index
    %get3A_426 = vector.load %arg0[%get3A_424, %get3A_425] : memref<2976x96xf32, #tpu.memory_space<vmem>>, vector<1024x96xf32>
    %dot_general3A_427 = arith.constant dense<0.000000e+00> : vector<384x96xf32>
    %dot_general3A_428 = tpu.matmul %div3A_423, %get3A_426, %dot_general3A_427 {dimension_numbers = #tpu.dot_dimension_numbers<[1], [0], [0], [1], [0, 0, 1, 1], [], []>, precision = #tpu.contract_precision<fp32>, transpose_lhs_hint = false} : vector<384x1024xf32>, vector<1024x96xf32>, vector<384x96xf32> -> vector<384x96xf32>
    %get3A_429 = arith.constant 1856 : index
    %get3A_430 = arith.constant 0 : index
    %get3A_431 = vector.load %arg0[%get3A_429, %get3A_430] : memref<2976x96xf32, #tpu.memory_space<vmem>>, vector<384x96xf32>
    %reduce_sum3A_432 = arith.constant dense<0.000000e+00> : vector<384xf32>
    %reduce_sum3A_433 = vector.multi_reduction <add>, %get3A_431, %reduce_sum3A_432 [1] : vector<384x96xf32> to vector<384xf32>
    %broadcast_in_dim3A_434 = vector.shape_cast %reduce_sum3A_433 : vector<384xf32> to vector<384x1xf32>
    %div3A_435 = arith.constant 9.600000e+01 : f32
    %div3A_436 = vector.broadcast %div3A_435 : f32 to vector<384x1xf32>
    %div3A_437 = arith.divf %broadcast_in_dim3A_434, %div3A_436 : vector<384x1xf32>
    %sub3A_438 = vector.broadcast %div3A_437 : vector<384x1xf32> to vector<384x96xf32>
    %sub3A_439 = arith.subf %get3A_431, %sub3A_438 : vector<384x96xf32>
    %mul3A_440 = arith.mulf %sub3A_439, %sub3A_439 : vector<384x96xf32>
    %reduce_sum3A_441 = arith.constant dense<0.000000e+00> : vector<384xf32>
    %reduce_sum3A_442 = vector.multi_reduction <add>, %mul3A_440, %reduce_sum3A_441 [1] : vector<384x96xf32> to vector<384xf32>
    %broadcast_in_dim3A_443 = vector.shape_cast %reduce_sum3A_442 : vector<384xf32> to vector<384x1xf32>
    %div3A_444 = arith.constant 9.600000e+01 : f32
    %div3A_445 = vector.broadcast %div3A_444 : f32 to vector<384x1xf32>
    %div3A_446 = arith.divf %broadcast_in_dim3A_443, %div3A_445 : vector<384x1xf32>
    %add3A_447 = arith.constant 9.99999974E-6 : f32
    %add3A_448 = vector.broadcast %add3A_447 : f32 to vector<384x1xf32>
    %add3A_449 = arith.addf %div3A_446, %add3A_448 : vector<384x1xf32>
    %sqrt3A_450 = math.sqrt %add3A_449 : vector<384x1xf32>
    %div3A_451 = vector.broadcast %sqrt3A_450 : vector<384x1xf32> to vector<384x96xf32>
    %div3A_452 = arith.divf %sub3A_439, %div3A_451 : vector<384x96xf32>
    %mul3A_453 = vector.broadcast %get3A_29 : vector<1x96xf32> to vector<384x96xf32>
    %mul3A_454 = arith.mulf %div3A_452, %mul3A_453 : vector<384x96xf32>
    %add3A_455 = vector.broadcast %get3A_32 : vector<1x96xf32> to vector<384x96xf32>
    %add3A_456 = arith.addf %mul3A_454, %add3A_455 : vector<384x96xf32>
    %add3A_457 = arith.addf %dot_general3A_428, %add3A_456 : vector<384x96xf32>
    %dot_general3A_458 = arith.constant dense<0.000000e+00> : vector<384x192xf32>
    %dot_general3A_459 = tpu.matmul %add3A_457, %get3A_35, %dot_general3A_458 {dimension_numbers = #tpu.dot_dimension_numbers<[1], [1], [0], [0], [0, 0, 1, 0], [], []>, transpose_lhs_hint = false} : vector<384x96xf32>, vector<192x96xf32>, vector<384x192xf32> -> vector<384x192xf32>
    %add3A_460 = vector.broadcast %get3A_38 : vector<1x192xf32> to vector<384x192xf32>
    %add3A_461 = arith.addf %dot_general3A_459, %add3A_460 : vector<384x192xf32>
    %max3A_462 = arith.constant 0.000000e+00 : f32
    %max3A_463 = vector.broadcast %max3A_462 : f32 to vector<384x192xf32>
    %max3A_464 = arith.maximumf %add3A_461, %max3A_463 : vector<384x192xf32>
    %dot_general3A_465 = arith.constant dense<0.000000e+00> : vector<384x96xf32>
    %dot_general3A_466 = tpu.matmul %max3A_464, %get3A_41, %dot_general3A_465 {dimension_numbers = #tpu.dot_dimension_numbers<[1], [1], [0], [0], [0, 0, 1, 0], [], []>, transpose_lhs_hint = false} : vector<384x192xf32>, vector<96x192xf32>, vector<384x96xf32> -> vector<384x96xf32>
    %add3A_467 = vector.broadcast %get3A_44 : vector<1x96xf32> to vector<384x96xf32>
    %add3A_468 = arith.addf %dot_general3A_466, %add3A_467 : vector<384x96xf32>
    %add3A_469 = arith.addf %add3A_457, %add3A_468 : vector<384x96xf32>
    %swap3A_470 = arith.constant 1536 : index
    %swap3A_471 = arith.constant 0 : index
    %swap3A_472 = vector.load %arg10[%swap3A_470, %swap3A_471] : memref<2304x96xf32, #tpu.memory_space<vmem>>, vector<384x96xf32>
    tpu.vector_store %arg10[%swap3A_470, %swap3A_471], %add3A_469 {strides = array<i32>} : memref<2304x96xf32, #tpu.memory_space<vmem>>, vector<384x96xf32>,
    %add3A_473 = arith.constant 40 : i32
    %add3A_474 = vector.broadcast %add3A_473 : i32 to vector<384x48xi32>
    %add3A_475 = arith.addi %add3A_474, %select_n3A : vector<384x48xi32>
    %eq3A_476 = arith.cmpi eq, %iota3A, %add3A_475 : vector<384x48xi32>
    %jit3A_477 = arith.constant 0.000000e+00 : f32
    %broadcast_in_dim3A_478 = vector.broadcast %jit3A_477 : f32 to vector<384x48xf32>
    %select_n3A_479 = arith.select %eq3A_476, %concatenate3A, %broadcast_in_dim3A_478 : vector<384x48xi1>, vector<384x48xf32>
    %reduce_sum3A_480 = arith.constant dense<0.000000e+00> : vector<384xf32>
    %reduce_sum3A_481 = vector.multi_reduction <add>, %select_n3A_479, %reduce_sum3A_480 [1] : vector<384x48xf32> to vector<384xf32>
    %broadcast_in_dim3A_482 = vector.shape_cast %reduce_sum3A_481 : vector<384xf32> to vector<384x1xf32>
    %get3A_483 = arith.constant 1920 : index
    %get3A_484 = arith.constant 0 : index
    %get3A_485 = vector.load %arg2[%get3A_483, %get3A_484] : memref<2304x16xf32, #tpu.memory_space<vmem>>, vector<384x16xf32>
    %convert_element_type3A_486 = arith.fptosi %broadcast_in_dim3A_482 : vector<384x1xf32> to vector<384x1xi32>
    %sub3A_487 = arith.constant 16 : i32
    %sub3A_488 = vector.broadcast %sub3A_487 : i32 to vector<384x1xi32>
    %sub3A_489 = arith.subi %sub3A_488, %convert_element_type3A_486 : vector<384x1xi32>
    %eq3A_490 = vector.broadcast %sub3A_489 : vector<384x1xi32> to vector<384x16xi32>
    %eq3A_491 = arith.cmpi eq, %iota3A_26, %eq3A_490 : vector<384x16xi32>
    %jit3A_492 = arith.constant 0.000000e+00 : f32
    %broadcast_in_dim3A_493 = vector.broadcast %jit3A_492 : f32 to vector<384x16xf32>
    %select_n3A_494 = arith.select %eq3A_491, %get3A_485, %broadcast_in_dim3A_493 : vector<384x16xi1>, vector<384x16xf32>
    %reduce_sum3A_495 = arith.constant dense<0.000000e+00> : vector<384xf32>
    %reduce_sum3A_496 = vector.multi_reduction <add>, %select_n3A_494, %reduce_sum3A_495 [1] : vector<384x16xf32> to vector<384xf32>
    %broadcast_in_dim3A_497 = vector.shape_cast %reduce_sum3A_496 : vector<384xf32> to vector<384x1xf32>
    %get3A_498 = arith.constant 1920 : index
    %get3A_499 = arith.constant 0 : index
    %get3A_500 = vector.load %arg1[%get3A_498, %get3A_499] : memref<2304x1024xf32, #tpu.memory_space<vmem>>, vector<384x1024xf32>
    %ge3A_501 = vector.broadcast %broadcast_in_dim3A_497 : vector<384x1xf32> to vector<384x1024xf32>
    %ge3A_502 = arith.cmpf oge, %get3A_500, %ge3A_501 : vector<384x1024xf32>
    %exp3A_503 = math.exp %get3A_500 : vector<384x1024xf32>
    %jit3A_504 = arith.constant 0.000000e+00 : f32
    %broadcast_in_dim3A_505 = vector.broadcast %jit3A_504 : f32 to vector<384x1024xf32>
    %select_n3A_506 = arith.select %ge3A_502, %exp3A_503, %broadcast_in_dim3A_505 : vector<384x1024xi1>, vector<384x1024xf32>
    %reduce_sum3A_507 = arith.constant dense<0.000000e+00> : vector<384xf32>
    %reduce_sum3A_508 = vector.multi_reduction <add>, %select_n3A_506, %reduce_sum3A_507 [1] : vector<384x1024xf32> to vector<384xf32>
    %broadcast_in_dim3A_509 = vector.shape_cast %reduce_sum3A_508 : vector<384xf32> to vector<384x1xf32>
    %div3A_510 = vector.broadcast %broadcast_in_dim3A_509 : vector<384x1xf32> to vector<384x1024xf32>
    %div3A_511 = arith.divf %select_n3A_506, %div3A_510 : vector<384x1024xf32>
    %get3A_512 = arith.constant 1920 : index
    %get3A_513 = arith.constant 0 : index
    %get3A_514 = vector.load %arg0[%get3A_512, %get3A_513] : memref<2976x96xf32, #tpu.memory_space<vmem>>, vector<1024x96xf32>
    %dot_general3A_515 = arith.constant dense<0.000000e+00> : vector<384x96xf32>
    %dot_general3A_516 = tpu.matmul %div3A_511, %get3A_514, %dot_general3A_515 {dimension_numbers = #tpu.dot_dimension_numbers<[1], [0], [0], [1], [0, 0, 1, 1], [], []>, precision = #tpu.contract_precision<fp32>, transpose_lhs_hint = false} : vector<384x1024xf32>, vector<1024x96xf32>, vector<384x96xf32> -> vector<384x96xf32>
    %get3A_517 = arith.constant 2240 : index
    %get3A_518 = arith.constant 0 : index
    %get3A_519 = vector.load %arg0[%get3A_517, %get3A_518] : memref<2976x96xf32, #tpu.memory_space<vmem>>, vector<384x96xf32>
    %reduce_sum3A_520 = arith.constant dense<0.000000e+00> : vector<384xf32>
    %reduce_sum3A_521 = vector.multi_reduction <add>, %get3A_519, %reduce_sum3A_520 [1] : vector<384x96xf32> to vector<384xf32>
    %broadcast_in_dim3A_522 = vector.shape_cast %reduce_sum3A_521 : vector<384xf32> to vector<384x1xf32>
    %div3A_523 = arith.constant 9.600000e+01 : f32
    %div3A_524 = vector.broadcast %div3A_523 : f32 to vector<384x1xf32>
    %div3A_525 = arith.divf %broadcast_in_dim3A_522, %div3A_524 : vector<384x1xf32>
    %sub3A_526 = vector.broadcast %div3A_525 : vector<384x1xf32> to vector<384x96xf32>
    %sub3A_527 = arith.subf %get3A_519, %sub3A_526 : vector<384x96xf32>
    %mul3A_528 = arith.mulf %sub3A_527, %sub3A_527 : vector<384x96xf32>
    %reduce_sum3A_529 = arith.constant dense<0.000000e+00> : vector<384xf32>
    %reduce_sum3A_530 = vector.multi_reduction <add>, %mul3A_528, %reduce_sum3A_529 [1] : vector<384x96xf32> to vector<384xf32>
    %broadcast_in_dim3A_531 = vector.shape_cast %reduce_sum3A_530 : vector<384xf32> to vector<384x1xf32>
    %div3A_532 = arith.constant 9.600000e+01 : f32
    %div3A_533 = vector.broadcast %div3A_532 : f32 to vector<384x1xf32>
    %div3A_534 = arith.divf %broadcast_in_dim3A_531, %div3A_533 : vector<384x1xf32>
    %add3A_535 = arith.constant 9.99999974E-6 : f32
    %add3A_536 = vector.broadcast %add3A_535 : f32 to vector<384x1xf32>
    %add3A_537 = arith.addf %div3A_534, %add3A_536 : vector<384x1xf32>
    %sqrt3A_538 = math.sqrt %add3A_537 : vector<384x1xf32>
    %div3A_539 = vector.broadcast %sqrt3A_538 : vector<384x1xf32> to vector<384x96xf32>
    %div3A_540 = arith.divf %sub3A_527, %div3A_539 : vector<384x96xf32>
    %mul3A_541 = vector.broadcast %get3A_29 : vector<1x96xf32> to vector<384x96xf32>
    %mul3A_542 = arith.mulf %div3A_540, %mul3A_541 : vector<384x96xf32>
    %add3A_543 = vector.broadcast %get3A_32 : vector<1x96xf32> to vector<384x96xf32>
    %add3A_544 = arith.addf %mul3A_542, %add3A_543 : vector<384x96xf32>
    %add3A_545 = arith.addf %dot_general3A_516, %add3A_544 : vector<384x96xf32>
    %dot_general3A_546 = arith.constant dense<0.000000e+00> : vector<384x192xf32>
    %dot_general3A_547 = tpu.matmul %add3A_545, %get3A_35, %dot_general3A_546 {dimension_numbers = #tpu.dot_dimension_numbers<[1], [1], [0], [0], [0, 0, 1, 0], [], []>, transpose_lhs_hint = false} : vector<384x96xf32>, vector<192x96xf32>, vector<384x192xf32> -> vector<384x192xf32>
    %add3A_548 = vector.broadcast %get3A_38 : vector<1x192xf32> to vector<384x192xf32>
    %add3A_549 = arith.addf %dot_general3A_547, %add3A_548 : vector<384x192xf32>
    %max3A_550 = arith.constant 0.000000e+00 : f32
    %max3A_551 = vector.broadcast %max3A_550 : f32 to vector<384x192xf32>
    %max3A_552 = arith.maximumf %add3A_549, %max3A_551 : vector<384x192xf32>
    %dot_general3A_553 = arith.constant dense<0.000000e+00> : vector<384x96xf32>
    %dot_general3A_554 = tpu.matmul %max3A_552, %get3A_41, %dot_general3A_553 {dimension_numbers = #tpu.dot_dimension_numbers<[1], [1], [0], [0], [0, 0, 1, 0], [], []>, transpose_lhs_hint = false} : vector<384x192xf32>, vector<96x192xf32>, vector<384x96xf32> -> vector<384x96xf32>
    %add3A_555 = vector.broadcast %get3A_44 : vector<1x96xf32> to vector<384x96xf32>
    %add3A_556 = arith.addf %dot_general3A_554, %add3A_555 : vector<384x96xf32>
    %add3A_557 = arith.addf %add3A_545, %add3A_556 : vector<384x96xf32>
    %swap3A_558 = arith.constant 1920 : index
    %swap3A_559 = arith.constant 0 : index
    %swap3A_560 = vector.load %arg10[%swap3A_558, %swap3A_559] : memref<2304x96xf32, #tpu.memory_space<vmem>>, vector<384x96xf32>
    tpu.vector_store %arg10[%swap3A_558, %swap3A_559], %add3A_557 {strides = array<i32>} : memref<2304x96xf32, #tpu.memory_space<vmem>>, vector<384x96xf32>,
    return
  }
}

</mosaic_0001>

<sc_bundles>
// kernel: kernel.5.cloned.1.call-start
scs
__scs_entry_jumppad:
0x0: {  	(pc) =	sbr.rel $0x88, $3  }
0x1: {  	(tag) =	ssettag $0x0;
	lr =	simm.s32 $0x1  }
0x2: {  	[smem:$0x3F9A] =	sst lr;
	_ =	strace $0xD0000000  }
0x3: {  	_ = 	snop  }
0x4: {  	_ = 	snop  }
0x5: {  	_ = 	snop  }
0x6: {  	_ = 	snop  }
0x7: {  	_ = 	snop  }
__scs_overlays_trampoline_lowered:
0x8: {  	[smem:$0x3FA9] =	sst s0  }
0x9: {  	[smem:$0x3FAA] =	sst s1  }
0xa: {  	[smem:$0x3FAB] =	sst s2  }
0xb: {  	[smem:$0x3FAC] =	sst s3  }
0xc: {  	[smem:$0x3FAD] =	sst s4  }
0xd: {  	[smem:$0x3FAE] =	sst s5  }
0xe: {  	[smem:$0x3FAF] =	sst s6  }
0xf: {  	[smem:$0x3FB0] =	sst s7  }
0x10: {  	[smem:$0x3FB1] =	sst s8  }
0x11: {  	[smem:$0x3FB2] =	sst s9;
	s0 =	simm.s32 @!p0 $0x0  }
0x12: {  	s1 =	sld [smem:$0x3F98];
	s0 =	simm.s32 @p0 $0x1  }
0x13: {  	[smem:$0x3FB3] =	sst s0;
	s0 =	simm.s32 @!p1 $0x0  }
0x14: {  	s2 =	sld [smem:$0x3F97];
	s0 =	simm.s32 @p1 $0x1  }
0x15: {  	[smem:$0x3FB4] =	sst s0;
	s0 =	simm.s32 @!p2 $0x0  }
0x16: {  	s3 =	sld [smem:$0x3FDB];
	s0 =	simm.s32 @p2 $0x1  }
0x17: {  	s4 =	simm.s32 $0x1BF5;
	[smem:$0x3FB6] =	sst s0  }
0x18: {  	s0 =	sld [smem:$0x3F99];
	_ =	swait.ge [sflag:s4], $0x0  }
0x19: {  	s7 =	sld [smem:$0x3F9A]  }
0x1a: {  	s8 =	sadd.s32 $0xFFFFE003, lr  }
0x1b: {  	s9 =	sadd.s32 $0xFFFFFEF7, lr;
	s5 =	simm.s32 $0xFFFFFFFF;
	p2 =	slt.u32 s8, $0xFFFFF086  }
0x1c: {  	p1 =	slt.u32 s9, $0xF7A;
	s5 =	simm.s32 @!p2 $0x0  }
0x1d: {  	s5 =	simm.s32 @p1 $0x1;
	p0 =	seq.s32 s7, s2  }
0x1e: {  	s7 =	smul.u32 @!p0 $0xF7A, s2;
	p2 =	seq.s32 @!p0 s5, $0x0  }
0x1f: {  	s9 =	smul.u32 $0xF7A, s1;
	s8 =	simm.s32 @!p0 $0x1BF5;
	p2 =	por !p2, p0  }
0x20: {  	[sflag:s8] =	ssyncset.s32 @!p0 $0xFFFFF086;
	s6 =	sadd.s32 @!p0 s3, s7;
	s7 =	simm.s32 @!p0 $0x108  }
0x21: {  	s3 =	sadd.s32 s3, s9;
	s6 =	sadd.s32 @!p0 $0x88, s6;
	s7 =	simm.s32 @p2 $0x1082  }
0x22: {  	[simem:s7], [sflag:s8] =	dma.local @!p0 [hbm:s6], $0xF7A  }
0x23: {  	s9 =	sor.u32 $0xD0000000, s2;
	s6 =	simm.s32 $0x108;
	_ =	swait.ge @!p0 [sflag:s8], $0x0  }
0x24: {  	s3 =	sadd.s32 $0x88, s3;
	s6 =	simm.s32 @!p1 $0x1082;
	[sflag:s4] =	ssyncset.s32 $0xFFFFF086  }
0x25: {  	[simem:s6], [sflag:s4] =	dma.local [hbm:s3], $0xF7A  }
0x26: {  	[smem:$0x3F9A] =	sst s1;
	(tag) =	ssettag s2;
	_ =	strace s9  }
0x27: {  	s1 =	sld [smem:$0x3FAA]  }
0x28: {  	s2 =	sld [smem:$0x3FAB]  }
0x29: {  	s4 =	sld [smem:$0x3FAD]  }
0x2a: {  	p0 =	seq.s32 s5, $0x0;
	s5 =	sld [smem:$0x3FAE]  }
0x2b: {  	s6 =	sld [smem:$0x3FAF]  }
0x2c: {  	s7 =	sld [smem:$0x3FB0]  }
0x2d: {  	s3 =	simm.s32 $0x108;
	s8 =	sld [smem:$0x3FB1]  }
0x2e: {  	s3 =	simm.s32 @!p0 $0x1082;
	s9 =	sld [smem:$0x3FB2]  }
0x2f: {  	lr =	sadd.s32 s0, s3;
	s0 =	sld [smem:$0x3FA9]  }
0x30: {  	s3 =	sld [smem:$0x3FAC]  }
0x31: {  	[smem:$0x3FB5] =	sst s10  }
0x32: {  	s10 =	sld [smem:$0x3FB3];
	_ =	sdelay $0x3  }
0x33: {  	p0 =	seq.s32 s10, $0x1;
	s10 =	sld [smem:$0x3FB5];
	_ =	sdelay $0x3  }
0x34: {  	[smem:$0x3FB5] =	sst s10  }
0x35: {  	s10 =	sld [smem:$0x3FB4];
	_ =	sdelay $0x3  }
0x36: {  	p1 =	seq.s32 s10, $0x1;
	s10 =	sld [smem:$0x3FB5];
	_ =	sdelay $0x3  }
0x37: {  	[smem:$0x3FB5] =	sst s10  }
0x38: {  	s10 =	sld [smem:$0x3FB6]  }
0x39: {  	_ = 	snop;
	(pc) =	sbr.ind lr, $3  }
0x3a: {  	_ = 	snop  }
0x3b: {  	_ = 	snop  }
0x3c: {  	p2 =	seq.s32 s10, $0x1;
	s10 =	sld [smem:$0x3FB5]  }
0x3d: {  	_ =	shalt  }
0x3e: {  	_ =	shalt  }
0x3f: {  	_ =	shalt  }
0x40: {  	_ =	shalt  }
0x41: {  	_ =	shalt  }
0x42: {  	_ =	shalt  }
0x43: {  	_ =	shalt  }
0x44: {  	_ =	shalt  }
0x45: {  	_ =	shalt  }
0x46: {  	_ =	shalt  }
0x47: {  	_ =	shalt  }
0x48: {  	_ =	shalt  }
0x49: {  	_ =	shalt  }
0x4a: {  	_ =	shalt  }
0x4b: {  	_ =	shalt  }
0x4c: {  	_ =	shalt  }
0x4d: {  	_ =	shalt  }
0x4e: {  	_ =	shalt  }
0x4f: {  	_ =	shalt  }
0x50: {  	_ =	shalt  }
0x51: {  	_ =	shalt  }
0x52: {  	_ =	shalt  }
0x53: {  	_ =	shalt  }
0x54: {  	_ =	shalt  }
0x55: {  	_ =	shalt  }
0x56: {  	_ =	shalt  }
0x57: {  	_ =	shalt  }
0x58: {  	_ =	shalt  }
0x59: {  	_ =	shalt  }
0x5a: {  	_ =	shalt  }
0x5b: {  	_ =	shalt  }
0x5c: {  	_ =	shalt  }
0x5d: {  	_ =	shalt  }
0x5e: {  	_ =	shalt  }
0x5f: {  	_ =	shalt  }
0x60: {  	_ =	shalt  }
0x61: {  	_ =	shalt  }
0x62: {  	_ =	shalt  }
0x63: {  	_ =	shalt  }
0x64: {  	_ =	shalt  }
0x65: {  	_ =	shalt  }
0x66: {  	_ =	shalt  }
0x67: {  	_ =	shalt  }
0x68: {  	_ =	shalt  }
0x69: {  	_ =	shalt  }
0x6a: {  	_ =	shalt  }
0x6b: {  	_ =	shalt  }
0x6c: {  	_ =	shalt  }
0x6d: {  	_ =	shalt  }
0x6e: {  	_ =	shalt  }
0x6f: {  	_ =	shalt  }
0x70: {  	_ =	shalt  }
0x71: {  	_ =	shalt  }
0x72: {  	_ =	shalt  }
0x73: {  	_ =	shalt  }
0x74: {  	_ =	shalt  }
0x75: {  	_ =	shalt  }
0x76: {  	_ =	shalt  }
0x77: {  	_ =	shalt  }
0x78: {  	_ =	shalt  }
0x79: {  	_ =	shalt  }
0x7a: {  	_ =	shalt  }
0x7b: {  	_ =	shalt  }
0x7c: {  	_ =	shalt  }
0x7d: {  	_ =	shalt  }
0x7e: {  	_ =	shalt  }
0x7f: {  	_ =	shalt  }
0x80: {  	_ =	shalt  }
0x81: {  	_ =	shalt  }
0x82: {  	_ =	shalt  }
0x83: {  	_ =	shalt  }
0x84: {  	_ =	shalt  }
0x85: {  	_ =	shalt  }
0x86: {  	_ =	shalt  }
0x87: {  	_ =	shalt  }
.Lfunc_end0:
.L_simem_size_0:
called_computation_lowered:
.L_overlay_start_0:
0x88: {  	s2 =	sld [smem:$0x3FD9]  }
0x89: {  	s3 =	sld [smem:$0x3FFE];
	_ =	sdelay $0x1  }
0x8a: {  	s1 =	srdreg.scid  }
0x8b: {  	s0 =	sand.u32 $0x1, s1  }
0x8c: {  	s17 =	sshll.u32 s0, $0xA;
	s2 =	sadd.s32 s3, s2  }
0x8d: {  	s2 =	sadd.s32 s2, s17  }
0x8e: {  	[smem:$0x3FC1] =	sst s2  }
0x8f: {  	_ = 	snop  }
0x90: {  	s2 =	sld [smem:$0x3FD0];
	(tm) =	ssettm $0x1  }
0x91: {  	s18 =	sld [smem:$0x3FFB];
	_ =	sdelay $0x3  }
0x92: {  	_ =	strace s18  }
0x93: {  	s3 =	sld [smem:$0x3FFC];
	_ =	sdelay $0x3  }
0x94: {  	_ =	strace s3  }
0x95: {  	s3 =	sld [smem:$0x3FFD];
	_ =	sdelay $0x3  }
0x96: {  	_ =	strace s3  }
0x97: {  	_ =	strace $0x8FFFFFFF  }
0x98: {  	s19 =	sld [smem:$0x3FDB];
	_ =	sdelay $0x1  }
0x99: {  	s4 =	simm.s32 $_scs_section_size  }
0x9a: {  	s5 =	simm.s32 $_size__tile_overlayer_lowered;
	s6 =	simm.s32 $_tile_overlayer_lowered  }
0x9b: {  	s22 =	simm.s32 $0x1BFF;
	s21 =	sshll.u32 s6, $0x1;
	s3 =	sadd.s32 s4, s19  }
0x9c: {  	s7 =	simm.s32 $0x0;
	s20 =	sshll.u32 s5, $0x1;
	s5 =	sadd.s32 s21, s3  }
0x9d: {  	[timem:s7], [sflag:s22] =	dma.local [hbm:s5], s20  }
0x9e: {  	_ =	swait.ge [sflag:s22], s20  }
0x9f: {  	s4 =	ssub.s32 $0x0, s20;
	[sflag:s22] =	ssyncset.done $0x0  }
0xa0: {  	[sflag:s22] =	ssyncadd.s32 s4;
	_ =	sdelay $0x1  }
0xa1: {  	s23 =	simm.s32 $0x1B8B  }
0xa2: {  	_ =	swait.ge [sflag:s23], $0x1  }
0xa3: {  	[sflag:s23] =	ssyncset.done $0x0  }
0xa4: {  	s25 =	simm.s32 $0x1B8E;
	s24 =	sld [smem:$0x3FFE];
	[sflag:s23] =	ssyncadd.s32 $0xFFFFFFFF  }
0xa5: {  	s26 =	simm.s32 $execute0_lowered;
	[smem:$0x3FD2] =	sst s25  }
0xa6: {  	s5 =	sshll.u32 s26, $0x1;
	_ =	strace $0x80000046;
	[dreg:$0x1] =	wrdreg $0xFFFFFFFF  }
0xa7: {  	s28 =	simm.s32 $_size_execute0_lowered;
	s3 =	sadd.s32 s3, s5;
	[dreg:$0x0] =	wrdreg $0x0  }
0xa8: {  	s5 =	sshll.u32 s28, $0x1;
	[dreg:$0x2] =	wrdreg s3  }
0xa9: {  	[dreg:$0x3] =	wrdreg s5  }
0xaa: {  	[dreg:$0x4] =	wrdreg $0xC0  }
0xab: {  	_ =	task [dreg:s7], $0x5FFFF  }
0xac: {  	[dreg:$0x1] =	wrdreg $0xFFFFFFFF  }
0xad: {  	[dreg:$0x0] =	wrdreg $0x60  }
0xae: {  	[dreg:$0x2] =	wrdreg s24  }
0xaf: {  	[dreg:$0x3] =	wrdreg s2  }
0xb0: {  	[dreg:$0x4] =	wrdreg $0x9  }
0xb1: {  	_ =	task.clear_ibuf [dreg:s7], $0x5FFFF;
	_ =	strace $0x90000046  }
0xb2: {  	s29 =	simm.s32 $0x9;
	_ =	strace $0x80000048  }
0xb3: {  	_ =	swait.ge [sflag:s29], $0x1  }
0xb4: {  	[sflag:s29] =	ssyncadd.s32 $0xFFFFFFFF  }
0xb5: {  	_ =	strace $0x90000048  }
0xb6: {  	_ =	sfence  }
0xb7: {  	s30 =	sld [smem:$0x0];
	_ =	sdelay $0x2  }
0xb8: {  	s31 =	sshll.u32 s1, $0xD;
	s1 =	sshrl.u32 s1, $0x2  }
0xb9: {  	s3 =	sand.u32 $0x4000, s31;
	s1 =	sadd.s32 s1, s30  }
0xba: {  	s0 =	sor.u32 s3, s0;
	s1 =	sshll.u32 s1, $0x11  }
0xbb: {  	s0 =	sor.u32 s1, s0  }
0xbc: {  	s0 =	sadd.s32 $0x8F2B, s0  }
0xbd: {  	[sflag:s0] =	ssyncadd.remote.s32 $0x1  }
0xbe: {  	_ =	sfence.sel $0xFFFF  }
0xbf: {  	[dreg:$0x0] =	wrdreg $0xFFFFFFFF;
	(pc) =	sbr.abs _section_cstart, $3  }
0xc0: {  	[dreg:$0x1] =	wrdreg $0xFFFFFFFF  }
0xc1: {  	_ =	task.clear_ibuf [dreg:s7], $0x2FFFF;
	_ =	strace $0x9FFFFFFF  }
0xc2: {  	(tm) =	ssettm $0x7FFFFFFF  }
0xc3: {  	_ =	shalt  }
tec
execute0_lowered:
.L_overlay_start_1:
0x0: {  	(tag) =	ssettag $0x1  }
0x1: {  	v0 =	vimm.s32 $0xCBA98  }
0x2: {  	v1 =	vimm.s32 $0x76543210;
	v2 =	vimm.s32 $0x32313000;
	vm0 =	vcmask $0x1F14  }
0x3: {  	v3 =	vimm.s32 $0x65646362;
	v4 =	vimm.s32 $0x94939291;
	v5 =	vimm.s32 $0x36353433  }
0x4: {  	v6 =	vimm.s32 $0x3A393837;
	v7 =	vimm.s32 $0x98979695;
	v8 =	vimm.s32 $0x69686766  }
0x5: {  	v9 =	vimm.s32 $0x906C6B6A;
	vm1 =	vcmask $0xF00;
	vm14 =	vcmask $0x300  }
0x6: {  	vm11 =	vcmask $0x704;
	vm12 =	vcmask $0xB08;
	vm13 =	vcmask $0xF0C  }
0x7: {  	vm10 =	vcmask $0x1310;
	vm9 =	vcmask $0x1714;
	vm8 =	vcmask $0x1B18  }
0x8: {  	vm7 =	vcmask $0x1F1C;
	vm6 =	vcmask $0x2320;
	vm5 =	vcmask $0x2724  }
0x9: {  	vm4 =	vcmask $0x2B28;
	vm3 =	vcmask $0x2F2C;
	vm2 =	vcmask $0x3B38  }
0xa: {  	v11 =	vimm.s32 $0x243;
	v0 =	vunpack.c.l.s4.s8 v0;
	v1 =	vunpack.c.l.s4.s8 v1  }
0xb: {  	v2 =	vunpack.c.0.s8.s32 v2;
	v3 =	vunpack.c.0.s8.s32 v3;
	v4 =	vunpack.c.0.s8.s32 v4  }
0xc: {  	v7 =	vunpack.c.0.s8.s32 v7;
	v8 =	vunpack.c.0.s8.s32 v8;
	v11 =	vsel vm14, $0x211, v11  }
0xd: {  	v9 =	vunpack.c.0.s8.s32 v9;
	v11 =	vsel vm11, $0x212, v11;
	v0 =	vunpack.c.0.s8.s32 v0  }
0xe: {  	v5 =	vunpack.c.0.s8.s32 v5;
	v1 =	vunpack.c.0.s8.s32 v1;
	v11 =	vsel vm12, $0x213, v11  }
0xf: {  	v6 =	vunpack.c.0.s8.s32 v6;
	v11 =	vsel vm13, $0x214, v11;
	v0 =	vand.u32 $0xF, v0  }
0x10: {  	v1 =	vand.u32 $0xF, v1;
	v11 =	vsel vm10, $0x215, v11;
	v0 =	vsel vm0, v2, v0  }
0x11: {  	v2 =	vimm.s32 $0x61603C3B;
	vm0 =	vcmask $0x1F10;
	v11 =	vsel vm9, $0x216, v11  }
0x12: {  	v0 =	vcombine.low v1, v0;
	v1 =	vlaneseq.u32;
	v2 =	vunpack.c.0.s8.s32 v2  }
0x13: {  	v4 =	vsel vm0, v7, v4;
	v7 =	vsel vm0, v9, v8;
	v5 =	vsel vm0, v6, v5  }
0x14: {  	v6 =	vimm.s32 $0xCBCAC9C8;
	v8 =	vimm.s32 $0xC3C2C1C0;
	v9 =	vimm.s32 $0xF2F1F0CC  }
0x15: {  	v11 =	vsel vm8, $0x217, v11;
	v10 =	vmul.u32 $0xFFFFFFFF, v1;
	v4 =	vcombine.low v7, v4  }
0x16: {  	v6 =	vunpack.c.0.s8.s32 v6;
	v7 =	vimm.s32 $0x9C9B9A99;
	v8 =	vunpack.c.0.s8.s32 v8  }
0x17: {  	v11 =	vsel vm7, $0x218, v11;
	v12 =	vadd.s32 $0x244, v1;
	v3 =	vsel vm0, v3, v2  }
0x18: {  	v7 =	vunpack.c.0.s8.s32 v7;
	v11 =	vsel vm6, $0x219, v11;
	v2 =	vadd.s32 $0xF, v10  }
0x19: {  	v3 =	vcombine.low v5, v3;
	v5 =	vimm.s32 $0xC7C6C5C4;
	v4 =	vand.u32 $0xFF, v4  }
0x1a: {  	v10 =	vimm.s32 $0x210;
	v11 =	vsel vm5, $0x21A, v11;
	v5 =	vunpack.c.0.s8.s32 v5  }
0x1b: {  	v7 =	vsel vm0, v8, v7;
	v10 =	vsel vm14, $0x1BB, v10;
	v11 =	vsel vm4, $0x21B, v11  }
0x1c: {  	v10 =	vsel vm11, $0x1BC, v10;
	v11 =	vsel vm3, $0x21C, v11;
	v5 =	vsel vm0, v6, v5  }
0x1d: {  	v6 =	vunpack.c.0.s8.s32 v9;
	v9 =	vimm.s32 $0xF6F5F4F3;
	v10 =	vsel vm12, $0x1E0, v10  }
0x1e: {  	v8 =	vunpack.c.0.s8.s32 v9;
	v9 =	vimm.s32 $0xFAF9F8F7;
	v5 =	vcombine.low v7, v5  }
0x1f: {  	v10 =	vsel vm13, $0x1E1, v10;
	v6 =	vand.u32 $0xFF, v6;
	v9 =	vunpack.c.0.s8.s32 v9  }
0x20: {  	v10 =	vsel vm10, $0x1E2, v10;
	v6 =	vnsel vm1, $0x121, v6;
	v7 =	vand.u32 $0xFF, v8  }
0x21: {  	v5 =	vand.u32 $0xFF, v5;
	v8 =	vimm.s32 $0x187;
	vm1 =	vcmask $0x3734  }
0x22: {  	v10 =	vsel vm9, $0x1E3, v10;
	v6 =	vsel vm0, v7, v6;
	v7 =	vand.u32 $0xFF, v9  }
0x23: {  	vm0 =	vcmask $0x2F20;
	v8 =	vsel vm14, $0x155, v8;
	v9 =	vimm.s32 $0x1BA  }
0x24: {  	v10 =	vsel vm8, $0x1E4, v10;
	v6 =	vsel vm0, v7, v6;
	vm0 =	vcmask $0x3330  }
0x25: {  	v7 =	vimm.s32 $0x154;
	v8 =	vsel vm11, $0x156, v8;
	v9 =	vsel vm14, $0x188, v9  }
0x26: {  	v10 =	vsel vm7, $0x1E5, v10;
	v6 =	vsel vm0, $0xFB, v6;
	v7 =	vsel vm14, $0x122, v7  }
0x27: {  	v8 =	vsel vm12, $0x157, v8;
	v9 =	vsel vm11, $0x189, v9;
	v10 =	vsel vm6, $0x1E6, v10  }
0x28: {  	v11 =	vsel vm0, $0x240, v11;
	v7 =	vsel vm11, $0x123, v7;
	v8 =	vsel vm13, $0x158, v8  }
0x29: {  	v6 =	vsel vm1, $0xFC, v6;
	v9 =	vsel vm12, $0x18A, v9;
	v10 =	vsel vm5, $0x1E7, v10  }
0x2a: {  	v11 =	vsel vm1, $0x241, v11;
	v7 =	vsel vm12, $0x124, v7;
	v8 =	vsel vm10, $0x159, v8  }
0x2b: {  	v6 =	vsel vm2, $0x120, v6;
	v9 =	vsel vm13, $0x18B, v9;
	v10 =	vsel vm4, $0x1E8, v10  }
0x2c: {  	v11 =	vsel vm2, $0x242, v11;
	v7 =	vsel vm13, $0x125, v7;
	v8 =	vsel vm9, $0x15A, v8  }
0x2d: {  	v9 =	vsel vm10, $0x18C, v9;
	v10 =	vsel vm3, $0x1E9, v10;
	v7 =	vsel vm10, $0x126, v7  }
0x2e: {  	v8 =	vsel vm8, $0x15B, v8;
	v9 =	vsel vm9, $0x1B0, v9;
	v10 =	vsel vm0, $0x1EA, v10  }
0x2f: {  	s1 =	srdreg.scid;
	s0 =	stileid.u32;
	v7 =	vsel vm9, $0x127, v7;
	v8 =	vsel vm7, $0x15C, v8;
	v9 =	vsel vm8, $0x1B1, v9  }
0x30: {  	s4 =	rddreg [dreg:$0x0];
	s3 =	sand.u32 $0x1, s1;
	s29 =	sshll.u32 s0, $0x1;
	v10 =	vsel vm1, $0x1EB, v10;
	v7 =	vsel vm8, $0x128, v7;
	v8 =	vsel vm6, $0x180, v8  }
0x31: {  	s5 =	rddreg [dreg:$0x1];
	s9 =	smul.u32 $0x90, s0;
	s2 =	sor.u32 s3, s29;
	v9 =	vsel vm7, $0x1B2, v9;
	v10 =	vsel vm2, $0x1EC, v10;
	v7 =	vsel vm7, $0x129, v7  }
0x32: {  	s1 =	rddreg [dreg:$0x2];
	s6 =	smul.u32 $0x2400, s2;
	v8 =	vsel vm5, $0x181, v8;
	v9 =	vsel vm6, $0x1B3, v9;
	v7 =	vsel vm6, $0x12A, v7  }
0x33: {  	s8 =	ssub.s32 $0x2, s3;
	s7 =	smul.u32 $0x480, s2;
	s2 =	simm.s32 $0x0;
	v8 =	vsel vm4, $0x182, v8;
	v9 =	vsel vm5, $0x1B4, v9;
	v7 =	vsel vm5, $0x12B, v7  }
0x34: {  	s11 =	smul.u32 $0x48, s3;
	s10 =	sshrl.u32 s8, $0x1;
	[smem:$0x7FF] =	sst s2;
	v8 =	vsel vm3, $0x183, v8;
	v9 =	vsel vm4, $0x1B5, v9;
	v7 =	vsel vm4, $0x12C, v7  }
0x35: {  	s31 =	ssub.s32 s8, s10;
	s8 =	simm.s32 $0x1;
	s10 =	simm.s32 $0x2;
	v8 =	vsel vm0, $0x184, v8;
	v9 =	vsel vm3, $0x1B6, v9;
	v7 =	vsel vm3, $0x150, v7  }
0x36: {  	_ =	strace $0x80000047;
	s30 =	sadd.s32 s6, s4;
	s4 =	sadd.s32 s5, s7;
	v8 =	vsel vm1, $0x185, v8;
	v9 =	vsel vm0, $0x1B7, v9;
	v7 =	vsel vm0, $0x151, v7  }
0x37: {  	s5 =	sadd.s32 s11, s9;
	s6 =	smax.u32 s31, $0x1;
	s9 =	simm.s32 $0x12000;
	v8 =	vsel vm2, $0x186, v8;
	v9 =	vsel vm1, $0x1B8, v9;
	v7 =	vsel vm1, $0x152, v7  }
0x38: {  	s11 =	simm.s32 $0x0;
	s3 =	sadd.s32 $0x2A00, s30;
	s7 =	sadd.s32 $0x1A, s5;
	vm0 =	vmmov $0x1ff;
	v9 =	vsel vm2, $0x1B9, v9;
	v7 =	vsel vm2, $0x153, v7  }
.LBB2_1:
0x39: {  	s12 =	smulhi.u32 $0xAAAAAAAB, s5;
	_ =	sdelay $0x1  }
0x3a: {  	s12 =	sshrl.u32 s12, $0x8  }
0x3b: {  	s12 =	smul.u32 $0x180, s12;
	_ =	sdelay $0x1  }
0x3c: {  	s12 =	ssub.s32 s7, s12  }
0x3d: {  	s12 =	sadd.s32 $0x0, s12  }
0x3e: {  	v13 =	vmov s2;
	v15 =	vadd.s32 s12, v0  }
0x3f: {  	v14 =	vshll.u32 v13, $0xA;
	v16 =	vshll.u32 v15, $0x3  }
0x40: {  	v14 =	vand.u32 $0x1E000, v14;
	v16 =	vand.u32 $0xFFFFFC00, v16  }
0x41: {  	v13 =	vshll.u32 v13, $0x7;
	v17 =	vand.u32 $0x7F, v15;
	v16 =	vadd.s32 v14, v16  }
0x42: {  	v15 =	vand.u32 $0x380, v13;
	v16 =	vor.u32 v17, v16  }
0x43: {  	v16 =	vor.u32 v15, v16  }
0x44: {  	[tilespmem:s2], [sflag:$0x1] =	stream.linear.gather [hbm4b:s3+s2], $0x12000, $0x38;
	[tilespmem:$0x14400] =	vst v63  }
0x45: {  	_ =	swait.ge [sflag:s8], $0x12000  }
0x46: {  	[sflag:s8] =	ssyncset.done $0x0  }
0x47: {  	[sflag:s8] =	ssyncadd.s32 $0xFFFEE000  }
0x48: {  	v16 =	vld.idx.msk [tilespmem:v16+s2+$0x0], $0xffff;
	_ =	sdelay $0x4  }
0x49: {  	(xrf1) =	vsort.ascd.msk.f32 $0xffff, v16, v16  }
0x4a: {  	v63 =	vadd.s32 s12, v3  }
0x4b: {  	v20 =	vshll.u32 v63, $0x3  }
0x4c: {  	v17 =	vand.u32 $0xFFFFFC00, v20  }
0x4d: {  	v17 =	vadd.s32 v14, v17;
	v16 =	vand.u32 $0x7F, v63  }
0x4e: {  	v16 =	vor.u32 v16, v17  }
0x4f: {  	v16 =	vor.u32 v15, v16;
	_ =	sdelay $0x4  }
0x50: {  	v16 =	vld.idx.msk [tilespmem:v16+s2+$0x0], $0xffff;
	_ =	sdelay $0x2  }
0x51: {  	v21, _, _ =	vpop (xrf1)  }
0x52: {  	v17 =	vperm.xlane v21, v2  }
0x53: {  	(xrf1) =	vsort.ascd.msk.f32 $0xffff, v16, v16  }
0x54: {  	v22 =	vadd.s32 s12, v4;
	v17 =	vmax.f32 v17, $-1.000000000e+09  }
0x55: {  	v18 =	vshll.u32 v22, $0x3;
	(xrf1) =	vsort.ascd.msk.f32 $0xffff, v17, v17  }
0x56: {  	v23 =	vand.u32 $0xFFFFFC00, v18  }
0x57: {  	v16 =	vand.u32 $0x7F, v22;
	v17 =	vadd.s32 v14, v23  }
0x58: {  	v16 =	vor.u32 v16, v17  }
0x59: {  	v16 =	vor.u32 v15, v16;
	_ =	sdelay $0x4  }
0x5a: {  	v16 =	vld.idx.msk [tilespmem:v16+s2+$0x0], $0xffff;
	_ =	sdelay $0x2  }
0x5b: {  	v24, _, _ =	vpop (xrf1)  }
0x5c: {  	v17 =	vperm.xlane v24, v2  }
0x5d: {  	(xrf1) =	vsort.ascd.msk.f32 $0xffff, v16, v16;
	v25, _, _ =	vpop (xrf1)  }
0x5e: {  	v26 =	vadd.s32 s12, v5;
	v17 =	vmax.f32 v25, v17  }
0x5f: {  	v27 =	vshll.u32 v26, $0x3;
	(xrf1) =	vsort.ascd.msk.f32 $0xffff, v17, v17  }
0x60: {  	v28 =	vand.u32 $0xFFFFFC00, v27  }
0x61: {  	v16 =	vand.u32 $0x7F, v26;
	v17 =	vadd.s32 v14, v28  }
0x62: {  	v16 =	vor.u32 v16, v17  }
0x63: {  	v16 =	vor.u32 v15, v16;
	_ =	sdelay $0x4  }
0x64: {  	v16 =	vld.idx.msk [tilespmem:v16+s2+$0x0], $0xffff;
	_ =	sdelay $0x2  }
0x65: {  	v29, _, _ =	vpop (xrf1)  }
0x66: {  	v17 =	vperm.xlane v29, v2  }
0x67: {  	(xrf1) =	vsort.ascd.msk.f32 $0xffff, v16, v16;
	v30, _, _ =	vpop (xrf1)  }
0x68: {  	v31 =	vadd.s32 s12, v6;
	v17 =	vmax.f32 v30, v17  }
0x69: {  	v32 =	vshll.u32 v31, $0x3;
	(xrf1) =	vsort.ascd.msk.f32 $0xffff, v17, v17  }
0x6a: {  	v33 =	vand.u32 $0xFFFFFC00, v32  }
0x6b: {  	v16 =	vand.u32 $0x7F, v31;
	v17 =	vadd.s32 v14, v33  }
0x6c: {  	v16 =	vor.u32 v16, v17  }
0x6d: {  	v16 =	vor.u32 v15, v16;
	_ =	sdelay $0x4  }
0x6e: {  	v16 =	vld.idx.msk [tilespmem:v16+s2+$0x0], $0xffff;
	_ =	sdelay $0x2  }
0x6f: {  	v34, _, _ =	vpop (xrf1)  }
0x70: {  	v17 =	vperm.xlane v34, v2  }
0x71: {  	(xrf1) =	vsort.ascd.msk.f32 $0xffff, v16, v16;
	v35, _, _ =	vpop (xrf1)  }
0x72: {  	v36 =	vadd.s32 s12, v7;
	v17 =	vmax.f32 v35, v17  }
0x73: {  	v37 =	vshll.u32 v36, $0x3;
	(xrf1) =	vsort.ascd.msk.f32 $0xffff, v17, v17  }
0x74: {  	v38 =	vand.u32 $0xFFFFFC00, v37  }
0x75: {  	v16 =	vand.u32 $0x7F, v36;
	v17 =	vadd.s32 v14, v38  }
0x76: {  	v16 =	vor.u32 v16, v17  }
0x77: {  	v16 =	vor.u32 v15, v16;
	_ =	sdelay $0x4  }
0x78: {  	v16 =	vld.idx.msk [tilespmem:v16+s2+$0x0], $0xffff;
	_ =	sdelay $0x2  }
0x79: {  	v39, _, _ =	vpop (xrf1)  }
0x7a: {  	v17 =	vperm.xlane v39, v2  }
0x7b: {  	(xrf1) =	vsort.ascd.msk.f32 $0xffff, v16, v16;
	v40, _, _ =	vpop (xrf1)  }
0x7c: {  	v41 =	vadd.s32 s12, v8;
	v17 =	vmax.f32 v40, v17  }
0x7d: {  	v42 =	vshll.u32 v41, $0x3;
	(xrf1) =	vsort.ascd.msk.f32 $0xffff, v17, v17  }
0x7e: {  	v43 =	vand.u32 $0xFFFFFC00, v42  }
0x7f: {  	v16 =	vand.u32 $0x7F, v41;
	v17 =	vadd.s32 v14, v43  }
0x80: {  	v16 =	vor.u32 v16, v17  }
0x81: {  	v16 =	vor.u32 v15, v16;
	_ =	sdelay $0x4  }
0x82: {  	v16 =	vld.idx.msk [tilespmem:v16+s2+$0x0], $0xffff;
	_ =	sdelay $0x2  }
0x83: {  	v44, _, _ =	vpop (xrf1)  }
0x84: {  	v17 =	vperm.xlane v44, v2  }
0x85: {  	(xrf1) =	vsort.ascd.msk.f32 $0xffff, v16, v16;
	v45, _, _ =	vpop (xrf1)  }
0x86: {  	v46 =	vadd.s32 s12, v9;
	v17 =	vmax.f32 v45, v17  }
0x87: {  	v47 =	vshll.u32 v46, $0x3;
	(xrf1) =	vsort.ascd.msk.f32 $0xffff, v17, v17  }
0x88: {  	v48 =	vand.u32 $0xFFFFFC00, v47  }
0x89: {  	v16 =	vand.u32 $0x7F, v46;
	v17 =	vadd.s32 v14, v48  }
0x8a: {  	v16 =	vor.u32 v16, v17  }
0x8b: {  	v16 =	vor.u32 v15, v16;
	_ =	sdelay $0x4  }
0x8c: {  	v16 =	vld.idx.msk [tilespmem:v16+s2+$0x0], $0xffff;
	_ =	sdelay $0x2  }
0x8d: {  	v49, _, _ =	vpop (xrf1)  }
0x8e: {  	v17 =	vperm.xlane v49, v2  }
0x8f: {  	(xrf1) =	vsort.ascd.msk.f32 $0xffff, v16, v16;
	v50, _, _ =	vpop (xrf1)  }
0x90: {  	v51 =	vadd.s32 s12, v10;
	v17 =	vmax.f32 v50, v17  }
0x91: {  	v52 =	vshll.u32 v51, $0x3;
	(xrf1) =	vsort.ascd.msk.f32 $0xffff, v17, v17  }
0x92: {  	v53 =	vand.u32 $0xFFFFFC00, v52  }
0x93: {  	v16 =	vand.u32 $0x7F, v51;
	v17 =	vadd.s32 v14, v53  }
0x94: {  	v16 =	vor.u32 v16, v17  }
0x95: {  	v16 =	vor.u32 v15, v16;
	_ =	sdelay $0x4  }
0x96: {  	v16 =	vld.idx.msk [tilespmem:v16+s2+$0x0], $0xffff;
	_ =	sdelay $0x2  }
0x97: {  	v54, _, _ =	vpop (xrf1)  }
0x98: {  	v17 =	vperm.xlane v54, v2  }
0x99: {  	(xrf1) =	vsort.ascd.msk.f32 $0xffff, v16, v16;
	v55, _, _ =	vpop (xrf1)  }
0x9a: {  	v56 =	vadd.s32 s12, v11;
	v17 =	vmax.f32 v55, v17  }
0x9b: {  	v57 =	vshll.u32 v56, $0x3;
	(xrf1) =	vsort.ascd.msk.f32 $0xffff, v17, v17  }
0x9c: {  	v58 =	vand.u32 $0xFFFFFC00, v57  }
0x9d: {  	v16 =	vand.u32 $0x7F, v56;
	v17 =	vadd.s32 v14, v58  }
0x9e: {  	v16 =	vor.u32 v16, v17  }
0x9f: {  	v16 =	vor.u32 v15, v16;
	_ =	sdelay $0x4  }
0xa0: {  	v16 =	vld.idx.msk [tilespmem:v16+s2+$0x0], $0xffff;
	_ =	sdelay $0x2  }
0xa1: {  	v59, _, _ =	vpop (xrf1)  }
0xa2: {  	v17 =	vperm.xlane v59, v2  }
0xa3: {  	v60 =	vadd.s32 s12, v12;
	(xrf1) =	vsort.ascd.msk.f32 $0xffff, v16, v16;
	v19, _, _ =	vpop (xrf1)  }
0xa4: {  	v61 =	vnsel vm0, $0x0, v60;
	v17 =	vmax.f32 v19, v17  }
0xa5: {  	v18 =	vshll.u32 v61, $0x3;
	(xrf1) =	vsort.ascd.msk.f32 $0xffff, v17, v17  }
0xa6: {  	v62 =	vand.u32 $0xFFFFFC00, v18  }
0xa7: {  	v14 =	vadd.s32 v14, v62;
	v16 =	vand.u32 $0x7F, v61  }
0xa8: {  	v14 =	vor.u32 v16, v14  }
0xa9: {  	v14 =	vor.u32 v15, v14;
	_ =	sdelay $0x4  }
0xaa: {  	v14 =	vld.idx.msk [tilespmem:v14+s2+$0x0], $0xffff;
	_ =	sdelay $0x2  }
0xab: {  	v15, _, _ =	vpop (xrf1)  }
0xac: {  	v15 =	vperm.xlane v15, v2  }
0xad: {  	(xrf1) =	vsort.ascd.msk.f32 $0xffff, v14, v14;
	v63, _, _ =	vpop (xrf1)  }
0xae: {  	v14 =	vmax.f32 v63, v15  }
0xaf: {  	(xrf1) =	vsort.ascd.msk.f32 $0xffff, v14, v14;
	_ =	sdelay $0xb  }
0xb0: {  	v14, _, _ =	vpop (xrf1)  }
0xb1: {  	v14 =	vperm.xlane v14, v2  }
0xb2: {  	s13 =	sadd.s32 $0x1, s5;
	v15, _, _ =	vpop (xrf1)  }
0xb3: {  	s14 =	simm.s32 $0x2;
	s15 =	smulhi.u32 $0xAAAAAAAB, s13;
	s12 =	simm.s32 $0x1;
	v14 =	vmax.f32 v15, v14  }
.LBB2_2:
0xb4: {  	p0 =	sne.s32 s14, $0x47;
	(xrf1) =	vsort.ascd.msk.f32 $0xffff, v14, v14  }
0xb5: {  	s15 =	sshrl.u32 s15, $0x8  }
0xb6: {  	s15 =	smul.u32 $0x180, s15;
	_ =	sdelay $0x1  }
0xb7: {  	s15 =	ssub.s32 s7, s15  }
0xb8: {  	s15 =	sadd.s32 s15, s12  }
0xb9: {  	v15 =	vmov s12;
	s12 =	smov.u32 s14;
	v16 =	vadd.s32 s15, v0  }
0xba: {  	v14 =	vshll.u32 v15, $0xA;
	v17 =	vshll.u32 v16, $0x3  }
0xbb: {  	v14 =	vand.u32 $0x1E000, v14;
	v17 =	vand.u32 $0xFFFFFC00, v17  }
0xbc: {  	v18 =	vshll.u32 v15, $0x7;
	v16 =	vand.u32 $0x7F, v16;
	v17 =	vadd.s32 v14, v17  }
0xbd: {  	v15 =	vand.u32 $0x380, v18;
	v16 =	vor.u32 v16, v17;
	v17 =	vor.u32 v1, v13;
	v13 =	vmovc v18  }
0xbe: {  	v16 =	vor.u32 v15, v16;
	_ =	sdelay $0x2  }
0xbf: {  	v18, _, _ =	vpop (xrf1)  }
0xc0: {  	[tilespmem:v17+s9+$0x0] =	vst.idx.msk $0xffff, v18  }
0xc1: {  	v16 =	vld.idx.msk [tilespmem:v16+s2+$0x0], $0xffff;
	_ =	sdelay $0x5  }
0xc2: {  	v17 =	vadd.s32 s15, v3;
	(xrf1) =	vsort.ascd.msk.f32 $0xffff, v16, v16  }
0xc3: {  	v16 =	vshll.u32 v17, $0x3  }
0xc4: {  	v16 =	vand.u32 $0xFFFFFC00, v16  }
0xc5: {  	v17 =	vand.u32 $0x7F, v17;
	v16 =	vadd.s32 v14, v16  }
0xc6: {  	v16 =	vor.u32 v17, v16  }
0xc7: {  	v16 =	vor.u32 v15, v16;
	_ =	sdelay $0x4  }
0xc8: {  	v16 =	vld.idx.msk [tilespmem:v16+s2+$0x0], $0xffff;
	_ =	sdelay $0x3  }
0xc9: {  	v17, _, _ =	vpop (xrf1)  }
0xca: {  	v17 =	vperm.xlane v17, v2  }
0xcb: {  	v18 =	vadd.s32 s15, v4;
	(xrf1) =	vsort.ascd.msk.f32 $0xffff, v16, v16  }
0xcc: {  	v16 =	vmax.f32 v17, $-1.000000000e+09;
	v17 =	vshll.u32 v18, $0x3  }
0xcd: {  	v17 =	vand.u32 $0xFFFFFC00, v17;
	(xrf1) =	vsort.ascd.msk.f32 $0xffff, v16, v16  }
0xce: {  	v16 =	vand.u32 $0x7F, v18;
	v17 =	vadd.s32 v14, v17  }
0xcf: {  	v16 =	vor.u32 v16, v17  }
0xd0: {  	v16 =	vor.u32 v15, v16;
	_ =	sdelay $0x4  }
0xd1: {  	v16 =	vld.idx.msk [tilespmem:v16+s2+$0x0], $0xffff;
	_ =	sdelay $0x3  }
0xd2: {  	v17, _, _ =	vpop (xrf1)  }
0xd3: {  	v17 =	vperm.xlane v17, v2  }
0xd4: {  	v18 =	vadd.s32 s15, v5;
	v19, _, _ =	vpop (xrf1);
	(xrf1) =	vsort.ascd.msk.f32 $0xffff, v16, v16  }
0xd5: {  	v16 =	vmax.f32 v19, v17;
	v17 =	vshll.u32 v18, $0x3  }
0xd6: {  	v17 =	vand.u32 $0xFFFFFC00, v17;
	(xrf1) =	vsort.ascd.msk.f32 $0xffff, v16, v16  }
0xd7: {  	v16 =	vand.u32 $0x7F, v18;
	v17 =	vadd.s32 v14, v17  }
0xd8: {  	v16 =	vor.u32 v16, v17  }
0xd9: {  	v16 =	vor.u32 v15, v16;
	_ =	sdelay $0x4  }
0xda: {  	v16 =	vld.idx.msk [tilespmem:v16+s2+$0x0], $0xffff;
	_ =	sdelay $0x3  }
0xdb: {  	v17, _, _ =	vpop (xrf1)  }
0xdc: {  	v17 =	vperm.xlane v17, v2  }
0xdd: {  	v18 =	vadd.s32 s15, v6;
	v19, _, _ =	vpop (xrf1);
	(xrf1) =	vsort.ascd.msk.f32 $0xffff, v16, v16  }
0xde: {  	v16 =	vmax.f32 v19, v17;
	v17 =	vshll.u32 v18, $0x3  }
0xdf: {  	v17 =	vand.u32 $0xFFFFFC00, v17;
	(xrf1) =	vsort.ascd.msk.f32 $0xffff, v16, v16  }
0xe0: {  	v16 =	vand.u32 $0x7F, v18;
	v17 =	vadd.s32 v14, v17  }
0xe1: {  	v16 =	vor.u32 v16, v17  }
0xe2: {  	v16 =	vor.u32 v15, v16;
	_ =	sdelay $0x4  }
0xe3: {  	v16 =	vld.idx.msk [tilespmem:v16+s2+$0x0], $0xffff;
	_ =	sdelay $0x3  }
0xe4: {  	v17, _, _ =	vpop (xrf1)  }
0xe5: {  	v17 =	vperm.xlane v17, v2  }
0xe6: {  	v18 =	vadd.s32 s15, v7;
	v19, _, _ =	vpop (xrf1);
	(xrf1) =	vsort.ascd.msk.f32 $0xffff, v16, v16  }
0xe7: {  	v16 =	vmax.f32 v19, v17;
	v17 =	vshll.u32 v18, $0x3  }
0xe8: {  	v17 =	vand.u32 $0xFFFFFC00, v17;
	(xrf1) =	vsort.ascd.msk.f32 $0xffff, v16, v16  }
0xe9: {  	v16 =	vand.u32 $0x7F, v18;
	v17 =	vadd.s32 v14, v17  }
0xea: {  	v16 =	vor.u32 v16, v17  }
0xeb: {  	v16 =	vor.u32 v15, v16;
	_ =	sdelay $0x4  }
0xec: {  	v16 =	vld.idx.msk [tilespmem:v16+s2+$0x0], $0xffff;
	_ =	sdelay $0x3  }
0xed: {  	v17, _, _ =	vpop (xrf1)  }
0xee: {  	v17 =	vperm.xlane v17, v2  }
0xef: {  	v18 =	vadd.s32 s15, v8;
	v19, _, _ =	vpop (xrf1);
	(xrf1) =	vsort.ascd.msk.f32 $0xffff, v16, v16  }
0xf0: {  	v16 =	vmax.f32 v19, v17;
	v17 =	vshll.u32 v18, $0x3  }
0xf1: {  	v17 =	vand.u32 $0xFFFFFC00, v17;
	(xrf1) =	vsort.ascd.msk.f32 $0xffff, v16, v16  }
0xf2: {  	v16 =	vand.u32 $0x7F, v18;
	v17 =	vadd.s32 v14, v17  }
0xf3: {  	v16 =	vor.u32 v16, v17  }
0xf4: {  	v16 =	vor.u32 v15, v16;
	_ =	sdelay $0x4  }
0xf5: {  	v16 =	vld.idx.msk [tilespmem:v16+s2+$0x0], $0xffff;
	_ =	sdelay $0x3  }
0xf6: {  	v17, _, _ =	vpop (xrf1)  }
0xf7: {  	v17 =	vperm.xlane v17, v2  }
0xf8: {  	v18 =	vadd.s32 s15, v9;
	v19, _, _ =	vpop (xrf1);
	(xrf1) =	vsort.ascd.msk.f32 $0xffff, v16, v16  }
0xf9: {  	v16 =	vmax.f32 v19, v17;
	v17 =	vshll.u32 v18, $0x3  }
0xfa: {  	v17 =	vand.u32 $0xFFFFFC00, v17;
	(xrf1) =	vsort.ascd.msk.f32 $0xffff, v16, v16  }
0xfb: {  	v16 =	vand.u32 $0x7F, v18;
	v17 =	vadd.s32 v14, v17  }
0xfc: {  	v16 =	vor.u32 v16, v17  }
0xfd: {  	v16 =	vor.u32 v15, v16;
	_ =	sdelay $0x4  }
0xfe: {  	v16 =	vld.idx.msk [tilespmem:v16+s2+$0x0], $0xffff;
	_ =	sdelay $0x3  }
0xff: {  	v17, _, _ =	vpop (xrf1)  }
0x100: {  	v17 =	vperm.xlane v17, v2  }
0x101: {  	v18 =	vadd.s32 s15, v10;
	v19, _, _ =	vpop (xrf1);
	(xrf1) =	vsort.ascd.msk.f32 $0xffff, v16, v16  }
0x102: {  	v16 =	vmax.f32 v19, v17;
	v17 =	vshll.u32 v18, $0x3  }
0x103: {  	v17 =	vand.u32 $0xFFFFFC00, v17;
	(xrf1) =	vsort.ascd.msk.f32 $0xffff, v16, v16  }
0x104: {  	v16 =	vand.u32 $0x7F, v18;
	v17 =	vadd.s32 v14, v17  }
0x105: {  	v16 =	vor.u32 v16, v17  }
0x106: {  	v16 =	vor.u32 v15, v16;
	_ =	sdelay $0x4  }
0x107: {  	v16 =	vld.idx.msk [tilespmem:v16+s2+$0x0], $0xffff;
	_ =	sdelay $0x3  }
0x108: {  	v17, _, _ =	vpop (xrf1)  }
0x109: {  	v17 =	vperm.xlane v17, v2  }
0x10a: {  	v18 =	vadd.s32 s15, v11;
	v19, _, _ =	vpop (xrf1);
	(xrf1) =	vsort.ascd.msk.f32 $0xffff, v16, v16  }
0x10b: {  	v16 =	vmax.f32 v19, v17;
	v17 =	vshll.u32 v18, $0x3  }
0x10c: {  	v17 =	vand.u32 $0xFFFFFC00, v17;
	(xrf1) =	vsort.ascd.msk.f32 $0xffff, v16, v16  }
0x10d: {  	v16 =	vand.u32 $0x7F, v18;
	v17 =	vadd.s32 v14, v17  }
0x10e: {  	v16 =	vor.u32 v16, v17  }
0x10f: {  	v16 =	vor.u32 v15, v16;
	_ =	sdelay $0x4  }
0x110: {  	v16 =	vld.idx.msk [tilespmem:v16+s2+$0x0], $0xffff;
	_ =	sdelay $0x3  }
0x111: {  	v17, _, _ =	vpop (xrf1)  }
0x112: {  	v18 =	vadd.s32 s15, v12;
	v17 =	vperm.xlane v17, v2  }
0x113: {  	v18 =	vnsel vm0, $0x0, v18;
	v19, _, _ =	vpop (xrf1);
	(xrf1) =	vsort.ascd.msk.f32 $0xffff, v16, v16  }
0x114: {  	v16 =	vmax.f32 v19, v17;
	v17 =	vshll.u32 v18, $0x3  }
0x115: {  	v17 =	vand.u32 $0xFFFFFC00, v17;
	(xrf1) =	vsort.ascd.msk.f32 $0xffff, v16, v16  }
0x116: {  	v16 =	vand.u32 $0x7F, v18;
	v14 =	vadd.s32 v14, v17  }
0x117: {  	v14 =	vor.u32 v16, v14  }
0x118: {  	v14 =	vor.u32 v15, v14;
	_ =	sdelay $0x4  }
0x119: {  	v14 =	vld.idx.msk [tilespmem:v14+s2+$0x0], $0xffff;
	_ =	sdelay $0x3  }
0x11a: {  	v15, _, _ =	vpop (xrf1)  }
0x11b: {  	v15 =	vperm.xlane v15, v2  }
0x11c: {  	v16, _, _ =	vpop (xrf1);
	(xrf1) =	vsort.ascd.msk.f32 $0xffff, v14, v14  }
0x11d: {  	v14 =	vmax.f32 v16, v15  }
0x11e: {  	(xrf1) =	vsort.ascd.msk.f32 $0xffff, v14, v14;
	_ =	sdelay $0xa  }
.Ltmp0:
0x11f: {  	(pc) =	sbr.rel @p0 .LBB2_2-.Ltmp0, $4  }
0x120: {  	v14, _, _ =	vpop (xrf1)  }
0x121: {  	v14 =	vperm.xlane v14, v2  }
0x122: {  	s13 =	sadd.s32 $0x1, s13;
	v15, _, _ =	vpop (xrf1)  }
0x123: {  	s14 =	sadd.s32 $0x1, s14;
	s15 =	smulhi.u32 $0xAAAAAAAB, s13;
	v14 =	vmax.f32 v15, v14  }
0x124: {  	(xrf1) =	vsort.ascd.msk.f32 $0xffff, v14, v14  }
0x125: {  	s13 =	sshrl.u32 s15, $0x8  }
0x126: {  	s13 =	smul.u32 $0x180, s13;
	_ =	sdelay $0x1  }
0x127: {  	s13 =	ssub.s32 s7, s13  }
0x128: {  	s13 =	sadd.s32 s13, s12  }
0x129: {  	v14 =	vmov s12;
	v16 =	vadd.s32 s13, v0  }
0x12a: {  	v15 =	vshll.u32 v14, $0xA;
	v17 =	vshll.u32 v16, $0x3  }
0x12b: {  	v15 =	vand.u32 $0x1E000, v15;
	v17 =	vand.u32 $0xFFFFFC00, v17  }
0x12c: {  	v14 =	vshll.u32 v14, $0x7;
	v18 =	vand.u32 $0x7F, v16;
	v17 =	vadd.s32 v15, v17  }
0x12d: {  	v13 =	vor.u32 v1, v13;
	v26 =	vand.u32 $0x380, v14;
	v17 =	vor.u32 v18, v17  }
0x12e: {  	v17 =	vor.u32 v26, v17;
	_ =	sdelay $0x2  }
0x12f: {  	v27, _, _ =	vpop (xrf1)  }
0x130: {  	[tilespmem:v13+s9+$0x0] =	vst.idx.msk $0xffff, v27  }
0x131: {  	v13 =	vld.idx.msk [tilespmem:v17+s2+$0x0], $0xffff;
	_ =	sdelay $0x4  }
0x132: {  	(xrf1) =	vsort.ascd.msk.f32 $0xffff, v13, v13  }
0x133: {  	v13 =	vadd.s32 s13, v3  }
0x134: {  	v28 =	vshll.u32 v13, $0x3  }
0x135: {  	v17 =	vand.u32 $0xFFFFFC00, v28  }
0x136: {  	v13 =	vand.u32 $0x7F, v13;
	v17 =	vadd.s32 v15, v17  }
0x137: {  	v13 =	vor.u32 v13, v17  }
0x138: {  	v13 =	vor.u32 v26, v13;
	_ =	sdelay $0x4  }
0x139: {  	v13 =	vld.idx.msk [tilespmem:v13+s2+$0x0], $0xffff;
	_ =	sdelay $0x2  }
0x13a: {  	v29, _, _ =	vpop (xrf1)  }
0x13b: {  	v17 =	vperm.xlane v29, v2  }
0x13c: {  	(xrf1) =	vsort.ascd.msk.f32 $0xffff, v13, v13  }
0x13d: {  	v13 =	vadd.s32 s13, v4;
	v17 =	vmax.f32 v17, $-1.000000000e+09  }
0x13e: {  	v30 =	vshll.u32 v13, $0x3;
	(xrf1) =	vsort.ascd.msk.f32 $0xffff, v17, v17  }
0x13f: {  	v31 =	vand.u32 $0xFFFFFC00, v30  }
0x140: {  	v13 =	vand.u32 $0x7F, v13;
	v17 =	vadd.s32 v15, v31  }
0x141: {  	v13 =	vor.u32 v13, v17  }
0x142: {  	v13 =	vor.u32 v26, v13;
	_ =	sdelay $0x4  }
0x143: {  	v13 =	vld.idx.msk [tilespmem:v13+s2+$0x0], $0xffff;
	_ =	sdelay $0x2  }
0x144: {  	v32, _, _ =	vpop (xrf1)  }
0x145: {  	v17 =	vperm.xlane v32, v2  }
0x146: {  	(xrf1) =	vsort.ascd.msk.f32 $0xffff, v13, v13;
	v33, _, _ =	vpop (xrf1)  }
0x147: {  	v13 =	vadd.s32 s13, v5;
	v17 =	vmax.f32 v33, v17  }
0x148: {  	v34 =	vshll.u32 v13, $0x3;
	(xrf1) =	vsort.ascd.msk.f32 $0xffff, v17, v17  }
0x149: {  	v35 =	vand.u32 $0xFFFFFC00, v34  }
0x14a: {  	v13 =	vand.u32 $0x7F, v13;
	v17 =	vadd.s32 v15, v35  }
0x14b: {  	v13 =	vor.u32 v13, v17  }
0x14c: {  	v13 =	vor.u32 v26, v13;
	_ =	sdelay $0x4  }
0x14d: {  	v13 =	vld.idx.msk [tilespmem:v13+s2+$0x0], $0xffff;
	_ =	sdelay $0x2  }
0x14e: {  	v36, _, _ =	vpop (xrf1)  }
0x14f: {  	v17 =	vperm.xlane v36, v2  }
0x150: {  	(xrf1) =	vsort.ascd.msk.f32 $0xffff, v13, v13;
	v37, _, _ =	vpop (xrf1)  }
0x151: {  	v13 =	vadd.s32 s13, v6;
	v17 =	vmax.f32 v37, v17  }
0x152: {  	v38 =	vshll.u32 v13, $0x3;
	(xrf1) =	vsort.ascd.msk.f32 $0xffff, v17, v17  }
0x153: {  	v39 =	vand.u32 $0xFFFFFC00, v38  }
0x154: {  	v13 =	vand.u32 $0x7F, v13;
	v17 =	vadd.s32 v15, v39  }
0x155: {  	v13 =	vor.u32 v13, v17  }
0x156: {  	v13 =	vor.u32 v26, v13;
	_ =	sdelay $0x4  }
0x157: {  	v13 =	vld.idx.msk [tilespmem:v13+s2+$0x0], $0xffff;
	_ =	sdelay $0x2  }
0x158: {  	v40, _, _ =	vpop (xrf1)  }
0x159: {  	v17 =	vperm.xlane v40, v2  }
0x15a: {  	(xrf1) =	vsort.ascd.msk.f32 $0xffff, v13, v13;
	v41, _, _ =	vpop (xrf1)  }
0x15b: {  	v13 =	vadd.s32 s13, v7;
	v17 =	vmax.f32 v41, v17  }
0x15c: {  	v42 =	vshll.u32 v13, $0x3;
	(xrf1) =	vsort.ascd.msk.f32 $0xffff, v17, v17  }
0x15d: {  	v43 =	vand.u32 $0xFFFFFC00, v42  }
0x15e: {  	v13 =	vand.u32 $0x7F, v13;
	v17 =	vadd.s32 v15, v43  }
0x15f: {  	v13 =	vor.u32 v13, v17  }
0x160: {  	v13 =	vor.u32 v26, v13;
	_ =	sdelay $0x4  }
0x161: {  	v13 =	vld.idx.msk [tilespmem:v13+s2+$0x0], $0xffff;
	_ =	sdelay $0x2  }
0x162: {  	v44, _, _ =	vpop (xrf1)  }
0x163: {  	v17 =	vperm.xlane v44, v2  }
0x164: {  	(xrf1) =	vsort.ascd.msk.f32 $0xffff, v13, v13;
	v45, _, _ =	vpop (xrf1)  }
0x165: {  	v13 =	vadd.s32 s13, v8;
	v17 =	vmax.f32 v45, v17  }
0x166: {  	v46 =	vshll.u32 v13, $0x3;
	(xrf1) =	vsort.ascd.msk.f32 $0xffff, v17, v17  }
0x167: {  	v47 =	vand.u32 $0xFFFFFC00, v46  }
0x168: {  	v13 =	vand.u32 $0x7F, v13;
	v17 =	vadd.s32 v15, v47  }
0x169: {  	v13 =	vor.u32 v13, v17  }
0x16a: {  	v13 =	vor.u32 v26, v13;
	_ =	sdelay $0x4  }
0x16b: {  	v13 =	vld.idx.msk [tilespmem:v13+s2+$0x0], $0xffff;
	_ =	sdelay $0x2  }
0x16c: {  	v48, _, _ =	vpop (xrf1)  }
0x16d: {  	v17 =	vperm.xlane v48, v2  }
0x16e: {  	(xrf1) =	vsort.ascd.msk.f32 $0xffff, v13, v13;
	v49, _, _ =	vpop (xrf1)  }
0x16f: {  	v13 =	vadd.s32 s13, v9;
	v17 =	vmax.f32 v49, v17  }
0x170: {  	v50 =	vshll.u32 v13, $0x3;
	(xrf1) =	vsort.ascd.msk.f32 $0xffff, v17, v17  }
0x171: {  	v51 =	vand.u32 $0xFFFFFC00, v50  }
0x172: {  	v13 =	vand.u32 $0x7F, v13;
	v17 =	vadd.s32 v15, v51  }
0x173: {  	v13 =	vor.u32 v13, v17  }
0x174: {  	v13 =	vor.u32 v26, v13;
	_ =	sdelay $0x4  }
0x175: {  	v13 =	vld.idx.msk [tilespmem:v13+s2+$0x0], $0xffff;
	_ =	sdelay $0x2  }
0x176: {  	v52, _, _ =	vpop (xrf1)  }
0x177: {  	v17 =	vperm.xlane v52, v2  }
0x178: {  	(xrf1) =	vsort.ascd.msk.f32 $0xffff, v13, v13;
	v53, _, _ =	vpop (xrf1)  }
0x179: {  	v13 =	vadd.s32 s13, v10;
	v17 =	vmax.f32 v53, v17  }
0x17a: {  	v54 =	vshll.u32 v13, $0x3;
	(xrf1) =	vsort.ascd.msk.f32 $0xffff, v17, v17  }
0x17b: {  	v55 =	vand.u32 $0xFFFFFC00, v54  }
0x17c: {  	v13 =	vand.u32 $0x7F, v13;
	v17 =	vadd.s32 v15, v55  }
0x17d: {  	v13 =	vor.u32 v13, v17  }
0x17e: {  	v13 =	vor.u32 v26, v13;
	_ =	sdelay $0x4  }
0x17f: {  	v13 =	vld.idx.msk [tilespmem:v13+s2+$0x0], $0xffff;
	_ =	sdelay $0x2  }
0x180: {  	v56, _, _ =	vpop (xrf1)  }
0x181: {  	v17 =	vperm.xlane v56, v2  }
0x182: {  	(xrf1) =	vsort.ascd.msk.f32 $0xffff, v13, v13;
	v57, _, _ =	vpop (xrf1)  }
0x183: {  	v13 =	vadd.s32 s13, v11;
	v17 =	vmax.f32 v57, v17  }
0x184: {  	v58 =	vshll.u32 v13, $0x3;
	(xrf1) =	vsort.ascd.msk.f32 $0xffff, v17, v17  }
0x185: {  	v59 =	vand.u32 $0xFFFFFC00, v58  }
0x186: {  	v13 =	vand.u32 $0x7F, v13;
	v17 =	vadd.s32 v15, v59  }
0x187: {  	v13 =	vor.u32 v13, v17  }
0x188: {  	v13 =	vor.u32 v26, v13;
	_ =	sdelay $0x4  }
0x189: {  	v13 =	vld.idx.msk [tilespmem:v13+s2+$0x0], $0xffff;
	_ =	sdelay $0x2  }
0x18a: {  	v60, _, _ =	vpop (xrf1)  }
0x18b: {  	v17 =	vperm.xlane v60, v2  }
0x18c: {  	v61 =	vadd.s32 s13, v12;
	(xrf1) =	vsort.ascd.msk.f32 $0xffff, v13, v13;
	v19, _, _ =	vpop (xrf1)  }
0x18d: {  	v13 =	vnsel vm0, $0x0, v61;
	v17 =	vmax.f32 v19, v17  }
0x18e: {  	v18 =	vshll.u32 v13, $0x3;
	(xrf1) =	vsort.ascd.msk.f32 $0xffff, v17, v17  }
0x18f: {  	v62 =	vand.u32 $0xFFFFFC00, v18  }
0x190: {  	v13 =	vand.u32 $0x7F, v13;
	v15 =	vadd.s32 v15, v62  }
0x191: {  	v13 =	vor.u32 v13, v15  }
0x192: {  	v13 =	vor.u32 v26, v13;
	_ =	sdelay $0x4  }
0x193: {  	v13 =	vld.idx.msk [tilespmem:v13+s2+$0x0], $0xffff;
	_ =	sdelay $0x2  }
0x194: {  	v15, _, _ =	vpop (xrf1)  }
0x195: {  	v15 =	vperm.xlane v15, v2  }
0x196: {  	(xrf1) =	vsort.ascd.msk.f32 $0xffff, v13, v13;
	v63, _, _ =	vpop (xrf1)  }
0x197: {  	v13 =	vmax.f32 v63, v15  }
0x198: {  	(xrf1) =	vsort.ascd.msk.f32 $0xffff, v13, v13;
	_ =	sdelay $0xb  }
0x199: {  	v13, _, _ =	vpop (xrf1)  }
0x19a: {  	v13 =	vperm.xlane v13, v2  }
0x19b: {  	v15, _, _ =	vpop (xrf1)  }
0x19c: {  	v13 =	vmax.f32 v15, v13  }
0x19d: {  	(xrf1) =	vsort.ascd.msk.f32 $0xffff, v13, v13;
	_ =	sdelay $0x9  }
0x19e: {  	v13 =	vor.u32 v1, v14;
	_ =	sdelay $0x2  }
0x19f: {  	s11 =	sadd.s32 $0x1, s11  }
0x1a0: {  	p0 =	sne.s32 s11, s6;
	v14, _, _ =	vpop (xrf1)  }
.Ltmp1:
0x1a1: {  	[tilespmem:v13+s9+$0x0] =	vst.idx.msk $0xffff, v14;
	(pc) =	sbr.rel @p0 .LBB2_1-.Ltmp1, $4  }
0x1a2: {  	[hbm4b:s4+s2] =	stream.linear.scatter [tilespmem:s9], [sflag:$0x2], $0x2400, $0x38;
	[tilespmem:$0x14400] =	vst v63  }
0x1a3: {  	_ =	swait.ge [sflag:s10], $0x2400  }
0x1a4: {  	[sflag:s10] =	ssyncset.done $0x0  }
0x1a5: {  	[sflag:s10] =	ssyncadd.s32 $0xFFFFDC00  }
0x1a6: {  	_ =	sfence.sel $0x180000  }
0x1a7: {  	[bflag:$0x0] =	sbarrier.arrive $0xFFFF  }
0x1a8: {  	p0 =	sne.s32 s0, $0x0;
	_ =	strace $0x90000047  }
0x1a9: {  	s0 =	sadd.s32 @!p0 $0x100000, s1;
	[bflag:$0x2] =	sbarrier.arrive $0xFFFF  }
0x1aa: {  	[sflag:s0] =	ssyncadd.tile.s32 @!p0 $0x1;
	_ =	shalt  }
.Lfunc_end2:
_tile_overlayer_lowered:
.L_overlay_start_2:
0x1ab: {  	(tag) =	ssettag $0x2  }
0x1ac: {  	s0 =	rddreg [dreg:$0x0];
	s2 =	stileid.u32  }
0x1ad: {  	s1 =	rddreg [dreg:$0x1];
	p0 =	sne.s32 s2, $0x0  }
0x1ae: {  	s3 =	rddreg [dreg:$0x2];
	[bflag:$0x3] =	sbarrier.arrive $0xFFFF;
	s2 =	simm.s32 @!p0 $0x1C02  }
0x1af: {  	[timem:s3], [sflag:s2] =	dma.local @!p0 [hbm:s0], s1  }
0x1b0: {  	s0 =	simm.s32 @!p0 $0x2  }
0x1b1: {  	_ =	swait.ge @!p0 [sflag:s0], s1  }
0x1b2: {  	s1 =	ssub.s32 @!p0 $0x0, s1;
	[sflag:s0] =	ssyncset.done @!p0 $0x0  }
0x1b3: {  	[sflag:s0] =	ssyncadd.s32 @!p0 s1  }
0x1b4: {  	[bflag:$0x3] =	sbarrier.arrive $0xFFFF  }
0x1b5: {  	_ =	shalt  }

</sc_bundles>
